<compile_context>
chip_gen: v7x
topology: tpu7x:2x2x1
jax: 0.10.2.dev20260603
libtpu: 0.0.44.dev20260713+nightly
codegen_flags: <defaults>
</compile_context>

<pallas_src>
import jax
import jax.numpy as jnp
from jax import lax
from jax.experimental import pallas as pl
from jax.experimental.pallas import tpu as pltpu
from jax.experimental.pallas import tpu_sc as plsc

B = 4096
LEN = 200
EMB = 50
EMBP = 64
NUM_ROWS = 100000
NC = 2
NS = 16
NW = NC * NS
RW = B // NW
NBUF = 4
S0, S1 = 104, 96


def _rsqrt(x):
    i = plsc.bitcast(x, jnp.int32)
    i = jnp.int32(0x5F3759DF) - (i >> 1)
    y = plsc.bitcast(i, jnp.float32)
    for _ in range(3):
        y = y * (1.5 - 0.5 * x * y * y)
    return y


CH = 184
NCH = 17
LASTC = (100000 + CH - 1) // CH - 1
NLAST = 100000 - LASTC * CH


def _pad_body(tt1_hbm, ttp_hbm, a1d, ap):
    wid = lax.axis_index("s") * NC + lax.axis_index("c")

    def restride(n):
        def row(r, carry):
            ap[r, pl.ds(0, 16)] = a1d[pl.ds(50 * r, 16)]
            ap[r, pl.ds(16, 16)] = a1d[pl.ds(50 * r + 16, 16)]
            ap[r, pl.ds(32, 16)] = a1d[pl.ds(50 * r + 32, 16)]
            ap[r, pl.ds(48, 16)] = a1d[pl.ds(50 * r + 48, 16)]
            return carry
        lax.fori_loop(0, n, row, 0, unroll=4)

    for src_hbm, dst_hbm in ((tt1_hbm, ttp_hbm),):
        def chunk(j, carry):
            c = wid * NCH + j
            r0 = c * CH

            @pl.when(c < LASTC)
            def _():
                pltpu.sync_copy(src_hbm.at[pl.ds(r0 * 50, CH * 50)],
                                a1d.at[pl.ds(0, CH * 50)])
                restride(CH)
                pltpu.sync_copy(ap, dst_hbm.at[pl.ds(r0, CH)])

            @pl.when(c == LASTC)
            def _():
                pltpu.sync_copy(src_hbm.at[pl.ds(r0 * 50, NLAST * 50)],
                                a1d.at[pl.ds(0, NLAST * 50)])
                restride(NLAST)
                pltpu.sync_copy(ap.at[pl.ds(0, NLAST)],
                                dst_hbm.at[pl.ds(r0, NLAST)])
            return carry
        lax.fori_loop(0, NCH, chunk, 0)


def _sc_body(ft_hbm, tt_hbm, rev_hbm, test_hbm, w_hbm, b_hbm, out_hbm,
             idx_v, tidx_v, test_v, gbuf, dd_v, outb, w_s, b_s,
             sem_t, *gsems):
    wid = lax.axis_index("s") * NC + lax.axis_index("c")
    base = wid * RW

    pltpu.sync_copy(rev_hbm.at[pl.ds(base * LEN, RW * LEN)], idx_v)
    pltpu.sync_copy(test_hbm.at[pl.ds(base, RW)], tidx_v)
    pltpu.sync_copy(w_hbm, w_s)
    pltpu.sync_copy(b_hbm, b_s)
    pltpu.async_copy(tt_hbm.at[tidx_v], test_v, sem_t).wait()

    def issue(i, b):
        pltpu.async_copy(ft_hbm.at[idx_v.at[pl.ds(LEN * i, S0)]],
                         gbuf.at[b, pl.ds(0, S0)], gsems[b])
        pltpu.async_copy(ft_hbm.at[idx_v.at[pl.ds(LEN * i + S0, S1)]],
                         gbuf.at[b, pl.ds(S0, S1)], gsems[b])

    def drain(i, b):
        pltpu.make_async_copy(ft_hbm.at[idx_v.at[pl.ds(LEN * i, S0)]],
                              gbuf.at[b, pl.ds(0, S0)], gsems[b]).wait()
        pltpu.make_async_copy(ft_hbm.at[idx_v.at[pl.ds(LEN * i + S0, S1)]],
                              gbuf.at[b, pl.ds(S0, S1)], gsems[b]).wait()

    lane = lax.iota(jnp.int32, 16)
    padmask = lane < 2

    def compute(i, b):
        zero = jnp.zeros((16,), jnp.float32)

        def acc_body(r, acc):
            a0, a1, a2, a3 = acc
            a0 = a0 + gbuf[b, r, pl.ds(0, 16)]
            a1 = a1 + gbuf[b, r, pl.ds(16, 16)]
            a2 = a2 + gbuf[b, r, pl.ds(32, 16)]
            a3 = a3 + gbuf[b, r, pl.ds(48, 16)]
            return a0, a1, a2, a3

        a0, a1, a2, a3 = lax.fori_loop(0, LEN, acc_body,
                                       (zero, zero, zero, zero), unroll=8)
        t0 = test_v[i, pl.ds(0, 16)]
        t1 = test_v[i, pl.ds(16, 16)]
        t2 = test_v[i, pl.ds(32, 16)]
        t3 = test_v[i, pl.ds(48, 16)]
        a3 = jnp.where(padmask, a3, 0.0)
        t3 = jnp.where(padmask, t3, 0.0)
        d0 = jnp.sum(a0 * t0 + a1 * t1 + a2 * t2 + a3 * t3)
        d1 = jnp.sum(a0 * a0 + a1 * a1 + a2 * a2 + a3 * a3)
        d2 = jnp.sum(t0 * t0 + t1 * t1 + t2 * t2 + t3 * t3)
        v = jnp.where(lane == 0, d0,
                      jnp.where(lane == 1, d1,
                                jnp.where(lane == 2, d2, 0.0)))
        dd_v[i, :] = v

    for b in range(NBUF):
        issue(b, b)

    def step(s, carry):
        for b in range(NBUF):
            i = NBUF * s + b
            drain(i, b)
            compute(i, b)

            @pl.when(i + NBUF < RW)
            def _():
                issue(i + NBUF, b)
        return carry

    lax.fori_loop(0, RW // NBUF, step, 0)

    wv = w_s[...]
    bv = b_s[...]
    for c in range(RW // 16):
        ridx = 16 * c + lane
        e0 = plsc.load_gather(dd_v, [ridx, lane * 0])
        e1 = plsc.load_gather(dd_v, [ridx, lane * 0 + 1])
        e2 = plsc.load_gather(dd_v, [ridx, lane * 0 + 2])
        merged = e0 * _rsqrt(jnp.maximum(e1 * e2, 1e-30))
        z = merged * wv + bv
        outb[pl.ds(16 * c, 16)] = 1.0 / (1.0 + jnp.exp(-z))
    pltpu.sync_copy(outb, out_hbm.at[pl.ds(base, RW)])


@jax.jit
def kernel(revision, test, file_table, test_table, W, b):
    pad_call = pl.kernel(
        _pad_body,
        out_type=jax.ShapeDtypeStruct((NUM_ROWS, EMBP), jnp.float32),
        mesh=plsc.VectorSubcoreMesh(core_axis_name="c", subcore_axis_name="s"),
        compiler_params=pltpu.CompilerParams(needs_layout_passes=False,
                                             use_tc_tiling_on_sc=False),
        scratch_types=[
            pltpu.VMEM((CH * 50 + 16,), jnp.float32),
            pltpu.VMEM((CH, EMBP), jnp.float32),
        ],
    )
    call = pl.kernel(
        _sc_body,
        out_type=jax.ShapeDtypeStruct((B,), jnp.float32),
        mesh=plsc.VectorSubcoreMesh(core_axis_name="c", subcore_axis_name="s"),
        compiler_params=pltpu.CompilerParams(needs_layout_passes=False,
                                             use_tc_tiling_on_sc=False),
        scratch_types=[
            pltpu.VMEM((RW * LEN,), jnp.int32),
            pltpu.VMEM((RW,), jnp.int32),
            pltpu.VMEM((RW, EMBP), jnp.float32),
            pltpu.VMEM((NBUF, LEN, EMBP), jnp.float32),
            pltpu.VMEM((RW, 16), jnp.float32),
            pltpu.VMEM((RW,), jnp.float32),
            pltpu.VMEM((16,), jnp.float32),
            pltpu.VMEM((16,), jnp.float32),
            pltpu.SemaphoreType.DMA,
        ] + [pltpu.SemaphoreType.DMA] * NBUF,
    )
    wv = jnp.full((16,), W[0, 0], jnp.float32)
    bv = jnp.full((16,), b[0], jnp.float32)
    ttp = pad_call(test_table.reshape(-1))
    ftp = jnp.pad(file_table, ((0, 0), (0, EMBP - EMB)))
    out = call(ftp, ttp, revision.astype(jnp.int32).reshape(B * LEN),
               test.astype(jnp.int32).reshape(B), wv, bv)
    return out.reshape(B, 1)

# --- scband reference (transcript-rebuilt; emitter-appended) ---
"""Pipeline reference for scband-nnembeddings-69844758168212 (READ-ONLY COPY).

The authoritative reference and input builder live on the scoring server;
editing this copy changes nothing except your own understanding.
"""

import jax, jax.numpy as jnp
import numpy as np

BATCH = 4096
MAX_LEN = 200
NUM_FILES = 100000
NUM_TESTS = 100000
EMB = 50


def setup_inputs(seed: int = 0) -> dict:
    key = jax.random.key(seed)
    k1, k2, k3, k4, k5 = jax.random.split(key, 5)
    revision = jax.random.randint(k1, (BATCH, MAX_LEN), 0, NUM_FILES, dtype=jnp.int64 if jax.config.jax_enable_x64 else jnp.int32)
    test = jax.random.randint(k2, (BATCH, 1), 0, NUM_TESTS, dtype=jnp.int64 if jax.config.jax_enable_x64 else jnp.int32)
    file_table = jax.random.normal(k3, (NUM_FILES, EMB), dtype=jnp.float32) * 0.05
    test_table = jax.random.normal(k4, (NUM_TESTS, EMB), dtype=jnp.float32) * 0.05
    W = jax.random.normal(k5, (1, 1), dtype=jnp.float32) * 0.05
    b = jnp.zeros((1,), dtype=jnp.float32)
    return {"revision": revision, "test": test, "file_table": file_table, "test_table": test_table, "W": W, "b": b}


def _l2_normalize(x, axis=1, eps=1e-12):
    n = jnp.sqrt(jnp.sum(x * x, axis=axis, keepdims=True))
    return x / jnp.maximum(n, eps)


def reference(revision, test, file_table, test_table, W, b):
    # file_embedding: Embedding lookup -> [B, max_len, emb], GlobalAveragePooling1D -> [B, emb]
    fe = jnp.take(file_table, revision, axis=0)
    fe = jnp.mean(fe, axis=1)
    # test_embedding: Embedding lookup -> [B, 1, emb], GAP -> [B, emb]
    te = jnp.take(test_table, test, axis=0)
    te = jnp.mean(te, axis=1)
    # Dot(normalize=True, axes=1): cosine similarity -> [B, 1]
    fe_n = _l2_normalize(fe, axis=1)
    te_n = _l2_normalize(te, axis=1)
    merged = jnp.sum(fe_n * te_n, axis=1, keepdims=True)
    # Reshape([1]) is identity on [B,1]; Dense(1, sigmoid)
    out = jax.nn.sigmoid(merged @ W + b)
    return out

if __name__ == "__main__":
    import jax
    _d = setup_inputs()
    print(jax.jit(kernel)(*tuple(_d.values())))

</pallas_src>

<mosaic_0001>
#map = affine_map<(d0, d1) -> (0)>
#map1 = affine_map<(d0, d1) -> (0, 0)>
module attributes {stable_mosaic.version = 14 : i64} {
  func.func @_pad_body(%arg0: i32, %arg1: i32, %arg2: memref<5000000xf32, #tpu.memory_space<hbm>>, %arg3: memref<100000x64xf32, #tpu.memory_space<hbm>>, %arg4: memref<9216xf32, #tpu.memory_space<vmem>>, %arg5: memref<184x64xf32, #tpu.memory_space<vmem>>) attributes {dimension_semantics = [#tpu.dimension_semantics<core_parallel>, #tpu.dimension_semantics<subcore_parallel>], iteration_bounds = array<i64: 2, 16>, scalar_prefetch = 0 : i64, scratch_operands = 2 : i64, tpu.core_type = #tpu.core_type<sc_vector_subcore>, window_params = [{transform_indices = #map}, {transform_indices = #map1}]} {
    %mul3A = arith.constant 2 : i32
    %mul3A_0 = arith.muli %arg1, %mul3A : i32
    %add3A = arith.addi %mul3A_0, %arg0 : i32
    %scan3A = arith.constant 0 : i32
    %scan3A_1 = arith.constant 0 : i32
    %scan3A_2 = arith.constant 17 : i32
    %scan3A_3 = arith.addi %scan3A_1, %scan3A_2 : i32
    %scan3A_4 = arith.constant 1 : i32
    scf.for %scan3A_6 = %scan3A_1 to %scan3A_3 step %scan3A_4  : i32 {
      %mul3A_7 = arith.constant 17 : i32
      %mul3A_8 = arith.muli %add3A, %mul3A_7 : i32
      %add3A_9 = arith.addi %mul3A_8, %scan3A_6 : i32
      %mul3A_10 = arith.constant 184 : i32
      %mul3A_11 = arith.muli %add3A_9, %mul3A_10 : i32
      %lt3A = arith.constant 543 : i32
      %lt3A_12 = arith.cmpi slt, %add3A_9, %lt3A : i32
      %convert_element_type3A = arith.extui %lt3A_12 : i1 to i32
      %cond3A = arith.constant 0 : i32
      %cond3A_13 = arith.cmpi ne, %convert_element_type3A, %cond3A : i32
      scf.if %cond3A_13 {
        %mul3A_18 = arith.constant 50 : i32
        %mul3A_19 = arith.muli %mul3A_11, %mul3A_18 : i32
        "tpu.region"() ({
          %run_scoped3A = tpu.sem_alloc : memref<!tpu.dma_semaphore, #tpu.memory_space<semaphore_mem>>
          %dma_start3A = arith.constant 0 : i32
          %dma_start3A_26 = tpu.memref_slice %arg4[%dma_start3A] : memref<9216xf32, #tpu.memory_space<vmem>> -> memref<9200xf32, #tpu.memory_space<vmem>>
          %dma_start3A_27 = tpu.memref_slice %arg2[%mul3A_19] : memref<5000000xf32, #tpu.memory_space<hbm>> -> memref<9200xf32, #tpu.memory_space<hbm>>
          %dma_start3A_28 = arith.constant 0 : i32
          %dma_start3A_29 = tpu.memref_slice %arg4[%dma_start3A_28] : memref<9216xf32, #tpu.memory_space<vmem>> -> memref<9200xf32, #tpu.memory_space<vmem>>
          %dma_start3A_30 = tpu.memref_slice %arg2[%mul3A_19] : memref<5000000xf32, #tpu.memory_space<hbm>> -> memref<9200xf32, #tpu.memory_space<hbm>>
          tpu.enqueue_dma source(%dma_start3A_30 : memref<9200xf32, #tpu.memory_space<hbm>>) target(%dma_start3A_29 : memref<9200xf32, #tpu.memory_space<vmem>>) target_semaphore(%run_scoped3A : memref<!tpu.dma_semaphore, #tpu.memory_space<semaphore_mem>>)
          %dma_wait3A = arith.constant 0 : i32
          %dma_wait3A_31 = tpu.memref_slice %arg4[%dma_wait3A] : memref<9216xf32, #tpu.memory_space<vmem>> -> memref<9200xf32, #tpu.memory_space<vmem>>
          %dma_wait3A_32 = tpu.memref_slice %arg2[%mul3A_19] : memref<5000000xf32, #tpu.memory_space<hbm>> -> memref<9200xf32, #tpu.memory_space<hbm>>
          %dma_wait3A_33 = arith.constant 0 : i32
          %dma_wait3A_34 = tpu.memref_slice %arg4[%dma_wait3A_33] : memref<9216xf32, #tpu.memory_space<vmem>> -> memref<9200xf32, #tpu.memory_space<vmem>>
          %dma_wait3A_35 = tpu.memref_slice %arg2[%mul3A_19] : memref<5000000xf32, #tpu.memory_space<hbm>> -> memref<9200xf32, #tpu.memory_space<hbm>>
          tpu.wait_dma2 semaphore(%run_scoped3A : memref<!tpu.dma_semaphore, #tpu.memory_space<semaphore_mem>>) src(%dma_wait3A_35 : memref<9200xf32, #tpu.memory_space<hbm>>) dst(%dma_wait3A_34 : memref<9200xf32, #tpu.memory_space<vmem>>)
          tpu.yield
        }) : () -> ()
        %scan3A_20 = arith.constant 0 : i32
        %scan3A_21 = arith.constant 0 : i32
        %scan3A_22 = arith.constant 184 : i32
        %scan3A_23 = arith.addi %scan3A_21, %scan3A_22 : i32
        %scan3A_24 = arith.constant 4 : i32
        scf.for %scan3A_26 = %scan3A_21 to %scan3A_23 step %scan3A_24  : i32 {
          %mul3A_27 = arith.constant 50 : i32
          %mul3A_28 = arith.muli %mul3A_27, %scan3A_26 : i32
          %get3A = arith.index_cast %mul3A_28 : i32 to index
          %get3A_29 = tpu.vector_load %arg4[%get3A] {strides = array<i32>} : memref<9216xf32, #tpu.memory_space<vmem>>, vector<16xf32>,
          %swap3A = arith.index_cast %scan3A_26 : i32 to index
          %swap3A_30 = arith.constant 0 : index
          %swap3A_31 = tpu.vector_load %arg5[%swap3A, %swap3A_30] {strides = array<i32>} : memref<184x64xf32, #tpu.memory_space<vmem>>, vector<16xf32>,
          tpu.vector_store %arg5[%swap3A, %swap3A_30], %get3A_29 {strides = array<i32>} : memref<184x64xf32, #tpu.memory_space<vmem>>, vector<16xf32>,
          %mul3A_32 = arith.constant 50 : i32
          %mul3A_33 = arith.muli %mul3A_32, %scan3A_26 : i32
          %add3A_34 = arith.constant 16 : i32
          %add3A_35 = arith.addi %mul3A_33, %add3A_34 : i32
          %get3A_36 = arith.index_cast %add3A_35 : i32 to index
          %get3A_37 = tpu.vector_load %arg4[%get3A_36] {strides = array<i32>} : memref<9216xf32, #tpu.memory_space<vmem>>, vector<16xf32>,
          %swap3A_38 = arith.index_cast %scan3A_26 : i32 to index
          %swap3A_39 = arith.constant 16 : index
          %swap3A_40 = tpu.vector_load %arg5[%swap3A_38, %swap3A_39] {strides = array<i32>} : memref<184x64xf32, #tpu.memory_space<vmem>>, vector<16xf32>,
          tpu.vector_store %arg5[%swap3A_38, %swap3A_39], %get3A_37 {strides = array<i32>} : memref<184x64xf32, #tpu.memory_space<vmem>>, vector<16xf32>,
          %mul3A_41 = arith.constant 50 : i32
          %mul3A_42 = arith.muli %mul3A_41, %scan3A_26 : i32
          %add3A_43 = arith.constant 32 : i32
          %add3A_44 = arith.addi %mul3A_42, %add3A_43 : i32
          %get3A_45 = arith.index_cast %add3A_44 : i32 to index
          %get3A_46 = tpu.vector_load %arg4[%get3A_45] {strides = array<i32>} : memref<9216xf32, #tpu.memory_space<vmem>>, vector<16xf32>,
          %swap3A_47 = arith.index_cast %scan3A_26 : i32 to index
          %swap3A_48 = arith.constant 32 : index
          %swap3A_49 = tpu.vector_load %arg5[%swap3A_47, %swap3A_48] {strides = array<i32>} : memref<184x64xf32, #tpu.memory_space<vmem>>, vector<16xf32>,
          tpu.vector_store %arg5[%swap3A_47, %swap3A_48], %get3A_46 {strides = array<i32>} : memref<184x64xf32, #tpu.memory_space<vmem>>, vector<16xf32>,
          %mul3A_50 = arith.constant 50 : i32
          %mul3A_51 = arith.muli %mul3A_50, %scan3A_26 : i32
          %add3A_52 = arith.constant 48 : i32
          %add3A_53 = arith.addi %mul3A_51, %add3A_52 : i32
          %get3A_54 = arith.index_cast %add3A_53 : i32 to index
          %get3A_55 = tpu.vector_load %arg4[%get3A_54] {strides = array<i32>} : memref<9216xf32, #tpu.memory_space<vmem>>, vector<16xf32>,
          %swap3A_56 = arith.index_cast %scan3A_26 : i32 to index
          %swap3A_57 = arith.constant 48 : index
          %swap3A_58 = tpu.vector_load %arg5[%swap3A_56, %swap3A_57] {strides = array<i32>} : memref<184x64xf32, #tpu.memory_space<vmem>>, vector<16xf32>,
          tpu.vector_store %arg5[%swap3A_56, %swap3A_57], %get3A_55 {strides = array<i32>} : memref<184x64xf32, #tpu.memory_space<vmem>>, vector<16xf32>,
          %scan3A_59 = arith.constant 1 : i32
          %scan3A_60 = arith.addi %scan3A_26, %scan3A_59 : i32
          %mul3A_61 = arith.constant 50 : i32
          %mul3A_62 = arith.muli %mul3A_61, %scan3A_60 : i32
          %get3A_63 = arith.index_cast %mul3A_62 : i32 to index
          %get3A_64 = tpu.vector_load %arg4[%get3A_63] {strides = array<i32>} : memref<9216xf32, #tpu.memory_space<vmem>>, vector<16xf32>,
          %swap3A_65 = arith.index_cast %scan3A_60 : i32 to index
          %swap3A_66 = arith.constant 0 : index
          %swap3A_67 = tpu.vector_load %arg5[%swap3A_65, %swap3A_66] {strides = array<i32>} : memref<184x64xf32, #tpu.memory_space<vmem>>, vector<16xf32>,
          tpu.vector_store %arg5[%swap3A_65, %swap3A_66], %get3A_64 {strides = array<i32>} : memref<184x64xf32, #tpu.memory_space<vmem>>, vector<16xf32>,
          %mul3A_68 = arith.constant 50 : i32
          %mul3A_69 = arith.muli %mul3A_68, %scan3A_60 : i32
          %add3A_70 = arith.constant 16 : i32
          %add3A_71 = arith.addi %mul3A_69, %add3A_70 : i32
          %get3A_72 = arith.index_cast %add3A_71 : i32 to index
          %get3A_73 = tpu.vector_load %arg4[%get3A_72] {strides = array<i32>} : memref<9216xf32, #tpu.memory_space<vmem>>, vector<16xf32>,
          %swap3A_74 = arith.index_cast %scan3A_60 : i32 to index
          %swap3A_75 = arith.constant 16 : index
          %swap3A_76 = tpu.vector_load %arg5[%swap3A_74, %swap3A_75] {strides = array<i32>} : memref<184x64xf32, #tpu.memory_space<vmem>>, vector<16xf32>,
          tpu.vector_store %arg5[%swap3A_74, %swap3A_75], %get3A_73 {strides = array<i32>} : memref<184x64xf32, #tpu.memory_space<vmem>>, vector<16xf32>,
          %mul3A_77 = arith.constant 50 : i32
          %mul3A_78 = arith.muli %mul3A_77, %scan3A_60 : i32
          %add3A_79 = arith.constant 32 : i32
          %add3A_80 = arith.addi %mul3A_78, %add3A_79 : i32
          %get3A_81 = arith.index_cast %add3A_80 : i32 to index
          %get3A_82 = tpu.vector_load %arg4[%get3A_81] {strides = array<i32>} : memref<9216xf32, #tpu.memory_space<vmem>>, vector<16xf32>,
          %swap3A_83 = arith.index_cast %scan3A_60 : i32 to index
          %swap3A_84 = arith.constant 32 : index
          %swap3A_85 = tpu.vector_load %arg5[%swap3A_83, %swap3A_84] {strides = array<i32>} : memref<184x64xf32, #tpu.memory_space<vmem>>, vector<16xf32>,
          tpu.vector_store %arg5[%swap3A_83, %swap3A_84], %get3A_82 {strides = array<i32>} : memref<184x64xf32, #tpu.memory_space<vmem>>, vector<16xf32>,
          %mul3A_86 = arith.constant 50 : i32
          %mul3A_87 = arith.muli %mul3A_86, %scan3A_60 : i32
          %add3A_88 = arith.constant 48 : i32
          %add3A_89 = arith.addi %mul3A_87, %add3A_88 : i32
          %get3A_90 = arith.index_cast %add3A_89 : i32 to index
          %get3A_91 = tpu.vector_load %arg4[%get3A_90] {strides = array<i32>} : memref<9216xf32, #tpu.memory_space<vmem>>, vector<16xf32>,
          %swap3A_92 = arith.index_cast %scan3A_60 : i32 to index
          %swap3A_93 = arith.constant 48 : index
          %swap3A_94 = tpu.vector_load %arg5[%swap3A_92, %swap3A_93] {strides = array<i32>} : memref<184x64xf32, #tpu.memory_space<vmem>>, vector<16xf32>,
          tpu.vector_store %arg5[%swap3A_92, %swap3A_93], %get3A_91 {strides = array<i32>} : memref<184x64xf32, #tpu.memory_space<vmem>>, vector<16xf32>,
          %scan3A_95 = arith.constant 2 : i32
          %scan3A_96 = arith.addi %scan3A_26, %scan3A_95 : i32
          %mul3A_97 = arith.constant 50 : i32
          %mul3A_98 = arith.muli %mul3A_97, %scan3A_96 : i32
          %get3A_99 = arith.index_cast %mul3A_98 : i32 to index
          %get3A_100 = tpu.vector_load %arg4[%get3A_99] {strides = array<i32>} : memref<9216xf32, #tpu.memory_space<vmem>>, vector<16xf32>,
          %swap3A_101 = arith.index_cast %scan3A_96 : i32 to index
          %swap3A_102 = arith.constant 0 : index
          %swap3A_103 = tpu.vector_load %arg5[%swap3A_101, %swap3A_102] {strides = array<i32>} : memref<184x64xf32, #tpu.memory_space<vmem>>, vector<16xf32>,
          tpu.vector_store %arg5[%swap3A_101, %swap3A_102], %get3A_100 {strides = array<i32>} : memref<184x64xf32, #tpu.memory_space<vmem>>, vector<16xf32>,
          %mul3A_104 = arith.constant 50 : i32
          %mul3A_105 = arith.muli %mul3A_104, %scan3A_96 : i32
          %add3A_106 = arith.constant 16 : i32
          %add3A_107 = arith.addi %mul3A_105, %add3A_106 : i32
          %get3A_108 = arith.index_cast %add3A_107 : i32 to index
          %get3A_109 = tpu.vector_load %arg4[%get3A_108] {strides = array<i32>} : memref<9216xf32, #tpu.memory_space<vmem>>, vector<16xf32>,
          %swap3A_110 = arith.index_cast %scan3A_96 : i32 to index
          %swap3A_111 = arith.constant 16 : index
          %swap3A_112 = tpu.vector_load %arg5[%swap3A_110, %swap3A_111] {strides = array<i32>} : memref<184x64xf32, #tpu.memory_space<vmem>>, vector<16xf32>,
          tpu.vector_store %arg5[%swap3A_110, %swap3A_111], %get3A_109 {strides = array<i32>} : memref<184x64xf32, #tpu.memory_space<vmem>>, vector<16xf32>,
          %mul3A_113 = arith.constant 50 : i32
          %mul3A_114 = arith.muli %mul3A_113, %scan3A_96 : i32
          %add3A_115 = arith.constant 32 : i32
          %add3A_116 = arith.addi %mul3A_114, %add3A_115 : i32
          %get3A_117 = arith.index_cast %add3A_116 : i32 to index
          %get3A_118 = tpu.vector_load %arg4[%get3A_117] {strides = array<i32>} : memref<9216xf32, #tpu.memory_space<vmem>>, vector<16xf32>,
          %swap3A_119 = arith.index_cast %scan3A_96 : i32 to index
          %swap3A_120 = arith.constant 32 : index
          %swap3A_121 = tpu.vector_load %arg5[%swap3A_119, %swap3A_120] {strides = array<i32>} : memref<184x64xf32, #tpu.memory_space<vmem>>, vector<16xf32>,
          tpu.vector_store %arg5[%swap3A_119, %swap3A_120], %get3A_118 {strides = array<i32>} : memref<184x64xf32, #tpu.memory_space<vmem>>, vector<16xf32>,
          %mul3A_122 = arith.constant 50 : i32
          %mul3A_123 = arith.muli %mul3A_122, %scan3A_96 : i32
          %add3A_124 = arith.constant 48 : i32
          %add3A_125 = arith.addi %mul3A_123, %add3A_124 : i32
          %get3A_126 = arith.index_cast %add3A_125 : i32 to index
          %get3A_127 = tpu.vector_load %arg4[%get3A_126] {strides = array<i32>} : memref<9216xf32, #tpu.memory_space<vmem>>, vector<16xf32>,
          %swap3A_128 = arith.index_cast %scan3A_96 : i32 to index
          %swap3A_129 = arith.constant 48 : index
          %swap3A_130 = tpu.vector_load %arg5[%swap3A_128, %swap3A_129] {strides = array<i32>} : memref<184x64xf32, #tpu.memory_space<vmem>>, vector<16xf32>,
          tpu.vector_store %arg5[%swap3A_128, %swap3A_129], %get3A_127 {strides = array<i32>} : memref<184x64xf32, #tpu.memory_space<vmem>>, vector<16xf32>,
          %scan3A_131 = arith.constant 3 : i32
          %scan3A_132 = arith.addi %scan3A_26, %scan3A_131 : i32
          %mul3A_133 = arith.constant 50 : i32
          %mul3A_134 = arith.muli %mul3A_133, %scan3A_132 : i32
          %get3A_135 = arith.index_cast %mul3A_134 : i32 to index
          %get3A_136 = tpu.vector_load %arg4[%get3A_135] {strides = array<i32>} : memref<9216xf32, #tpu.memory_space<vmem>>, vector<16xf32>,
          %swap3A_137 = arith.index_cast %scan3A_132 : i32 to index
          %swap3A_138 = arith.constant 0 : index
          %swap3A_139 = tpu.vector_load %arg5[%swap3A_137, %swap3A_138] {strides = array<i32>} : memref<184x64xf32, #tpu.memory_space<vmem>>, vector<16xf32>,
          tpu.vector_store %arg5[%swap3A_137, %swap3A_138], %get3A_136 {strides = array<i32>} : memref<184x64xf32, #tpu.memory_space<vmem>>, vector<16xf32>,
          %mul3A_140 = arith.constant 50 : i32
          %mul3A_141 = arith.muli %mul3A_140, %scan3A_132 : i32
          %add3A_142 = arith.constant 16 : i32
          %add3A_143 = arith.addi %mul3A_141, %add3A_142 : i32
          %get3A_144 = arith.index_cast %add3A_143 : i32 to index
          %get3A_145 = tpu.vector_load %arg4[%get3A_144] {strides = array<i32>} : memref<9216xf32, #tpu.memory_space<vmem>>, vector<16xf32>,
          %swap3A_146 = arith.index_cast %scan3A_132 : i32 to index
          %swap3A_147 = arith.constant 16 : index
          %swap3A_148 = tpu.vector_load %arg5[%swap3A_146, %swap3A_147] {strides = array<i32>} : memref<184x64xf32, #tpu.memory_space<vmem>>, vector<16xf32>,
          tpu.vector_store %arg5[%swap3A_146, %swap3A_147], %get3A_145 {strides = array<i32>} : memref<184x64xf32, #tpu.memory_space<vmem>>, vector<16xf32>,
          %mul3A_149 = arith.constant 50 : i32
          %mul3A_150 = arith.muli %mul3A_149, %scan3A_132 : i32
          %add3A_151 = arith.constant 32 : i32
          %add3A_152 = arith.addi %mul3A_150, %add3A_151 : i32
          %get3A_153 = arith.index_cast %add3A_152 : i32 to index
          %get3A_154 = tpu.vector_load %arg4[%get3A_153] {strides = array<i32>} : memref<9216xf32, #tpu.memory_space<vmem>>, vector<16xf32>,
          %swap3A_155 = arith.index_cast %scan3A_132 : i32 to index
          %swap3A_156 = arith.constant 32 : index
          %swap3A_157 = tpu.vector_load %arg5[%swap3A_155, %swap3A_156] {strides = array<i32>} : memref<184x64xf32, #tpu.memory_space<vmem>>, vector<16xf32>,
          tpu.vector_store %arg5[%swap3A_155, %swap3A_156], %get3A_154 {strides = array<i32>} : memref<184x64xf32, #tpu.memory_space<vmem>>, vector<16xf32>,
          %mul3A_158 = arith.constant 50 : i32
          %mul3A_159 = arith.muli %mul3A_158, %scan3A_132 : i32
          %add3A_160 = arith.constant 48 : i32
          %add3A_161 = arith.addi %mul3A_159, %add3A_160 : i32
          %get3A_162 = arith.index_cast %add3A_161 : i32 to index
          %get3A_163 = tpu.vector_load %arg4[%get3A_162] {strides = array<i32>} : memref<9216xf32, #tpu.memory_space<vmem>>, vector<16xf32>,
          %swap3A_164 = arith.index_cast %scan3A_132 : i32 to index
          %swap3A_165 = arith.constant 48 : index
          %swap3A_166 = tpu.vector_load %arg5[%swap3A_164, %swap3A_165] {strides = array<i32>} : memref<184x64xf32, #tpu.memory_space<vmem>>, vector<16xf32>,
          tpu.vector_store %arg5[%swap3A_164, %swap3A_165], %get3A_163 {strides = array<i32>} : memref<184x64xf32, #tpu.memory_space<vmem>>, vector<16xf32>,
        }
        %scan3A_25 = arith.constant 184 : i32
        "tpu.region"() ({
          %run_scoped3A = tpu.sem_alloc : memref<!tpu.dma_semaphore, #tpu.memory_space<semaphore_mem>>
          %dma_start3A = arith.constant 0 : i32
          %dma_start3A_26 = tpu.memref_slice %arg3[%mul3A_11, %dma_start3A] : memref<100000x64xf32, #tpu.memory_space<hbm>> -> memref<184x64xf32, #tpu.memory_space<hbm>>
          %dma_start3A_27 = arith.constant 0 : i32
          %dma_start3A_28 = tpu.memref_slice %arg3[%mul3A_11, %dma_start3A_27] : memref<100000x64xf32, #tpu.memory_space<hbm>> -> memref<184x64xf32, #tpu.memory_space<hbm>>
          tpu.enqueue_dma source(%arg5 : memref<184x64xf32, #tpu.memory_space<vmem>>) target(%dma_start3A_28 : memref<184x64xf32, #tpu.memory_space<hbm>>) target_semaphore(%run_scoped3A : memref<!tpu.dma_semaphore, #tpu.memory_space<semaphore_mem>>)
          %dma_wait3A = arith.constant 0 : i32
          %dma_wait3A_29 = tpu.memref_slice %arg3[%mul3A_11, %dma_wait3A] : memref<100000x64xf32, #tpu.memory_space<hbm>> -> memref<184x64xf32, #tpu.memory_space<hbm>>
          %dma_wait3A_30 = arith.constant 0 : i32
          %dma_wait3A_31 = tpu.memref_slice %arg3[%mul3A_11, %dma_wait3A_30] : memref<100000x64xf32, #tpu.memory_space<hbm>> -> memref<184x64xf32, #tpu.memory_space<hbm>>
          tpu.wait_dma2 semaphore(%run_scoped3A : memref<!tpu.dma_semaphore, #tpu.memory_space<semaphore_mem>>) src(%arg5 : memref<184x64xf32, #tpu.memory_space<vmem>>) dst(%dma_wait3A_31 : memref<184x64xf32, #tpu.memory_space<hbm>>)
          tpu.yield
        }) : () -> ()
      } else {
      }
      %eq3A = arith.constant 543 : i32
      %eq3A_14 = arith.cmpi eq, %add3A_9, %eq3A : i32
      %convert_element_type3A_15 = arith.extui %eq3A_14 : i1 to i32
      %cond3A_16 = arith.constant 0 : i32
      %cond3A_17 = arith.cmpi ne, %convert_element_type3A_15, %cond3A_16 : i32
      scf.if %cond3A_17 {
        %mul3A_18 = arith.constant 50 : i32
        %mul3A_19 = arith.muli %mul3A_11, %mul3A_18 : i32
        "tpu.region"() ({
          %run_scoped3A = tpu.sem_alloc : memref<!tpu.dma_semaphore, #tpu.memory_space<semaphore_mem>>
          %dma_start3A = arith.constant 0 : i32
          %dma_start3A_26 = tpu.memref_slice %arg4[%dma_start3A] : memref<9216xf32, #tpu.memory_space<vmem>> -> memref<4400xf32, #tpu.memory_space<vmem>>
          %dma_start3A_27 = tpu.memref_slice %arg2[%mul3A_19] : memref<5000000xf32, #tpu.memory_space<hbm>> -> memref<4400xf32, #tpu.memory_space<hbm>>
          %dma_start3A_28 = arith.constant 0 : i32
          %dma_start3A_29 = tpu.memref_slice %arg4[%dma_start3A_28] : memref<9216xf32, #tpu.memory_space<vmem>> -> memref<4400xf32, #tpu.memory_space<vmem>>
          %dma_start3A_30 = tpu.memref_slice %arg2[%mul3A_19] : memref<5000000xf32, #tpu.memory_space<hbm>> -> memref<4400xf32, #tpu.memory_space<hbm>>
          tpu.enqueue_dma source(%dma_start3A_30 : memref<4400xf32, #tpu.memory_space<hbm>>) target(%dma_start3A_29 : memref<4400xf32, #tpu.memory_space<vmem>>) target_semaphore(%run_scoped3A : memref<!tpu.dma_semaphore, #tpu.memory_space<semaphore_mem>>)
          %dma_wait3A = arith.constant 0 : i32
          %dma_wait3A_31 = tpu.memref_slice %arg4[%dma_wait3A] : memref<9216xf32, #tpu.memory_space<vmem>> -> memref<4400xf32, #tpu.memory_space<vmem>>
          %dma_wait3A_32 = tpu.memref_slice %arg2[%mul3A_19] : memref<5000000xf32, #tpu.memory_space<hbm>> -> memref<4400xf32, #tpu.memory_space<hbm>>
          %dma_wait3A_33 = arith.constant 0 : i32
          %dma_wait3A_34 = tpu.memref_slice %arg4[%dma_wait3A_33] : memref<9216xf32, #tpu.memory_space<vmem>> -> memref<4400xf32, #tpu.memory_space<vmem>>
          %dma_wait3A_35 = tpu.memref_slice %arg2[%mul3A_19] : memref<5000000xf32, #tpu.memory_space<hbm>> -> memref<4400xf32, #tpu.memory_space<hbm>>
          tpu.wait_dma2 semaphore(%run_scoped3A : memref<!tpu.dma_semaphore, #tpu.memory_space<semaphore_mem>>) src(%dma_wait3A_35 : memref<4400xf32, #tpu.memory_space<hbm>>) dst(%dma_wait3A_34 : memref<4400xf32, #tpu.memory_space<vmem>>)
          tpu.yield
        }) : () -> ()
        %scan3A_20 = arith.constant 0 : i32
        %scan3A_21 = arith.constant 0 : i32
        %scan3A_22 = arith.constant 88 : i32
        %scan3A_23 = arith.addi %scan3A_21, %scan3A_22 : i32
        %scan3A_24 = arith.constant 4 : i32
        scf.for %scan3A_26 = %scan3A_21 to %scan3A_23 step %scan3A_24  : i32 {
          %mul3A_27 = arith.constant 50 : i32
          %mul3A_28 = arith.muli %mul3A_27, %scan3A_26 : i32
          %get3A = arith.index_cast %mul3A_28 : i32 to index
          %get3A_29 = tpu.vector_load %arg4[%get3A] {strides = array<i32>} : memref<9216xf32, #tpu.memory_space<vmem>>, vector<16xf32>,
          %swap3A = arith.index_cast %scan3A_26 : i32 to index
          %swap3A_30 = arith.constant 0 : index
          %swap3A_31 = tpu.vector_load %arg5[%swap3A, %swap3A_30] {strides = array<i32>} : memref<184x64xf32, #tpu.memory_space<vmem>>, vector<16xf32>,
          tpu.vector_store %arg5[%swap3A, %swap3A_30], %get3A_29 {strides = array<i32>} : memref<184x64xf32, #tpu.memory_space<vmem>>, vector<16xf32>,
          %mul3A_32 = arith.constant 50 : i32
          %mul3A_33 = arith.muli %mul3A_32, %scan3A_26 : i32
          %add3A_34 = arith.constant 16 : i32
          %add3A_35 = arith.addi %mul3A_33, %add3A_34 : i32
          %get3A_36 = arith.index_cast %add3A_35 : i32 to index
          %get3A_37 = tpu.vector_load %arg4[%get3A_36] {strides = array<i32>} : memref<9216xf32, #tpu.memory_space<vmem>>, vector<16xf32>,
          %swap3A_38 = arith.index_cast %scan3A_26 : i32 to index
          %swap3A_39 = arith.constant 16 : index
          %swap3A_40 = tpu.vector_load %arg5[%swap3A_38, %swap3A_39] {strides = array<i32>} : memref<184x64xf32, #tpu.memory_space<vmem>>, vector<16xf32>,
          tpu.vector_store %arg5[%swap3A_38, %swap3A_39], %get3A_37 {strides = array<i32>} : memref<184x64xf32, #tpu.memory_space<vmem>>, vector<16xf32>,
          %mul3A_41 = arith.constant 50 : i32
          %mul3A_42 = arith.muli %mul3A_41, %scan3A_26 : i32
          %add3A_43 = arith.constant 32 : i32
          %add3A_44 = arith.addi %mul3A_42, %add3A_43 : i32
          %get3A_45 = arith.index_cast %add3A_44 : i32 to index
          %get3A_46 = tpu.vector_load %arg4[%get3A_45] {strides = array<i32>} : memref<9216xf32, #tpu.memory_space<vmem>>, vector<16xf32>,
          %swap3A_47 = arith.index_cast %scan3A_26 : i32 to index
          %swap3A_48 = arith.constant 32 : index
          %swap3A_49 = tpu.vector_load %arg5[%swap3A_47, %swap3A_48] {strides = array<i32>} : memref<184x64xf32, #tpu.memory_space<vmem>>, vector<16xf32>,
          tpu.vector_store %arg5[%swap3A_47, %swap3A_48], %get3A_46 {strides = array<i32>} : memref<184x64xf32, #tpu.memory_space<vmem>>, vector<16xf32>,
          %mul3A_50 = arith.constant 50 : i32
          %mul3A_51 = arith.muli %mul3A_50, %scan3A_26 : i32
          %add3A_52 = arith.constant 48 : i32
          %add3A_53 = arith.addi %mul3A_51, %add3A_52 : i32
          %get3A_54 = arith.index_cast %add3A_53 : i32 to index
          %get3A_55 = tpu.vector_load %arg4[%get3A_54] {strides = array<i32>} : memref<9216xf32, #tpu.memory_space<vmem>>, vector<16xf32>,
          %swap3A_56 = arith.index_cast %scan3A_26 : i32 to index
          %swap3A_57 = arith.constant 48 : index
          %swap3A_58 = tpu.vector_load %arg5[%swap3A_56, %swap3A_57] {strides = array<i32>} : memref<184x64xf32, #tpu.memory_space<vmem>>, vector<16xf32>,
          tpu.vector_store %arg5[%swap3A_56, %swap3A_57], %get3A_55 {strides = array<i32>} : memref<184x64xf32, #tpu.memory_space<vmem>>, vector<16xf32>,
          %scan3A_59 = arith.constant 1 : i32
          %scan3A_60 = arith.addi %scan3A_26, %scan3A_59 : i32
          %mul3A_61 = arith.constant 50 : i32
          %mul3A_62 = arith.muli %mul3A_61, %scan3A_60 : i32
          %get3A_63 = arith.index_cast %mul3A_62 : i32 to index
          %get3A_64 = tpu.vector_load %arg4[%get3A_63] {strides = array<i32>} : memref<9216xf32, #tpu.memory_space<vmem>>, vector<16xf32>,
          %swap3A_65 = arith.index_cast %scan3A_60 : i32 to index
          %swap3A_66 = arith.constant 0 : index
          %swap3A_67 = tpu.vector_load %arg5[%swap3A_65, %swap3A_66] {strides = array<i32>} : memref<184x64xf32, #tpu.memory_space<vmem>>, vector<16xf32>,
          tpu.vector_store %arg5[%swap3A_65, %swap3A_66], %get3A_64 {strides = array<i32>} : memref<184x64xf32, #tpu.memory_space<vmem>>, vector<16xf32>,
          %mul3A_68 = arith.constant 50 : i32
          %mul3A_69 = arith.muli %mul3A_68, %scan3A_60 : i32
          %add3A_70 = arith.constant 16 : i32
          %add3A_71 = arith.addi %mul3A_69, %add3A_70 : i32
          %get3A_72 = arith.index_cast %add3A_71 : i32 to index
          %get3A_73 = tpu.vector_load %arg4[%get3A_72] {strides = array<i32>} : memref<9216xf32, #tpu.memory_space<vmem>>, vector<16xf32>,
          %swap3A_74 = arith.index_cast %scan3A_60 : i32 to index
          %swap3A_75 = arith.constant 16 : index
          %swap3A_76 = tpu.vector_load %arg5[%swap3A_74, %swap3A_75] {strides = array<i32>} : memref<184x64xf32, #tpu.memory_space<vmem>>, vector<16xf32>,
          tpu.vector_store %arg5[%swap3A_74, %swap3A_75], %get3A_73 {strides = array<i32>} : memref<184x64xf32, #tpu.memory_space<vmem>>, vector<16xf32>,
          %mul3A_77 = arith.constant 50 : i32
          %mul3A_78 = arith.muli %mul3A_77, %scan3A_60 : i32
          %add3A_79 = arith.constant 32 : i32
          %add3A_80 = arith.addi %mul3A_78, %add3A_79 : i32
          %get3A_81 = arith.index_cast %add3A_80 : i32 to index
          %get3A_82 = tpu.vector_load %arg4[%get3A_81] {strides = array<i32>} : memref<9216xf32, #tpu.memory_space<vmem>>, vector<16xf32>,
          %swap3A_83 = arith.index_cast %scan3A_60 : i32 to index
          %swap3A_84 = arith.constant 32 : index
          %swap3A_85 = tpu.vector_load %arg5[%swap3A_83, %swap3A_84] {strides = array<i32>} : memref<184x64xf32, #tpu.memory_space<vmem>>, vector<16xf32>,
          tpu.vector_store %arg5[%swap3A_83, %swap3A_84], %get3A_82 {strides = array<i32>} : memref<184x64xf32, #tpu.memory_space<vmem>>, vector<16xf32>,
          %mul3A_86 = arith.constant 50 : i32
          %mul3A_87 = arith.muli %mul3A_86, %scan3A_60 : i32
          %add3A_88 = arith.constant 48 : i32
          %add3A_89 = arith.addi %mul3A_87, %add3A_88 : i32
          %get3A_90 = arith.index_cast %add3A_89 : i32 to index
          %get3A_91 = tpu.vector_load %arg4[%get3A_90] {strides = array<i32>} : memref<9216xf32, #tpu.memory_space<vmem>>, vector<16xf32>,
          %swap3A_92 = arith.index_cast %scan3A_60 : i32 to index
          %swap3A_93 = arith.constant 48 : index
          %swap3A_94 = tpu.vector_load %arg5[%swap3A_92, %swap3A_93] {strides = array<i32>} : memref<184x64xf32, #tpu.memory_space<vmem>>, vector<16xf32>,
          tpu.vector_store %arg5[%swap3A_92, %swap3A_93], %get3A_91 {strides = array<i32>} : memref<184x64xf32, #tpu.memory_space<vmem>>, vector<16xf32>,
          %scan3A_95 = arith.constant 2 : i32
          %scan3A_96 = arith.addi %scan3A_26, %scan3A_95 : i32
          %mul3A_97 = arith.constant 50 : i32
          %mul3A_98 = arith.muli %mul3A_97, %scan3A_96 : i32
          %get3A_99 = arith.index_cast %mul3A_98 : i32 to index
          %get3A_100 = tpu.vector_load %arg4[%get3A_99] {strides = array<i32>} : memref<9216xf32, #tpu.memory_space<vmem>>, vector<16xf32>,
          %swap3A_101 = arith.index_cast %scan3A_96 : i32 to index
          %swap3A_102 = arith.constant 0 : index
          %swap3A_103 = tpu.vector_load %arg5[%swap3A_101, %swap3A_102] {strides = array<i32>} : memref<184x64xf32, #tpu.memory_space<vmem>>, vector<16xf32>,
          tpu.vector_store %arg5[%swap3A_101, %swap3A_102], %get3A_100 {strides = array<i32>} : memref<184x64xf32, #tpu.memory_space<vmem>>, vector<16xf32>,
          %mul3A_104 = arith.constant 50 : i32
          %mul3A_105 = arith.muli %mul3A_104, %scan3A_96 : i32
          %add3A_106 = arith.constant 16 : i32
          %add3A_107 = arith.addi %mul3A_105, %add3A_106 : i32
          %get3A_108 = arith.index_cast %add3A_107 : i32 to index
          %get3A_109 = tpu.vector_load %arg4[%get3A_108] {strides = array<i32>} : memref<9216xf32, #tpu.memory_space<vmem>>, vector<16xf32>,
          %swap3A_110 = arith.index_cast %scan3A_96 : i32 to index
          %swap3A_111 = arith.constant 16 : index
          %swap3A_112 = tpu.vector_load %arg5[%swap3A_110, %swap3A_111] {strides = array<i32>} : memref<184x64xf32, #tpu.memory_space<vmem>>, vector<16xf32>,
          tpu.vector_store %arg5[%swap3A_110, %swap3A_111], %get3A_109 {strides = array<i32>} : memref<184x64xf32, #tpu.memory_space<vmem>>, vector<16xf32>,
          %mul3A_113 = arith.constant 50 : i32
          %mul3A_114 = arith.muli %mul3A_113, %scan3A_96 : i32
          %add3A_115 = arith.constant 32 : i32
          %add3A_116 = arith.addi %mul3A_114, %add3A_115 : i32
          %get3A_117 = arith.index_cast %add3A_116 : i32 to index
          %get3A_118 = tpu.vector_load %arg4[%get3A_117] {strides = array<i32>} : memref<9216xf32, #tpu.memory_space<vmem>>, vector<16xf32>,
          %swap3A_119 = arith.index_cast %scan3A_96 : i32 to index
          %swap3A_120 = arith.constant 32 : index
          %swap3A_121 = tpu.vector_load %arg5[%swap3A_119, %swap3A_120] {strides = array<i32>} : memref<184x64xf32, #tpu.memory_space<vmem>>, vector<16xf32>,
          tpu.vector_store %arg5[%swap3A_119, %swap3A_120], %get3A_118 {strides = array<i32>} : memref<184x64xf32, #tpu.memory_space<vmem>>, vector<16xf32>,
          %mul3A_122 = arith.constant 50 : i32
          %mul3A_123 = arith.muli %mul3A_122, %scan3A_96 : i32
          %add3A_124 = arith.constant 48 : i32
          %add3A_125 = arith.addi %mul3A_123, %add3A_124 : i32
          %get3A_126 = arith.index_cast %add3A_125 : i32 to index
          %get3A_127 = tpu.vector_load %arg4[%get3A_126] {strides = array<i32>} : memref<9216xf32, #tpu.memory_space<vmem>>, vector<16xf32>,
          %swap3A_128 = arith.index_cast %scan3A_96 : i32 to index
          %swap3A_129 = arith.constant 48 : index
          %swap3A_130 = tpu.vector_load %arg5[%swap3A_128, %swap3A_129] {strides = array<i32>} : memref<184x64xf32, #tpu.memory_space<vmem>>, vector<16xf32>,
          tpu.vector_store %arg5[%swap3A_128, %swap3A_129], %get3A_127 {strides = array<i32>} : memref<184x64xf32, #tpu.memory_space<vmem>>, vector<16xf32>,
          %scan3A_131 = arith.constant 3 : i32
          %scan3A_132 = arith.addi %scan3A_26, %scan3A_131 : i32
          %mul3A_133 = arith.constant 50 : i32
          %mul3A_134 = arith.muli %mul3A_133, %scan3A_132 : i32
          %get3A_135 = arith.index_cast %mul3A_134 : i32 to index
          %get3A_136 = tpu.vector_load %arg4[%get3A_135] {strides = array<i32>} : memref<9216xf32, #tpu.memory_space<vmem>>, vector<16xf32>,
          %swap3A_137 = arith.index_cast %scan3A_132 : i32 to index
          %swap3A_138 = arith.constant 0 : index
          %swap3A_139 = tpu.vector_load %arg5[%swap3A_137, %swap3A_138] {strides = array<i32>} : memref<184x64xf32, #tpu.memory_space<vmem>>, vector<16xf32>,
          tpu.vector_store %arg5[%swap3A_137, %swap3A_138], %get3A_136 {strides = array<i32>} : memref<184x64xf32, #tpu.memory_space<vmem>>, vector<16xf32>,
          %mul3A_140 = arith.constant 50 : i32
          %mul3A_141 = arith.muli %mul3A_140, %scan3A_132 : i32
          %add3A_142 = arith.constant 16 : i32
          %add3A_143 = arith.addi %mul3A_141, %add3A_142 : i32
          %get3A_144 = arith.index_cast %add3A_143 : i32 to index
          %get3A_145 = tpu.vector_load %arg4[%get3A_144] {strides = array<i32>} : memref<9216xf32, #tpu.memory_space<vmem>>, vector<16xf32>,
          %swap3A_146 = arith.index_cast %scan3A_132 : i32 to index
          %swap3A_147 = arith.constant 16 : index
          %swap3A_148 = tpu.vector_load %arg5[%swap3A_146, %swap3A_147] {strides = array<i32>} : memref<184x64xf32, #tpu.memory_space<vmem>>, vector<16xf32>,
          tpu.vector_store %arg5[%swap3A_146, %swap3A_147], %get3A_145 {strides = array<i32>} : memref<184x64xf32, #tpu.memory_space<vmem>>, vector<16xf32>,
          %mul3A_149 = arith.constant 50 : i32
          %mul3A_150 = arith.muli %mul3A_149, %scan3A_132 : i32
          %add3A_151 = arith.constant 32 : i32
          %add3A_152 = arith.addi %mul3A_150, %add3A_151 : i32
          %get3A_153 = arith.index_cast %add3A_152 : i32 to index
          %get3A_154 = tpu.vector_load %arg4[%get3A_153] {strides = array<i32>} : memref<9216xf32, #tpu.memory_space<vmem>>, vector<16xf32>,
          %swap3A_155 = arith.index_cast %scan3A_132 : i32 to index
          %swap3A_156 = arith.constant 32 : index
          %swap3A_157 = tpu.vector_load %arg5[%swap3A_155, %swap3A_156] {strides = array<i32>} : memref<184x64xf32, #tpu.memory_space<vmem>>, vector<16xf32>,
          tpu.vector_store %arg5[%swap3A_155, %swap3A_156], %get3A_154 {strides = array<i32>} : memref<184x64xf32, #tpu.memory_space<vmem>>, vector<16xf32>,
          %mul3A_158 = arith.constant 50 : i32
          %mul3A_159 = arith.muli %mul3A_158, %scan3A_132 : i32
          %add3A_160 = arith.constant 48 : i32
          %add3A_161 = arith.addi %mul3A_159, %add3A_160 : i32
          %get3A_162 = arith.index_cast %add3A_161 : i32 to index
          %get3A_163 = tpu.vector_load %arg4[%get3A_162] {strides = array<i32>} : memref<9216xf32, #tpu.memory_space<vmem>>, vector<16xf32>,
          %swap3A_164 = arith.index_cast %scan3A_132 : i32 to index
          %swap3A_165 = arith.constant 48 : index
          %swap3A_166 = tpu.vector_load %arg5[%swap3A_164, %swap3A_165] {strides = array<i32>} : memref<184x64xf32, #tpu.memory_space<vmem>>, vector<16xf32>,
          tpu.vector_store %arg5[%swap3A_164, %swap3A_165], %get3A_163 {strides = array<i32>} : memref<184x64xf32, #tpu.memory_space<vmem>>, vector<16xf32>,
        }
        %scan3A_25 = arith.constant 88 : i32
        "tpu.region"() ({
          %run_scoped3A = tpu.sem_alloc : memref<!tpu.dma_semaphore, #tpu.memory_space<semaphore_mem>>
          %dma_start3A = arith.constant 0 : i32
          %dma_start3A_26 = arith.constant 0 : i32
          %dma_start3A_27 = tpu.memref_slice %arg5[%dma_start3A, %dma_start3A_26] : memref<184x64xf32, #tpu.memory_space<vmem>> -> memref<88x64xf32, #tpu.memory_space<vmem>>
          %dma_start3A_28 = arith.constant 0 : i32
          %dma_start3A_29 = tpu.memref_slice %arg3[%mul3A_11, %dma_start3A_28] : memref<100000x64xf32, #tpu.memory_space<hbm>> -> memref<88x64xf32, #tpu.memory_space<hbm>>
          %dma_start3A_30 = arith.constant 0 : i32
          %dma_start3A_31 = tpu.memref_slice %arg3[%mul3A_11, %dma_start3A_30] : memref<100000x64xf32, #tpu.memory_space<hbm>> -> memref<88x64xf32, #tpu.memory_space<hbm>>
          %dma_start3A_32 = arith.constant 0 : i32
          %dma_start3A_33 = arith.constant 0 : i32
          %dma_start3A_34 = tpu.memref_slice %arg5[%dma_start3A_32, %dma_start3A_33] : memref<184x64xf32, #tpu.memory_space<vmem>> -> memref<88x64xf32, #tpu.memory_space<vmem>>
          tpu.enqueue_dma source(%dma_start3A_34 : memref<88x64xf32, #tpu.memory_space<vmem>>) target(%dma_start3A_31 : memref<88x64xf32, #tpu.memory_space<hbm>>) target_semaphore(%run_scoped3A : memref<!tpu.dma_semaphore, #tpu.memory_space<semaphore_mem>>)
          %dma_wait3A = arith.constant 0 : i32
          %dma_wait3A_35 = arith.constant 0 : i32
          %dma_wait3A_36 = tpu.memref_slice %arg5[%dma_wait3A, %dma_wait3A_35] : memref<184x64xf32, #tpu.memory_space<vmem>> -> memref<88x64xf32, #tpu.memory_space<vmem>>
          %dma_wait3A_37 = arith.constant 0 : i32
          %dma_wait3A_38 = tpu.memref_slice %arg3[%mul3A_11, %dma_wait3A_37] : memref<100000x64xf32, #tpu.memory_space<hbm>> -> memref<88x64xf32, #tpu.memory_space<hbm>>
          %dma_wait3A_39 = arith.constant 0 : i32
          %dma_wait3A_40 = tpu.memref_slice %arg3[%mul3A_11, %dma_wait3A_39] : memref<100000x64xf32, #tpu.memory_space<hbm>> -> memref<88x64xf32, #tpu.memory_space<hbm>>
          %dma_wait3A_41 = arith.constant 0 : i32
          %dma_wait3A_42 = arith.constant 0 : i32
          %dma_wait3A_43 = tpu.memref_slice %arg5[%dma_wait3A_41, %dma_wait3A_42] : memref<184x64xf32, #tpu.memory_space<vmem>> -> memref<88x64xf32, #tpu.memory_space<vmem>>
          tpu.wait_dma2 semaphore(%run_scoped3A : memref<!tpu.dma_semaphore, #tpu.memory_space<semaphore_mem>>) src(%dma_wait3A_43 : memref<88x64xf32, #tpu.memory_space<vmem>>) dst(%dma_wait3A_40 : memref<88x64xf32, #tpu.memory_space<hbm>>)
          tpu.yield
        }) : () -> ()
      } else {
      }
    }
    %scan3A_5 = arith.constant 17 : i32
    return
  }
}

#map = affine_map<(d0, d1) -> (0, 0)>
#map1 = affine_map<(d0, d1) -> (0)>
module attributes {stable_mosaic.version = 14 : i64} {
  func.func @_sc_body(%arg0: i32, %arg1: i32, %arg2: memref<100000x64xf32, #tpu.memory_space<hbm>>, %arg3: memref<100000x64xf32, #tpu.memory_space<hbm>>, %arg4: memref<819200xi32, #tpu.memory_space<hbm>>, %arg5: memref<4096xi32, #tpu.memory_space<hbm>>, %arg6: memref<16xf32, #tpu.memory_space<hbm>>, %arg7: memref<16xf32, #tpu.memory_space<hbm>>, %arg8: memref<4096xf32, #tpu.memory_space<hbm>>, %arg9: memref<25600xi32, #tpu.memory_space<vmem>>, %arg10: memref<128xi32, #tpu.memory_space<vmem>>, %arg11: memref<128x64xf32, #tpu.memory_space<vmem>>, %arg12: memref<4x200x64xf32, #tpu.memory_space<vmem>>, %arg13: memref<128x16xf32, #tpu.memory_space<vmem>>, %arg14: memref<128xf32, #tpu.memory_space<vmem>>, %arg15: memref<16xf32, #tpu.memory_space<vmem>>, %arg16: memref<16xf32, #tpu.memory_space<vmem>>, %arg17: memref<!tpu.dma_semaphore, #tpu.memory_space<semaphore_mem>>, %arg18: memref<!tpu.dma_semaphore, #tpu.memory_space<semaphore_mem>>, %arg19: memref<!tpu.dma_semaphore, #tpu.memory_space<semaphore_mem>>, %arg20: memref<!tpu.dma_semaphore, #tpu.memory_space<semaphore_mem>>, %arg21: memref<!tpu.dma_semaphore, #tpu.memory_space<semaphore_mem>>) attributes {dimension_semantics = [#tpu.dimension_semantics<core_parallel>, #tpu.dimension_semantics<subcore_parallel>], iteration_bounds = array<i64: 2, 16>, scalar_prefetch = 0 : i64, scratch_operands = 13 : i64, tpu.core_type = #tpu.core_type<sc_vector_subcore>, window_params = [{transform_indices = #map}, {transform_indices = #map}, {transform_indices = #map1}, {transform_indices = #map1}, {transform_indices = #map1}, {transform_indices = #map1}, {transform_indices = #map1}]} {
    %mul3A = arith.constant 2 : i32
    %mul3A_0 = arith.muli %arg1, %mul3A : i32
    %add3A = arith.addi %mul3A_0, %arg0 : i32
    %mul3A_1 = arith.constant 128 : i32
    %mul3A_2 = arith.muli %add3A, %mul3A_1 : i32
    %mul3A_3 = arith.constant 200 : i32
    %mul3A_4 = arith.muli %mul3A_2, %mul3A_3 : i32
    "tpu.region"() ({
      %run_scoped3A = tpu.sem_alloc : memref<!tpu.dma_semaphore, #tpu.memory_space<semaphore_mem>>
      %dma_start3A_690 = tpu.memref_slice %arg4[%mul3A_4] : memref<819200xi32, #tpu.memory_space<hbm>> -> memref<25600xi32, #tpu.memory_space<hbm>>
      %dma_start3A_691 = tpu.memref_slice %arg4[%mul3A_4] : memref<819200xi32, #tpu.memory_space<hbm>> -> memref<25600xi32, #tpu.memory_space<hbm>>
      tpu.enqueue_dma source(%dma_start3A_691 : memref<25600xi32, #tpu.memory_space<hbm>>) target(%arg9 : memref<25600xi32, #tpu.memory_space<vmem>>) target_semaphore(%run_scoped3A : memref<!tpu.dma_semaphore, #tpu.memory_space<semaphore_mem>>)
      %dma_wait3A_692 = tpu.memref_slice %arg4[%mul3A_4] : memref<819200xi32, #tpu.memory_space<hbm>> -> memref<25600xi32, #tpu.memory_space<hbm>>
      %dma_wait3A_693 = tpu.memref_slice %arg4[%mul3A_4] : memref<819200xi32, #tpu.memory_space<hbm>> -> memref<25600xi32, #tpu.memory_space<hbm>>
      tpu.wait_dma2 semaphore(%run_scoped3A : memref<!tpu.dma_semaphore, #tpu.memory_space<semaphore_mem>>) src(%dma_wait3A_693 : memref<25600xi32, #tpu.memory_space<hbm>>) dst(%arg9 : memref<25600xi32, #tpu.memory_space<vmem>>)
      tpu.yield
    }) : () -> ()
    "tpu.region"() ({
      %run_scoped3A = tpu.sem_alloc : memref<!tpu.dma_semaphore, #tpu.memory_space<semaphore_mem>>
      %dma_start3A_690 = tpu.memref_slice %arg5[%mul3A_2] : memref<4096xi32, #tpu.memory_space<hbm>> -> memref<128xi32, #tpu.memory_space<hbm>>
      %dma_start3A_691 = tpu.memref_slice %arg5[%mul3A_2] : memref<4096xi32, #tpu.memory_space<hbm>> -> memref<128xi32, #tpu.memory_space<hbm>>
      tpu.enqueue_dma source(%dma_start3A_691 : memref<128xi32, #tpu.memory_space<hbm>>) target(%arg10 : memref<128xi32, #tpu.memory_space<vmem>>) target_semaphore(%run_scoped3A : memref<!tpu.dma_semaphore, #tpu.memory_space<semaphore_mem>>)
      %dma_wait3A_692 = tpu.memref_slice %arg5[%mul3A_2] : memref<4096xi32, #tpu.memory_space<hbm>> -> memref<128xi32, #tpu.memory_space<hbm>>
      %dma_wait3A_693 = tpu.memref_slice %arg5[%mul3A_2] : memref<4096xi32, #tpu.memory_space<hbm>> -> memref<128xi32, #tpu.memory_space<hbm>>
      tpu.wait_dma2 semaphore(%run_scoped3A : memref<!tpu.dma_semaphore, #tpu.memory_space<semaphore_mem>>) src(%dma_wait3A_693 : memref<128xi32, #tpu.memory_space<hbm>>) dst(%arg10 : memref<128xi32, #tpu.memory_space<vmem>>)
      tpu.yield
    }) : () -> ()
    "tpu.region"() ({
      %run_scoped3A = tpu.sem_alloc : memref<!tpu.dma_semaphore, #tpu.memory_space<semaphore_mem>>
      tpu.enqueue_dma source(%arg6 : memref<16xf32, #tpu.memory_space<hbm>>) target(%arg15 : memref<16xf32, #tpu.memory_space<vmem>>) target_semaphore(%run_scoped3A : memref<!tpu.dma_semaphore, #tpu.memory_space<semaphore_mem>>)
      tpu.wait_dma2 semaphore(%run_scoped3A : memref<!tpu.dma_semaphore, #tpu.memory_space<semaphore_mem>>) src(%arg6 : memref<16xf32, #tpu.memory_space<hbm>>) dst(%arg15 : memref<16xf32, #tpu.memory_space<vmem>>)
      tpu.yield
    }) : () -> ()
    "tpu.region"() ({
      %run_scoped3A = tpu.sem_alloc : memref<!tpu.dma_semaphore, #tpu.memory_space<semaphore_mem>>
      tpu.enqueue_dma source(%arg7 : memref<16xf32, #tpu.memory_space<hbm>>) target(%arg16 : memref<16xf32, #tpu.memory_space<vmem>>) target_semaphore(%run_scoped3A : memref<!tpu.dma_semaphore, #tpu.memory_space<semaphore_mem>>)
      tpu.wait_dma2 semaphore(%run_scoped3A : memref<!tpu.dma_semaphore, #tpu.memory_space<semaphore_mem>>) src(%arg7 : memref<16xf32, #tpu.memory_space<hbm>>) dst(%arg16 : memref<16xf32, #tpu.memory_space<vmem>>)
      tpu.yield
    }) : () -> ()
    %dma_start3A = arith.constant 0 : i32
    %dma_start3A_5 = arith.constant 0 : i32
    %dma_start3A_6 = tpu.memref_slice %arg3[%dma_start3A, %dma_start3A_5] : memref<100000x64xf32, #tpu.memory_space<hbm>> -> memref<100000x64xf32, #tpu.memory_space<hbm>>
    tpu.enqueue_indirect_dma source(%dma_start3A_6 : memref<100000x64xf32, #tpu.memory_space<hbm>>) target(%arg11 : memref<128x64xf32, #tpu.memory_space<vmem>>) offsets(%arg10 : memref<128xi32, #tpu.memory_space<vmem>>) semaphore(%arg17 : memref<!tpu.dma_semaphore, #tpu.memory_space<semaphore_mem>>)
    %dma_wait3A = arith.constant 0 : i32
    %dma_wait3A_7 = arith.constant 0 : i32
    %dma_wait3A_8 = tpu.memref_slice %arg3[%dma_wait3A, %dma_wait3A_7] : memref<100000x64xf32, #tpu.memory_space<hbm>> -> memref<100000x64xf32, #tpu.memory_space<hbm>>
    tpu.wait_indirect_dma semaphore(%arg17 : memref<!tpu.dma_semaphore, #tpu.memory_space<semaphore_mem>>) src(%dma_wait3A_8 : memref<100000x64xf32, #tpu.memory_space<hbm>>) dst(%arg11 : memref<128x64xf32, #tpu.memory_space<vmem>>)
    %iota3A = tpu.iota {dimensions = array<i32: 0>} : vector<16xi32>
    %lt3A = arith.constant 2 : i32
    %lt3A_9 = vector.broadcast %lt3A : i32 to vector<16xi32>
    %lt3A_10 = arith.cmpi slt, %iota3A, %lt3A_9 : vector<16xi32>
    %dma_start3A_11 = arith.constant 0 : i32
    %dma_start3A_12 = arith.constant 0 : i32
    %dma_start3A_13 = arith.constant 0 : i32
    %dma_start3A_14 = tpu.memref_slice %arg12[%dma_start3A_11, %dma_start3A_12, %dma_start3A_13] : memref<4x200x64xf32, #tpu.memory_space<vmem>> -> memref<1x104x64xf32, #tpu.memory_space<vmem>>
    %dma_start3A_15 = tpu.memref_squeeze %dma_start3A_14 : memref<1x104x64xf32, #tpu.memory_space<vmem>> -> memref<104x64xf32, #tpu.memory_space<vmem>>
    %dma_start3A_16 = arith.constant 0 : i32
    %dma_start3A_17 = tpu.memref_slice %arg9[%dma_start3A_16] : memref<25600xi32, #tpu.memory_space<vmem>> -> memref<104xi32, #tpu.memory_space<vmem>>
    %dma_start3A_18 = arith.constant 0 : i32
    %dma_start3A_19 = arith.constant 0 : i32
    %dma_start3A_20 = tpu.memref_slice %arg2[%dma_start3A_18, %dma_start3A_19] : memref<100000x64xf32, #tpu.memory_space<hbm>> -> memref<100000x64xf32, #tpu.memory_space<hbm>>
    tpu.enqueue_indirect_dma source(%dma_start3A_20 : memref<100000x64xf32, #tpu.memory_space<hbm>>) target(%dma_start3A_15 : memref<104x64xf32, #tpu.memory_space<vmem>>) offsets(%dma_start3A_17 : memref<104xi32, #tpu.memory_space<vmem>>) semaphore(%arg18 : memref<!tpu.dma_semaphore, #tpu.memory_space<semaphore_mem>>)
    %dma_start3A_21 = arith.constant 0 : i32
    %dma_start3A_22 = arith.constant 104 : i32
    %dma_start3A_23 = arith.constant 0 : i32
    %dma_start3A_24 = tpu.memref_slice %arg12[%dma_start3A_21, %dma_start3A_22, %dma_start3A_23] : memref<4x200x64xf32, #tpu.memory_space<vmem>> -> memref<1x96x64xf32, #tpu.memory_space<vmem>>
    %dma_start3A_25 = tpu.memref_squeeze %dma_start3A_24 : memref<1x96x64xf32, #tpu.memory_space<vmem>> -> memref<96x64xf32, #tpu.memory_space<vmem>>
    %dma_start3A_26 = arith.constant 104 : i32
    %dma_start3A_27 = tpu.memref_slice %arg9[%dma_start3A_26] : memref<25600xi32, #tpu.memory_space<vmem>> -> memref<96xi32, #tpu.memory_space<vmem>>
    %dma_start3A_28 = arith.constant 0 : i32
    %dma_start3A_29 = arith.constant 0 : i32
    %dma_start3A_30 = tpu.memref_slice %arg2[%dma_start3A_28, %dma_start3A_29] : memref<100000x64xf32, #tpu.memory_space<hbm>> -> memref<100000x64xf32, #tpu.memory_space<hbm>>
    tpu.enqueue_indirect_dma source(%dma_start3A_30 : memref<100000x64xf32, #tpu.memory_space<hbm>>) target(%dma_start3A_25 : memref<96x64xf32, #tpu.memory_space<vmem>>) offsets(%dma_start3A_27 : memref<96xi32, #tpu.memory_space<vmem>>) semaphore(%arg18 : memref<!tpu.dma_semaphore, #tpu.memory_space<semaphore_mem>>)
    %dma_start3A_31 = arith.constant 1 : i32
    %dma_start3A_32 = arith.constant 0 : i32
    %dma_start3A_33 = arith.constant 0 : i32
    %dma_start3A_34 = tpu.memref_slice %arg12[%dma_start3A_31, %dma_start3A_32, %dma_start3A_33] : memref<4x200x64xf32, #tpu.memory_space<vmem>> -> memref<1x104x64xf32, #tpu.memory_space<vmem>>
    %dma_start3A_35 = tpu.memref_squeeze %dma_start3A_34 : memref<1x104x64xf32, #tpu.memory_space<vmem>> -> memref<104x64xf32, #tpu.memory_space<vmem>>
    %dma_start3A_36 = arith.constant 200 : i32
    %dma_start3A_37 = tpu.memref_slice %arg9[%dma_start3A_36] : memref<25600xi32, #tpu.memory_space<vmem>> -> memref<104xi32, #tpu.memory_space<vmem>>
    %dma_start3A_38 = arith.constant 0 : i32
    %dma_start3A_39 = arith.constant 0 : i32
    %dma_start3A_40 = tpu.memref_slice %arg2[%dma_start3A_38, %dma_start3A_39] : memref<100000x64xf32, #tpu.memory_space<hbm>> -> memref<100000x64xf32, #tpu.memory_space<hbm>>
    tpu.enqueue_indirect_dma source(%dma_start3A_40 : memref<100000x64xf32, #tpu.memory_space<hbm>>) target(%dma_start3A_35 : memref<104x64xf32, #tpu.memory_space<vmem>>) offsets(%dma_start3A_37 : memref<104xi32, #tpu.memory_space<vmem>>) semaphore(%arg19 : memref<!tpu.dma_semaphore, #tpu.memory_space<semaphore_mem>>)
    %dma_start3A_41 = arith.constant 1 : i32
    %dma_start3A_42 = arith.constant 104 : i32
    %dma_start3A_43 = arith.constant 0 : i32
    %dma_start3A_44 = tpu.memref_slice %arg12[%dma_start3A_41, %dma_start3A_42, %dma_start3A_43] : memref<4x200x64xf32, #tpu.memory_space<vmem>> -> memref<1x96x64xf32, #tpu.memory_space<vmem>>
    %dma_start3A_45 = tpu.memref_squeeze %dma_start3A_44 : memref<1x96x64xf32, #tpu.memory_space<vmem>> -> memref<96x64xf32, #tpu.memory_space<vmem>>
    %dma_start3A_46 = arith.constant 304 : i32
    %dma_start3A_47 = tpu.memref_slice %arg9[%dma_start3A_46] : memref<25600xi32, #tpu.memory_space<vmem>> -> memref<96xi32, #tpu.memory_space<vmem>>
    %dma_start3A_48 = arith.constant 0 : i32
    %dma_start3A_49 = arith.constant 0 : i32
    %dma_start3A_50 = tpu.memref_slice %arg2[%dma_start3A_48, %dma_start3A_49] : memref<100000x64xf32, #tpu.memory_space<hbm>> -> memref<100000x64xf32, #tpu.memory_space<hbm>>
    tpu.enqueue_indirect_dma source(%dma_start3A_50 : memref<100000x64xf32, #tpu.memory_space<hbm>>) target(%dma_start3A_45 : memref<96x64xf32, #tpu.memory_space<vmem>>) offsets(%dma_start3A_47 : memref<96xi32, #tpu.memory_space<vmem>>) semaphore(%arg19 : memref<!tpu.dma_semaphore, #tpu.memory_space<semaphore_mem>>)
    %dma_start3A_51 = arith.constant 2 : i32
    %dma_start3A_52 = arith.constant 0 : i32
    %dma_start3A_53 = arith.constant 0 : i32
    %dma_start3A_54 = tpu.memref_slice %arg12[%dma_start3A_51, %dma_start3A_52, %dma_start3A_53] : memref<4x200x64xf32, #tpu.memory_space<vmem>> -> memref<1x104x64xf32, #tpu.memory_space<vmem>>
    %dma_start3A_55 = tpu.memref_squeeze %dma_start3A_54 : memref<1x104x64xf32, #tpu.memory_space<vmem>> -> memref<104x64xf32, #tpu.memory_space<vmem>>
    %dma_start3A_56 = arith.constant 400 : i32
    %dma_start3A_57 = tpu.memref_slice %arg9[%dma_start3A_56] : memref<25600xi32, #tpu.memory_space<vmem>> -> memref<104xi32, #tpu.memory_space<vmem>>
    %dma_start3A_58 = arith.constant 0 : i32
    %dma_start3A_59 = arith.constant 0 : i32
    %dma_start3A_60 = tpu.memref_slice %arg2[%dma_start3A_58, %dma_start3A_59] : memref<100000x64xf32, #tpu.memory_space<hbm>> -> memref<100000x64xf32, #tpu.memory_space<hbm>>
    tpu.enqueue_indirect_dma source(%dma_start3A_60 : memref<100000x64xf32, #tpu.memory_space<hbm>>) target(%dma_start3A_55 : memref<104x64xf32, #tpu.memory_space<vmem>>) offsets(%dma_start3A_57 : memref<104xi32, #tpu.memory_space<vmem>>) semaphore(%arg20 : memref<!tpu.dma_semaphore, #tpu.memory_space<semaphore_mem>>)
    %dma_start3A_61 = arith.constant 2 : i32
    %dma_start3A_62 = arith.constant 104 : i32
    %dma_start3A_63 = arith.constant 0 : i32
    %dma_start3A_64 = tpu.memref_slice %arg12[%dma_start3A_61, %dma_start3A_62, %dma_start3A_63] : memref<4x200x64xf32, #tpu.memory_space<vmem>> -> memref<1x96x64xf32, #tpu.memory_space<vmem>>
    %dma_start3A_65 = tpu.memref_squeeze %dma_start3A_64 : memref<1x96x64xf32, #tpu.memory_space<vmem>> -> memref<96x64xf32, #tpu.memory_space<vmem>>
    %dma_start3A_66 = arith.constant 504 : i32
    %dma_start3A_67 = tpu.memref_slice %arg9[%dma_start3A_66] : memref<25600xi32, #tpu.memory_space<vmem>> -> memref<96xi32, #tpu.memory_space<vmem>>
    %dma_start3A_68 = arith.constant 0 : i32
    %dma_start3A_69 = arith.constant 0 : i32
    %dma_start3A_70 = tpu.memref_slice %arg2[%dma_start3A_68, %dma_start3A_69] : memref<100000x64xf32, #tpu.memory_space<hbm>> -> memref<100000x64xf32, #tpu.memory_space<hbm>>
    tpu.enqueue_indirect_dma source(%dma_start3A_70 : memref<100000x64xf32, #tpu.memory_space<hbm>>) target(%dma_start3A_65 : memref<96x64xf32, #tpu.memory_space<vmem>>) offsets(%dma_start3A_67 : memref<96xi32, #tpu.memory_space<vmem>>) semaphore(%arg20 : memref<!tpu.dma_semaphore, #tpu.memory_space<semaphore_mem>>)
    %dma_start3A_71 = arith.constant 3 : i32
    %dma_start3A_72 = arith.constant 0 : i32
    %dma_start3A_73 = arith.constant 0 : i32
    %dma_start3A_74 = tpu.memref_slice %arg12[%dma_start3A_71, %dma_start3A_72, %dma_start3A_73] : memref<4x200x64xf32, #tpu.memory_space<vmem>> -> memref<1x104x64xf32, #tpu.memory_space<vmem>>
    %dma_start3A_75 = tpu.memref_squeeze %dma_start3A_74 : memref<1x104x64xf32, #tpu.memory_space<vmem>> -> memref<104x64xf32, #tpu.memory_space<vmem>>
    %dma_start3A_76 = arith.constant 600 : i32
    %dma_start3A_77 = tpu.memref_slice %arg9[%dma_start3A_76] : memref<25600xi32, #tpu.memory_space<vmem>> -> memref<104xi32, #tpu.memory_space<vmem>>
    %dma_start3A_78 = arith.constant 0 : i32
    %dma_start3A_79 = arith.constant 0 : i32
    %dma_start3A_80 = tpu.memref_slice %arg2[%dma_start3A_78, %dma_start3A_79] : memref<100000x64xf32, #tpu.memory_space<hbm>> -> memref<100000x64xf32, #tpu.memory_space<hbm>>
    tpu.enqueue_indirect_dma source(%dma_start3A_80 : memref<100000x64xf32, #tpu.memory_space<hbm>>) target(%dma_start3A_75 : memref<104x64xf32, #tpu.memory_space<vmem>>) offsets(%dma_start3A_77 : memref<104xi32, #tpu.memory_space<vmem>>) semaphore(%arg21 : memref<!tpu.dma_semaphore, #tpu.memory_space<semaphore_mem>>)
    %dma_start3A_81 = arith.constant 3 : i32
    %dma_start3A_82 = arith.constant 104 : i32
    %dma_start3A_83 = arith.constant 0 : i32
    %dma_start3A_84 = tpu.memref_slice %arg12[%dma_start3A_81, %dma_start3A_82, %dma_start3A_83] : memref<4x200x64xf32, #tpu.memory_space<vmem>> -> memref<1x96x64xf32, #tpu.memory_space<vmem>>
    %dma_start3A_85 = tpu.memref_squeeze %dma_start3A_84 : memref<1x96x64xf32, #tpu.memory_space<vmem>> -> memref<96x64xf32, #tpu.memory_space<vmem>>
    %dma_start3A_86 = arith.constant 704 : i32
    %dma_start3A_87 = tpu.memref_slice %arg9[%dma_start3A_86] : memref<25600xi32, #tpu.memory_space<vmem>> -> memref<96xi32, #tpu.memory_space<vmem>>
    %dma_start3A_88 = arith.constant 0 : i32
    %dma_start3A_89 = arith.constant 0 : i32
    %dma_start3A_90 = tpu.memref_slice %arg2[%dma_start3A_88, %dma_start3A_89] : memref<100000x64xf32, #tpu.memory_space<hbm>> -> memref<100000x64xf32, #tpu.memory_space<hbm>>
    tpu.enqueue_indirect_dma source(%dma_start3A_90 : memref<100000x64xf32, #tpu.memory_space<hbm>>) target(%dma_start3A_85 : memref<96x64xf32, #tpu.memory_space<vmem>>) offsets(%dma_start3A_87 : memref<96xi32, #tpu.memory_space<vmem>>) semaphore(%arg21 : memref<!tpu.dma_semaphore, #tpu.memory_space<semaphore_mem>>)
    %scan3A = arith.constant 0 : i32
    %scan3A_91 = arith.constant 0 : i32
    %scan3A_92 = arith.constant 32 : i32
    %scan3A_93 = arith.addi %scan3A_91, %scan3A_92 : i32
    %scan3A_94 = arith.constant 1 : i32
    scf.for %scan3A_690 = %scan3A_91 to %scan3A_93 step %scan3A_94  : i32 {
      %mul3A_691 = arith.constant 4 : i32
      %mul3A_692 = arith.muli %mul3A_691, %scan3A_690 : i32
      %add3A_693 = arith.constant 0 : i32
      %add3A_694 = arith.addi %mul3A_692, %add3A_693 : i32
      %mul3A_695 = arith.constant 200 : i32
      %mul3A_696 = arith.muli %mul3A_695, %add3A_694 : i32
      %dma_wait3A_697 = arith.constant 0 : i32
      %dma_wait3A_698 = arith.constant 0 : i32
      %dma_wait3A_699 = arith.constant 0 : i32
      %dma_wait3A_700 = tpu.memref_slice %arg12[%dma_wait3A_697, %dma_wait3A_698, %dma_wait3A_699] : memref<4x200x64xf32, #tpu.memory_space<vmem>> -> memref<1x104x64xf32, #tpu.memory_space<vmem>>
      %dma_wait3A_701 = tpu.memref_squeeze %dma_wait3A_700 : memref<1x104x64xf32, #tpu.memory_space<vmem>> -> memref<104x64xf32, #tpu.memory_space<vmem>>
      %dma_wait3A_702 = tpu.memref_slice %arg9[%mul3A_696] : memref<25600xi32, #tpu.memory_space<vmem>> -> memref<104xi32, #tpu.memory_space<vmem>>
      %dma_wait3A_703 = arith.constant 0 : i32
      %dma_wait3A_704 = arith.constant 0 : i32
      %dma_wait3A_705 = tpu.memref_slice %arg2[%dma_wait3A_703, %dma_wait3A_704] : memref<100000x64xf32, #tpu.memory_space<hbm>> -> memref<100000x64xf32, #tpu.memory_space<hbm>>
      tpu.wait_indirect_dma semaphore(%arg18 : memref<!tpu.dma_semaphore, #tpu.memory_space<semaphore_mem>>) src(%dma_wait3A_705 : memref<100000x64xf32, #tpu.memory_space<hbm>>) dst(%dma_wait3A_701 : memref<104x64xf32, #tpu.memory_space<vmem>>)
      %mul3A_706 = arith.constant 200 : i32
      %mul3A_707 = arith.muli %mul3A_706, %add3A_694 : i32
      %add3A_708 = arith.constant 104 : i32
      %add3A_709 = arith.addi %mul3A_707, %add3A_708 : i32
      %dma_wait3A_710 = arith.constant 0 : i32
      %dma_wait3A_711 = arith.constant 104 : i32
      %dma_wait3A_712 = arith.constant 0 : i32
      %dma_wait3A_713 = tpu.memref_slice %arg12[%dma_wait3A_710, %dma_wait3A_711, %dma_wait3A_712] : memref<4x200x64xf32, #tpu.memory_space<vmem>> -> memref<1x96x64xf32, #tpu.memory_space<vmem>>
      %dma_wait3A_714 = tpu.memref_squeeze %dma_wait3A_713 : memref<1x96x64xf32, #tpu.memory_space<vmem>> -> memref<96x64xf32, #tpu.memory_space<vmem>>
      %dma_wait3A_715 = tpu.memref_slice %arg9[%add3A_709] : memref<25600xi32, #tpu.memory_space<vmem>> -> memref<96xi32, #tpu.memory_space<vmem>>
      %dma_wait3A_716 = arith.constant 0 : i32
      %dma_wait3A_717 = arith.constant 0 : i32
      %dma_wait3A_718 = tpu.memref_slice %arg2[%dma_wait3A_716, %dma_wait3A_717] : memref<100000x64xf32, #tpu.memory_space<hbm>> -> memref<100000x64xf32, #tpu.memory_space<hbm>>
      tpu.wait_indirect_dma semaphore(%arg18 : memref<!tpu.dma_semaphore, #tpu.memory_space<semaphore_mem>>) src(%dma_wait3A_718 : memref<100000x64xf32, #tpu.memory_space<hbm>>) dst(%dma_wait3A_714 : memref<96x64xf32, #tpu.memory_space<vmem>>)
      %broadcast_in_dim3A = arith.constant 0.000000e+00 : f32
      %broadcast_in_dim3A_719 = vector.broadcast %broadcast_in_dim3A : f32 to vector<16xf32>
      %scan3A_720 = arith.constant 0 : i32
      %scan3A_721 = arith.constant 200 : i32
      %scan3A_722 = arith.addi %scan3A_720, %scan3A_721 : i32
      %scan3A_723 = arith.constant 8 : i32
      %scan3A_724:4 = scf.for %scan3A_1140 = %scan3A_720 to %scan3A_722 step %scan3A_723 iter_args(%scan3A_1141 = %broadcast_in_dim3A_719, %scan3A_1142 = %broadcast_in_dim3A_719, %scan3A_1143 = %broadcast_in_dim3A_719, %scan3A_1144 = %broadcast_in_dim3A_719) -> (vector<16xf32>, vector<16xf32>, vector<16xf32>, vector<16xf32>)  : i32 {
        %get3A_1145 = arith.constant 0 : i32
        %get3A_1146 = arith.index_cast %get3A_1145 : i32 to index
        %get3A_1147 = arith.index_cast %scan3A_1140 : i32 to index
        %get3A_1148 = arith.constant 0 : index
        %get3A_1149 = tpu.vector_load %arg12[%get3A_1146, %get3A_1147, %get3A_1148] {strides = array<i32>} : memref<4x200x64xf32, #tpu.memory_space<vmem>>, vector<16xf32>,
        %add3A_1150 = arith.addf %scan3A_1141, %get3A_1149 : vector<16xf32>
        %get3A_1151 = arith.constant 0 : i32
        %get3A_1152 = arith.index_cast %get3A_1151 : i32 to index
        %get3A_1153 = arith.index_cast %scan3A_1140 : i32 to index
        %get3A_1154 = arith.constant 16 : index
        %get3A_1155 = tpu.vector_load %arg12[%get3A_1152, %get3A_1153, %get3A_1154] {strides = array<i32>} : memref<4x200x64xf32, #tpu.memory_space<vmem>>, vector<16xf32>,
        %add3A_1156 = arith.addf %scan3A_1142, %get3A_1155 : vector<16xf32>
        %get3A_1157 = arith.constant 0 : i32
        %get3A_1158 = arith.index_cast %get3A_1157 : i32 to index
        %get3A_1159 = arith.index_cast %scan3A_1140 : i32 to index
        %get3A_1160 = arith.constant 32 : index
        %get3A_1161 = tpu.vector_load %arg12[%get3A_1158, %get3A_1159, %get3A_1160] {strides = array<i32>} : memref<4x200x64xf32, #tpu.memory_space<vmem>>, vector<16xf32>,
        %add3A_1162 = arith.addf %scan3A_1143, %get3A_1161 : vector<16xf32>
        %get3A_1163 = arith.constant 0 : i32
        %get3A_1164 = arith.index_cast %get3A_1163 : i32 to index
        %get3A_1165 = arith.index_cast %scan3A_1140 : i32 to index
        %get3A_1166 = arith.constant 48 : index
        %get3A_1167 = tpu.vector_load %arg12[%get3A_1164, %get3A_1165, %get3A_1166] {strides = array<i32>} : memref<4x200x64xf32, #tpu.memory_space<vmem>>, vector<16xf32>,
        %add3A_1168 = arith.addf %scan3A_1144, %get3A_1167 : vector<16xf32>
        %scan3A_1169 = arith.constant 1 : i32
        %scan3A_1170 = arith.addi %scan3A_1140, %scan3A_1169 : i32
        %get3A_1171 = arith.constant 0 : i32
        %get3A_1172 = arith.index_cast %get3A_1171 : i32 to index
        %get3A_1173 = arith.index_cast %scan3A_1170 : i32 to index
        %get3A_1174 = arith.constant 0 : index
        %get3A_1175 = tpu.vector_load %arg12[%get3A_1172, %get3A_1173, %get3A_1174] {strides = array<i32>} : memref<4x200x64xf32, #tpu.memory_space<vmem>>, vector<16xf32>,
        %add3A_1176 = arith.addf %add3A_1150, %get3A_1175 : vector<16xf32>
        %get3A_1177 = arith.constant 0 : i32
        %get3A_1178 = arith.index_cast %get3A_1177 : i32 to index
        %get3A_1179 = arith.index_cast %scan3A_1170 : i32 to index
        %get3A_1180 = arith.constant 16 : index
        %get3A_1181 = tpu.vector_load %arg12[%get3A_1178, %get3A_1179, %get3A_1180] {strides = array<i32>} : memref<4x200x64xf32, #tpu.memory_space<vmem>>, vector<16xf32>,
        %add3A_1182 = arith.addf %add3A_1156, %get3A_1181 : vector<16xf32>
        %get3A_1183 = arith.constant 0 : i32
        %get3A_1184 = arith.index_cast %get3A_1183 : i32 to index
        %get3A_1185 = arith.index_cast %scan3A_1170 : i32 to index
        %get3A_1186 = arith.constant 32 : index
        %get3A_1187 = tpu.vector_load %arg12[%get3A_1184, %get3A_1185, %get3A_1186] {strides = array<i32>} : memref<4x200x64xf32, #tpu.memory_space<vmem>>, vector<16xf32>,
        %add3A_1188 = arith.addf %add3A_1162, %get3A_1187 : vector<16xf32>
        %get3A_1189 = arith.constant 0 : i32
        %get3A_1190 = arith.index_cast %get3A_1189 : i32 to index
        %get3A_1191 = arith.index_cast %scan3A_1170 : i32 to index
        %get3A_1192 = arith.constant 48 : index
        %get3A_1193 = tpu.vector_load %arg12[%get3A_1190, %get3A_1191, %get3A_1192] {strides = array<i32>} : memref<4x200x64xf32, #tpu.memory_space<vmem>>, vector<16xf32>,
        %add3A_1194 = arith.addf %add3A_1168, %get3A_1193 : vector<16xf32>
        %scan3A_1195 = arith.constant 2 : i32
        %scan3A_1196 = arith.addi %scan3A_1140, %scan3A_1195 : i32
        %get3A_1197 = arith.constant 0 : i32
        %get3A_1198 = arith.index_cast %get3A_1197 : i32 to index
        %get3A_1199 = arith.index_cast %scan3A_1196 : i32 to index
        %get3A_1200 = arith.constant 0 : index
        %get3A_1201 = tpu.vector_load %arg12[%get3A_1198, %get3A_1199, %get3A_1200] {strides = array<i32>} : memref<4x200x64xf32, #tpu.memory_space<vmem>>, vector<16xf32>,
        %add3A_1202 = arith.addf %add3A_1176, %get3A_1201 : vector<16xf32>
        %get3A_1203 = arith.constant 0 : i32
        %get3A_1204 = arith.index_cast %get3A_1203 : i32 to index
        %get3A_1205 = arith.index_cast %scan3A_1196 : i32 to index
        %get3A_1206 = arith.constant 16 : index
        %get3A_1207 = tpu.vector_load %arg12[%get3A_1204, %get3A_1205, %get3A_1206] {strides = array<i32>} : memref<4x200x64xf32, #tpu.memory_space<vmem>>, vector<16xf32>,
        %add3A_1208 = arith.addf %add3A_1182, %get3A_1207 : vector<16xf32>
        %get3A_1209 = arith.constant 0 : i32
        %get3A_1210 = arith.index_cast %get3A_1209 : i32 to index
        %get3A_1211 = arith.index_cast %scan3A_1196 : i32 to index
        %get3A_1212 = arith.constant 32 : index
        %get3A_1213 = tpu.vector_load %arg12[%get3A_1210, %get3A_1211, %get3A_1212] {strides = array<i32>} : memref<4x200x64xf32, #tpu.memory_space<vmem>>, vector<16xf32>,
        %add3A_1214 = arith.addf %add3A_1188, %get3A_1213 : vector<16xf32>
        %get3A_1215 = arith.constant 0 : i32
        %get3A_1216 = arith.index_cast %get3A_1215 : i32 to index
        %get3A_1217 = arith.index_cast %scan3A_1196 : i32 to index
        %get3A_1218 = arith.constant 48 : index
        %get3A_1219 = tpu.vector_load %arg12[%get3A_1216, %get3A_1217, %get3A_1218] {strides = array<i32>} : memref<4x200x64xf32, #tpu.memory_space<vmem>>, vector<16xf32>,
        %add3A_1220 = arith.addf %add3A_1194, %get3A_1219 : vector<16xf32>
        %scan3A_1221 = arith.constant 3 : i32
        %scan3A_1222 = arith.addi %scan3A_1140, %scan3A_1221 : i32
        %get3A_1223 = arith.constant 0 : i32
        %get3A_1224 = arith.index_cast %get3A_1223 : i32 to index
        %get3A_1225 = arith.index_cast %scan3A_1222 : i32 to index
        %get3A_1226 = arith.constant 0 : index
        %get3A_1227 = tpu.vector_load %arg12[%get3A_1224, %get3A_1225, %get3A_1226] {strides = array<i32>} : memref<4x200x64xf32, #tpu.memory_space<vmem>>, vector<16xf32>,
        %add3A_1228 = arith.addf %add3A_1202, %get3A_1227 : vector<16xf32>
        %get3A_1229 = arith.constant 0 : i32
        %get3A_1230 = arith.index_cast %get3A_1229 : i32 to index
        %get3A_1231 = arith.index_cast %scan3A_1222 : i32 to index
        %get3A_1232 = arith.constant 16 : index
        %get3A_1233 = tpu.vector_load %arg12[%get3A_1230, %get3A_1231, %get3A_1232] {strides = array<i32>} : memref<4x200x64xf32, #tpu.memory_space<vmem>>, vector<16xf32>,
        %add3A_1234 = arith.addf %add3A_1208, %get3A_1233 : vector<16xf32>
        %get3A_1235 = arith.constant 0 : i32
        %get3A_1236 = arith.index_cast %get3A_1235 : i32 to index
        %get3A_1237 = arith.index_cast %scan3A_1222 : i32 to index
        %get3A_1238 = arith.constant 32 : index
        %get3A_1239 = tpu.vector_load %arg12[%get3A_1236, %get3A_1237, %get3A_1238] {strides = array<i32>} : memref<4x200x64xf32, #tpu.memory_space<vmem>>, vector<16xf32>,
        %add3A_1240 = arith.addf %add3A_1214, %get3A_1239 : vector<16xf32>
        %get3A_1241 = arith.constant 0 : i32
        %get3A_1242 = arith.index_cast %get3A_1241 : i32 to index
        %get3A_1243 = arith.index_cast %scan3A_1222 : i32 to index
        %get3A_1244 = arith.constant 48 : index
        %get3A_1245 = tpu.vector_load %arg12[%get3A_1242, %get3A_1243, %get3A_1244] {strides = array<i32>} : memref<4x200x64xf32, #tpu.memory_space<vmem>>, vector<16xf32>,
        %add3A_1246 = arith.addf %add3A_1220, %get3A_1245 : vector<16xf32>
        %scan3A_1247 = arith.constant 4 : i32
        %scan3A_1248 = arith.addi %scan3A_1140, %scan3A_1247 : i32
        %get3A_1249 = arith.constant 0 : i32
        %get3A_1250 = arith.index_cast %get3A_1249 : i32 to index
        %get3A_1251 = arith.index_cast %scan3A_1248 : i32 to index
        %get3A_1252 = arith.constant 0 : index
        %get3A_1253 = tpu.vector_load %arg12[%get3A_1250, %get3A_1251, %get3A_1252] {strides = array<i32>} : memref<4x200x64xf32, #tpu.memory_space<vmem>>, vector<16xf32>,
        %add3A_1254 = arith.addf %add3A_1228, %get3A_1253 : vector<16xf32>
        %get3A_1255 = arith.constant 0 : i32
        %get3A_1256 = arith.index_cast %get3A_1255 : i32 to index
        %get3A_1257 = arith.index_cast %scan3A_1248 : i32 to index
        %get3A_1258 = arith.constant 16 : index
        %get3A_1259 = tpu.vector_load %arg12[%get3A_1256, %get3A_1257, %get3A_1258] {strides = array<i32>} : memref<4x200x64xf32, #tpu.memory_space<vmem>>, vector<16xf32>,
        %add3A_1260 = arith.addf %add3A_1234, %get3A_1259 : vector<16xf32>
        %get3A_1261 = arith.constant 0 : i32
        %get3A_1262 = arith.index_cast %get3A_1261 : i32 to index
        %get3A_1263 = arith.index_cast %scan3A_1248 : i32 to index
        %get3A_1264 = arith.constant 32 : index
        %get3A_1265 = tpu.vector_load %arg12[%get3A_1262, %get3A_1263, %get3A_1264] {strides = array<i32>} : memref<4x200x64xf32, #tpu.memory_space<vmem>>, vector<16xf32>,
        %add3A_1266 = arith.addf %add3A_1240, %get3A_1265 : vector<16xf32>
        %get3A_1267 = arith.constant 0 : i32
        %get3A_1268 = arith.index_cast %get3A_1267 : i32 to index
        %get3A_1269 = arith.index_cast %scan3A_1248 : i32 to index
        %get3A_1270 = arith.constant 48 : index
        %get3A_1271 = tpu.vector_load %arg12[%get3A_1268, %get3A_1269, %get3A_1270] {strides = array<i32>} : memref<4x200x64xf32, #tpu.memory_space<vmem>>, vector<16xf32>,
        %add3A_1272 = arith.addf %add3A_1246, %get3A_1271 : vector<16xf32>
        %scan3A_1273 = arith.constant 5 : i32
        %scan3A_1274 = arith.addi %scan3A_1140, %scan3A_1273 : i32
        %get3A_1275 = arith.constant 0 : i32
        %get3A_1276 = arith.index_cast %get3A_1275 : i32 to index
        %get3A_1277 = arith.index_cast %scan3A_1274 : i32 to index
        %get3A_1278 = arith.constant 0 : index
        %get3A_1279 = tpu.vector_load %arg12[%get3A_1276, %get3A_1277, %get3A_1278] {strides = array<i32>} : memref<4x200x64xf32, #tpu.memory_space<vmem>>, vector<16xf32>,
        %add3A_1280 = arith.addf %add3A_1254, %get3A_1279 : vector<16xf32>
        %get3A_1281 = arith.constant 0 : i32
        %get3A_1282 = arith.index_cast %get3A_1281 : i32 to index
        %get3A_1283 = arith.index_cast %scan3A_1274 : i32 to index
        %get3A_1284 = arith.constant 16 : index
        %get3A_1285 = tpu.vector_load %arg12[%get3A_1282, %get3A_1283, %get3A_1284] {strides = array<i32>} : memref<4x200x64xf32, #tpu.memory_space<vmem>>, vector<16xf32>,
        %add3A_1286 = arith.addf %add3A_1260, %get3A_1285 : vector<16xf32>
        %get3A_1287 = arith.constant 0 : i32
        %get3A_1288 = arith.index_cast %get3A_1287 : i32 to index
        %get3A_1289 = arith.index_cast %scan3A_1274 : i32 to index
        %get3A_1290 = arith.constant 32 : index
        %get3A_1291 = tpu.vector_load %arg12[%get3A_1288, %get3A_1289, %get3A_1290] {strides = array<i32>} : memref<4x200x64xf32, #tpu.memory_space<vmem>>, vector<16xf32>,
        %add3A_1292 = arith.addf %add3A_1266, %get3A_1291 : vector<16xf32>
        %get3A_1293 = arith.constant 0 : i32
        %get3A_1294 = arith.index_cast %get3A_1293 : i32 to index
        %get3A_1295 = arith.index_cast %scan3A_1274 : i32 to index
        %get3A_1296 = arith.constant 48 : index
        %get3A_1297 = tpu.vector_load %arg12[%get3A_1294, %get3A_1295, %get3A_1296] {strides = array<i32>} : memref<4x200x64xf32, #tpu.memory_space<vmem>>, vector<16xf32>,
        %add3A_1298 = arith.addf %add3A_1272, %get3A_1297 : vector<16xf32>
        %scan3A_1299 = arith.constant 6 : i32
        %scan3A_1300 = arith.addi %scan3A_1140, %scan3A_1299 : i32
        %get3A_1301 = arith.constant 0 : i32
        %get3A_1302 = arith.index_cast %get3A_1301 : i32 to index
        %get3A_1303 = arith.index_cast %scan3A_1300 : i32 to index
        %get3A_1304 = arith.constant 0 : index
        %get3A_1305 = tpu.vector_load %arg12[%get3A_1302, %get3A_1303, %get3A_1304] {strides = array<i32>} : memref<4x200x64xf32, #tpu.memory_space<vmem>>, vector<16xf32>,
        %add3A_1306 = arith.addf %add3A_1280, %get3A_1305 : vector<16xf32>
        %get3A_1307 = arith.constant 0 : i32
        %get3A_1308 = arith.index_cast %get3A_1307 : i32 to index
        %get3A_1309 = arith.index_cast %scan3A_1300 : i32 to index
        %get3A_1310 = arith.constant 16 : index
        %get3A_1311 = tpu.vector_load %arg12[%get3A_1308, %get3A_1309, %get3A_1310] {strides = array<i32>} : memref<4x200x64xf32, #tpu.memory_space<vmem>>, vector<16xf32>,
        %add3A_1312 = arith.addf %add3A_1286, %get3A_1311 : vector<16xf32>
        %get3A_1313 = arith.constant 0 : i32
        %get3A_1314 = arith.index_cast %get3A_1313 : i32 to index
        %get3A_1315 = arith.index_cast %scan3A_1300 : i32 to index
        %get3A_1316 = arith.constant 32 : index
        %get3A_1317 = tpu.vector_load %arg12[%get3A_1314, %get3A_1315, %get3A_1316] {strides = array<i32>} : memref<4x200x64xf32, #tpu.memory_space<vmem>>, vector<16xf32>,
        %add3A_1318 = arith.addf %add3A_1292, %get3A_1317 : vector<16xf32>
        %get3A_1319 = arith.constant 0 : i32
        %get3A_1320 = arith.index_cast %get3A_1319 : i32 to index
        %get3A_1321 = arith.index_cast %scan3A_1300 : i32 to index
        %get3A_1322 = arith.constant 48 : index
        %get3A_1323 = tpu.vector_load %arg12[%get3A_1320, %get3A_1321, %get3A_1322] {strides = array<i32>} : memref<4x200x64xf32, #tpu.memory_space<vmem>>, vector<16xf32>,
        %add3A_1324 = arith.addf %add3A_1298, %get3A_1323 : vector<16xf32>
        %scan3A_1325 = arith.constant 7 : i32
        %scan3A_1326 = arith.addi %scan3A_1140, %scan3A_1325 : i32
        %get3A_1327 = arith.constant 0 : i32
        %get3A_1328 = arith.index_cast %get3A_1327 : i32 to index
        %get3A_1329 = arith.index_cast %scan3A_1326 : i32 to index
        %get3A_1330 = arith.constant 0 : index
        %get3A_1331 = tpu.vector_load %arg12[%get3A_1328, %get3A_1329, %get3A_1330] {strides = array<i32>} : memref<4x200x64xf32, #tpu.memory_space<vmem>>, vector<16xf32>,
        %add3A_1332 = arith.addf %add3A_1306, %get3A_1331 : vector<16xf32>
        %get3A_1333 = arith.constant 0 : i32
        %get3A_1334 = arith.index_cast %get3A_1333 : i32 to index
        %get3A_1335 = arith.index_cast %scan3A_1326 : i32 to index
        %get3A_1336 = arith.constant 16 : index
        %get3A_1337 = tpu.vector_load %arg12[%get3A_1334, %get3A_1335, %get3A_1336] {strides = array<i32>} : memref<4x200x64xf32, #tpu.memory_space<vmem>>, vector<16xf32>,
        %add3A_1338 = arith.addf %add3A_1312, %get3A_1337 : vector<16xf32>
        %get3A_1339 = arith.constant 0 : i32
        %get3A_1340 = arith.index_cast %get3A_1339 : i32 to index
        %get3A_1341 = arith.index_cast %scan3A_1326 : i32 to index
        %get3A_1342 = arith.constant 32 : index
        %get3A_1343 = tpu.vector_load %arg12[%get3A_1340, %get3A_1341, %get3A_1342] {strides = array<i32>} : memref<4x200x64xf32, #tpu.memory_space<vmem>>, vector<16xf32>,
        %add3A_1344 = arith.addf %add3A_1318, %get3A_1343 : vector<16xf32>
        %get3A_1345 = arith.constant 0 : i32
        %get3A_1346 = arith.index_cast %get3A_1345 : i32 to index
        %get3A_1347 = arith.index_cast %scan3A_1326 : i32 to index
        %get3A_1348 = arith.constant 48 : index
        %get3A_1349 = tpu.vector_load %arg12[%get3A_1346, %get3A_1347, %get3A_1348] {strides = array<i32>} : memref<4x200x64xf32, #tpu.memory_space<vmem>>, vector<16xf32>,
        %add3A_1350 = arith.addf %add3A_1324, %get3A_1349 : vector<16xf32>
        scf.yield %add3A_1332, %add3A_1338, %add3A_1344, %add3A_1350 : vector<16xf32>, vector<16xf32>, vector<16xf32>, vector<16xf32>
      }
      %scan3A_725 = arith.constant 200 : i32
      %get3A_726 = arith.index_cast %add3A_694 : i32 to index
      %get3A_727 = arith.constant 0 : index
      %get3A_728 = tpu.vector_load %arg11[%get3A_726, %get3A_727] {strides = array<i32>} : memref<128x64xf32, #tpu.memory_space<vmem>>, vector<16xf32>,
      %get3A_729 = arith.index_cast %add3A_694 : i32 to index
      %get3A_730 = arith.constant 16 : index
      %get3A_731 = tpu.vector_load %arg11[%get3A_729, %get3A_730] {strides = array<i32>} : memref<128x64xf32, #tpu.memory_space<vmem>>, vector<16xf32>,
      %get3A_732 = arith.index_cast %add3A_694 : i32 to index
      %get3A_733 = arith.constant 32 : index
      %get3A_734 = tpu.vector_load %arg11[%get3A_732, %get3A_733] {strides = array<i32>} : memref<128x64xf32, #tpu.memory_space<vmem>>, vector<16xf32>,
      %get3A_735 = arith.index_cast %add3A_694 : i32 to index
      %get3A_736 = arith.constant 48 : index
      %get3A_737 = tpu.vector_load %arg11[%get3A_735, %get3A_736] {strides = array<i32>} : memref<128x64xf32, #tpu.memory_space<vmem>>, vector<16xf32>,
      %jit3A = arith.constant 0.000000e+00 : f32
      %broadcast_in_dim3A_738 = vector.broadcast %jit3A : f32 to vector<16xf32>
      %select_n3A = arith.select %lt3A_10, %scan3A_724#3, %broadcast_in_dim3A_738 : vector<16xi1>, vector<16xf32>
      %jit3A_739 = arith.constant 0.000000e+00 : f32
      %broadcast_in_dim3A_740 = vector.broadcast %jit3A_739 : f32 to vector<16xf32>
      %select_n3A_741 = arith.select %lt3A_10, %get3A_737, %broadcast_in_dim3A_740 : vector<16xi1>, vector<16xf32>
      %mul3A_742 = arith.mulf %scan3A_724#0, %get3A_728 : vector<16xf32>
      %mul3A_743 = arith.mulf %scan3A_724#1, %get3A_731 : vector<16xf32>
      %add3A_744 = arith.addf %mul3A_742, %mul3A_743 : vector<16xf32>
      %mul3A_745 = arith.mulf %scan3A_724#2, %get3A_734 : vector<16xf32>
      %add3A_746 = arith.addf %add3A_744, %mul3A_745 : vector<16xf32>
      %mul3A_747 = arith.mulf %select_n3A, %select_n3A_741 : vector<16xf32>
      %add3A_748 = arith.addf %add3A_746, %mul3A_747 : vector<16xf32>
      %reduce_sum3A = arith.constant true
      %reduce_sum3A_749 = vector.broadcast %reduce_sum3A : i1 to vector<16xi1>
      %reduce_sum3A_750 = tpu.scan <sum>, %add3A_748 masked %reduce_sum3A_749 : vector<16xf32>, vector<16xi1> -> vector<16xf32>
      %reduce_sum3A_751 = vector.extract %reduce_sum3A_750[15] : f32 from vector<16xf32>
      %mul3A_752 = arith.mulf %scan3A_724#0, %scan3A_724#0 : vector<16xf32>
      %mul3A_753 = arith.mulf %scan3A_724#1, %scan3A_724#1 : vector<16xf32>
      %add3A_754 = arith.addf %mul3A_752, %mul3A_753 : vector<16xf32>
      %mul3A_755 = arith.mulf %scan3A_724#2, %scan3A_724#2 : vector<16xf32>
      %add3A_756 = arith.addf %add3A_754, %mul3A_755 : vector<16xf32>
      %mul3A_757 = arith.mulf %select_n3A, %select_n3A : vector<16xf32>
      %add3A_758 = arith.addf %add3A_756, %mul3A_757 : vector<16xf32>
      %reduce_sum3A_759 = arith.constant true
      %reduce_sum3A_760 = vector.broadcast %reduce_sum3A_759 : i1 to vector<16xi1>
      %reduce_sum3A_761 = tpu.scan <sum>, %add3A_758 masked %reduce_sum3A_760 : vector<16xf32>, vector<16xi1> -> vector<16xf32>
      %reduce_sum3A_762 = vector.extract %reduce_sum3A_761[15] : f32 from vector<16xf32>
      %mul3A_763 = arith.mulf %get3A_728, %get3A_728 : vector<16xf32>
      %mul3A_764 = arith.mulf %get3A_731, %get3A_731 : vector<16xf32>
      %add3A_765 = arith.addf %mul3A_763, %mul3A_764 : vector<16xf32>
      %mul3A_766 = arith.mulf %get3A_734, %get3A_734 : vector<16xf32>
      %add3A_767 = arith.addf %add3A_765, %mul3A_766 : vector<16xf32>
      %mul3A_768 = arith.mulf %select_n3A_741, %select_n3A_741 : vector<16xf32>
      %add3A_769 = arith.addf %add3A_767, %mul3A_768 : vector<16xf32>
      %reduce_sum3A_770 = arith.constant true
      %reduce_sum3A_771 = vector.broadcast %reduce_sum3A_770 : i1 to vector<16xi1>
      %reduce_sum3A_772 = tpu.scan <sum>, %add3A_769 masked %reduce_sum3A_771 : vector<16xf32>, vector<16xi1> -> vector<16xf32>
      %reduce_sum3A_773 = vector.extract %reduce_sum3A_772[15] : f32 from vector<16xf32>
      %eq3A = arith.constant 0 : i32
      %eq3A_774 = vector.broadcast %eq3A : i32 to vector<16xi32>
      %eq3A_775 = arith.cmpi eq, %iota3A, %eq3A_774 : vector<16xi32>
      %eq3A_776 = arith.constant 1 : i32
      %eq3A_777 = vector.broadcast %eq3A_776 : i32 to vector<16xi32>
      %eq3A_778 = arith.cmpi eq, %iota3A, %eq3A_777 : vector<16xi32>
      %eq3A_779 = arith.constant 2 : i32
      %eq3A_780 = vector.broadcast %eq3A_779 : i32 to vector<16xi32>
      %eq3A_781 = arith.cmpi eq, %iota3A, %eq3A_780 : vector<16xi32>
      %jit3A_782 = arith.constant 0.000000e+00 : f32
      %broadcast_in_dim3A_783 = vector.broadcast %reduce_sum3A_773 : f32 to vector<16xf32>
      %broadcast_in_dim3A_784 = vector.broadcast %jit3A_782 : f32 to vector<16xf32>
      %select_n3A_785 = arith.select %eq3A_781, %broadcast_in_dim3A_783, %broadcast_in_dim3A_784 : vector<16xi1>, vector<16xf32>
      %broadcast_in_dim3A_786 = vector.broadcast %reduce_sum3A_762 : f32 to vector<16xf32>
      %select_n3A_787 = arith.select %eq3A_778, %broadcast_in_dim3A_786, %select_n3A_785 : vector<16xi1>, vector<16xf32>
      %broadcast_in_dim3A_788 = vector.broadcast %reduce_sum3A_751 : f32 to vector<16xf32>
      %select_n3A_789 = arith.select %eq3A_775, %broadcast_in_dim3A_788, %select_n3A_787 : vector<16xi1>, vector<16xf32>
      %swap3A_790 = arith.index_cast %add3A_694 : i32 to index
      %swap3A_791 = arith.constant 0 : index
      %swap3A_792 = tpu.vector_load %arg13[%swap3A_790, %swap3A_791] {strides = array<i32>} : memref<128x16xf32, #tpu.memory_space<vmem>>, vector<16xf32>,
      tpu.vector_store %arg13[%swap3A_790, %swap3A_791], %select_n3A_789 {strides = array<i32>} : memref<128x16xf32, #tpu.memory_space<vmem>>, vector<16xf32>,
      %add3A_793 = arith.constant 4 : i32
      %add3A_794 = arith.addi %add3A_694, %add3A_793 : i32
      %lt3A_795 = arith.constant 128 : i32
      %lt3A_796 = arith.cmpi slt, %add3A_794, %lt3A_795 : i32
      %convert_element_type3A = arith.extui %lt3A_796 : i1 to i32
      %cond3A = arith.constant 0 : i32
      %cond3A_797 = arith.cmpi ne, %convert_element_type3A, %cond3A : i32
      scf.if %cond3A_797 {
        %add3A_1140 = arith.constant 4 : i32
        %add3A_1141 = arith.addi %add3A_694, %add3A_1140 : i32
        %mul3A_1142 = arith.constant 200 : i32
        %mul3A_1143 = arith.muli %mul3A_1142, %add3A_1141 : i32
        %dma_start3A_1144 = arith.constant 0 : i32
        %dma_start3A_1145 = arith.constant 0 : i32
        %dma_start3A_1146 = arith.constant 0 : i32
        %dma_start3A_1147 = tpu.memref_slice %arg12[%dma_start3A_1144, %dma_start3A_1145, %dma_start3A_1146] : memref<4x200x64xf32, #tpu.memory_space<vmem>> -> memref<1x104x64xf32, #tpu.memory_space<vmem>>
        %dma_start3A_1148 = tpu.memref_squeeze %dma_start3A_1147 : memref<1x104x64xf32, #tpu.memory_space<vmem>> -> memref<104x64xf32, #tpu.memory_space<vmem>>
        %dma_start3A_1149 = tpu.memref_slice %arg9[%mul3A_1143] : memref<25600xi32, #tpu.memory_space<vmem>> -> memref<104xi32, #tpu.memory_space<vmem>>
        %dma_start3A_1150 = arith.constant 0 : i32
        %dma_start3A_1151 = arith.constant 0 : i32
        %dma_start3A_1152 = tpu.memref_slice %arg2[%dma_start3A_1150, %dma_start3A_1151] : memref<100000x64xf32, #tpu.memory_space<hbm>> -> memref<100000x64xf32, #tpu.memory_space<hbm>>
        tpu.enqueue_indirect_dma source(%dma_start3A_1152 : memref<100000x64xf32, #tpu.memory_space<hbm>>) target(%dma_start3A_1148 : memref<104x64xf32, #tpu.memory_space<vmem>>) offsets(%dma_start3A_1149 : memref<104xi32, #tpu.memory_space<vmem>>) semaphore(%arg18 : memref<!tpu.dma_semaphore, #tpu.memory_space<semaphore_mem>>)
        %mul3A_1153 = arith.constant 200 : i32
        %mul3A_1154 = arith.muli %mul3A_1153, %add3A_1141 : i32
        %add3A_1155 = arith.constant 104 : i32
        %add3A_1156 = arith.addi %mul3A_1154, %add3A_1155 : i32
        %dma_start3A_1157 = arith.constant 0 : i32
        %dma_start3A_1158 = arith.constant 104 : i32
        %dma_start3A_1159 = arith.constant 0 : i32
        %dma_start3A_1160 = tpu.memref_slice %arg12[%dma_start3A_1157, %dma_start3A_1158, %dma_start3A_1159] : memref<4x200x64xf32, #tpu.memory_space<vmem>> -> memref<1x96x64xf32, #tpu.memory_space<vmem>>
        %dma_start3A_1161 = tpu.memref_squeeze %dma_start3A_1160 : memref<1x96x64xf32, #tpu.memory_space<vmem>> -> memref<96x64xf32, #tpu.memory_space<vmem>>
        %dma_start3A_1162 = tpu.memref_slice %arg9[%add3A_1156] : memref<25600xi32, #tpu.memory_space<vmem>> -> memref<96xi32, #tpu.memory_space<vmem>>
        %dma_start3A_1163 = arith.constant 0 : i32
        %dma_start3A_1164 = arith.constant 0 : i32
        %dma_start3A_1165 = tpu.memref_slice %arg2[%dma_start3A_1163, %dma_start3A_1164] : memref<100000x64xf32, #tpu.memory_space<hbm>> -> memref<100000x64xf32, #tpu.memory_space<hbm>>
        tpu.enqueue_indirect_dma source(%dma_start3A_1165 : memref<100000x64xf32, #tpu.memory_space<hbm>>) target(%dma_start3A_1161 : memref<96x64xf32, #tpu.memory_space<vmem>>) offsets(%dma_start3A_1162 : memref<96xi32, #tpu.memory_space<vmem>>) semaphore(%arg18 : memref<!tpu.dma_semaphore, #tpu.memory_space<semaphore_mem>>)
      } else {
      }
      %mul3A_798 = arith.constant 4 : i32
      %mul3A_799 = arith.muli %mul3A_798, %scan3A_690 : i32
      %add3A_800 = arith.constant 1 : i32
      %add3A_801 = arith.addi %mul3A_799, %add3A_800 : i32
      %mul3A_802 = arith.constant 200 : i32
      %mul3A_803 = arith.muli %mul3A_802, %add3A_801 : i32
      %dma_wait3A_804 = arith.constant 1 : i32
      %dma_wait3A_805 = arith.constant 0 : i32
      %dma_wait3A_806 = arith.constant 0 : i32
      %dma_wait3A_807 = tpu.memref_slice %arg12[%dma_wait3A_804, %dma_wait3A_805, %dma_wait3A_806] : memref<4x200x64xf32, #tpu.memory_space<vmem>> -> memref<1x104x64xf32, #tpu.memory_space<vmem>>
      %dma_wait3A_808 = tpu.memref_squeeze %dma_wait3A_807 : memref<1x104x64xf32, #tpu.memory_space<vmem>> -> memref<104x64xf32, #tpu.memory_space<vmem>>
      %dma_wait3A_809 = tpu.memref_slice %arg9[%mul3A_803] : memref<25600xi32, #tpu.memory_space<vmem>> -> memref<104xi32, #tpu.memory_space<vmem>>
      %dma_wait3A_810 = arith.constant 0 : i32
      %dma_wait3A_811 = arith.constant 0 : i32
      %dma_wait3A_812 = tpu.memref_slice %arg2[%dma_wait3A_810, %dma_wait3A_811] : memref<100000x64xf32, #tpu.memory_space<hbm>> -> memref<100000x64xf32, #tpu.memory_space<hbm>>
      tpu.wait_indirect_dma semaphore(%arg19 : memref<!tpu.dma_semaphore, #tpu.memory_space<semaphore_mem>>) src(%dma_wait3A_812 : memref<100000x64xf32, #tpu.memory_space<hbm>>) dst(%dma_wait3A_808 : memref<104x64xf32, #tpu.memory_space<vmem>>)
      %mul3A_813 = arith.constant 200 : i32
      %mul3A_814 = arith.muli %mul3A_813, %add3A_801 : i32
      %add3A_815 = arith.constant 104 : i32
      %add3A_816 = arith.addi %mul3A_814, %add3A_815 : i32
      %dma_wait3A_817 = arith.constant 1 : i32
      %dma_wait3A_818 = arith.constant 104 : i32
      %dma_wait3A_819 = arith.constant 0 : i32
      %dma_wait3A_820 = tpu.memref_slice %arg12[%dma_wait3A_817, %dma_wait3A_818, %dma_wait3A_819] : memref<4x200x64xf32, #tpu.memory_space<vmem>> -> memref<1x96x64xf32, #tpu.memory_space<vmem>>
      %dma_wait3A_821 = tpu.memref_squeeze %dma_wait3A_820 : memref<1x96x64xf32, #tpu.memory_space<vmem>> -> memref<96x64xf32, #tpu.memory_space<vmem>>
      %dma_wait3A_822 = tpu.memref_slice %arg9[%add3A_816] : memref<25600xi32, #tpu.memory_space<vmem>> -> memref<96xi32, #tpu.memory_space<vmem>>
      %dma_wait3A_823 = arith.constant 0 : i32
      %dma_wait3A_824 = arith.constant 0 : i32
      %dma_wait3A_825 = tpu.memref_slice %arg2[%dma_wait3A_823, %dma_wait3A_824] : memref<100000x64xf32, #tpu.memory_space<hbm>> -> memref<100000x64xf32, #tpu.memory_space<hbm>>
      tpu.wait_indirect_dma semaphore(%arg19 : memref<!tpu.dma_semaphore, #tpu.memory_space<semaphore_mem>>) src(%dma_wait3A_825 : memref<100000x64xf32, #tpu.memory_space<hbm>>) dst(%dma_wait3A_821 : memref<96x64xf32, #tpu.memory_space<vmem>>)
      %broadcast_in_dim3A_826 = arith.constant 0.000000e+00 : f32
      %broadcast_in_dim3A_827 = vector.broadcast %broadcast_in_dim3A_826 : f32 to vector<16xf32>
      %scan3A_828 = arith.constant 0 : i32
      %scan3A_829 = arith.constant 200 : i32
      %scan3A_830 = arith.addi %scan3A_828, %scan3A_829 : i32
      %scan3A_831 = arith.constant 8 : i32
      %scan3A_832:4 = scf.for %scan3A_1140 = %scan3A_828 to %scan3A_830 step %scan3A_831 iter_args(%scan3A_1141 = %broadcast_in_dim3A_827, %scan3A_1142 = %broadcast_in_dim3A_827, %scan3A_1143 = %broadcast_in_dim3A_827, %scan3A_1144 = %broadcast_in_dim3A_827) -> (vector<16xf32>, vector<16xf32>, vector<16xf32>, vector<16xf32>)  : i32 {
        %get3A_1145 = arith.constant 1 : i32
        %get3A_1146 = arith.index_cast %get3A_1145 : i32 to index
        %get3A_1147 = arith.index_cast %scan3A_1140 : i32 to index
        %get3A_1148 = arith.constant 0 : index
        %get3A_1149 = tpu.vector_load %arg12[%get3A_1146, %get3A_1147, %get3A_1148] {strides = array<i32>} : memref<4x200x64xf32, #tpu.memory_space<vmem>>, vector<16xf32>,
        %add3A_1150 = arith.addf %scan3A_1141, %get3A_1149 : vector<16xf32>
        %get3A_1151 = arith.constant 1 : i32
        %get3A_1152 = arith.index_cast %get3A_1151 : i32 to index
        %get3A_1153 = arith.index_cast %scan3A_1140 : i32 to index
        %get3A_1154 = arith.constant 16 : index
        %get3A_1155 = tpu.vector_load %arg12[%get3A_1152, %get3A_1153, %get3A_1154] {strides = array<i32>} : memref<4x200x64xf32, #tpu.memory_space<vmem>>, vector<16xf32>,
        %add3A_1156 = arith.addf %scan3A_1142, %get3A_1155 : vector<16xf32>
        %get3A_1157 = arith.constant 1 : i32
        %get3A_1158 = arith.index_cast %get3A_1157 : i32 to index
        %get3A_1159 = arith.index_cast %scan3A_1140 : i32 to index
        %get3A_1160 = arith.constant 32 : index
        %get3A_1161 = tpu.vector_load %arg12[%get3A_1158, %get3A_1159, %get3A_1160] {strides = array<i32>} : memref<4x200x64xf32, #tpu.memory_space<vmem>>, vector<16xf32>,
        %add3A_1162 = arith.addf %scan3A_1143, %get3A_1161 : vector<16xf32>
        %get3A_1163 = arith.constant 1 : i32
        %get3A_1164 = arith.index_cast %get3A_1163 : i32 to index
        %get3A_1165 = arith.index_cast %scan3A_1140 : i32 to index
        %get3A_1166 = arith.constant 48 : index
        %get3A_1167 = tpu.vector_load %arg12[%get3A_1164, %get3A_1165, %get3A_1166] {strides = array<i32>} : memref<4x200x64xf32, #tpu.memory_space<vmem>>, vector<16xf32>,
        %add3A_1168 = arith.addf %scan3A_1144, %get3A_1167 : vector<16xf32>
        %scan3A_1169 = arith.constant 1 : i32
        %scan3A_1170 = arith.addi %scan3A_1140, %scan3A_1169 : i32
        %get3A_1171 = arith.constant 1 : i32
        %get3A_1172 = arith.index_cast %get3A_1171 : i32 to index
        %get3A_1173 = arith.index_cast %scan3A_1170 : i32 to index
        %get3A_1174 = arith.constant 0 : index
        %get3A_1175 = tpu.vector_load %arg12[%get3A_1172, %get3A_1173, %get3A_1174] {strides = array<i32>} : memref<4x200x64xf32, #tpu.memory_space<vmem>>, vector<16xf32>,
        %add3A_1176 = arith.addf %add3A_1150, %get3A_1175 : vector<16xf32>
        %get3A_1177 = arith.constant 1 : i32
        %get3A_1178 = arith.index_cast %get3A_1177 : i32 to index
        %get3A_1179 = arith.index_cast %scan3A_1170 : i32 to index
        %get3A_1180 = arith.constant 16 : index
        %get3A_1181 = tpu.vector_load %arg12[%get3A_1178, %get3A_1179, %get3A_1180] {strides = array<i32>} : memref<4x200x64xf32, #tpu.memory_space<vmem>>, vector<16xf32>,
        %add3A_1182 = arith.addf %add3A_1156, %get3A_1181 : vector<16xf32>
        %get3A_1183 = arith.constant 1 : i32
        %get3A_1184 = arith.index_cast %get3A_1183 : i32 to index
        %get3A_1185 = arith.index_cast %scan3A_1170 : i32 to index
        %get3A_1186 = arith.constant 32 : index
        %get3A_1187 = tpu.vector_load %arg12[%get3A_1184, %get3A_1185, %get3A_1186] {strides = array<i32>} : memref<4x200x64xf32, #tpu.memory_space<vmem>>, vector<16xf32>,
        %add3A_1188 = arith.addf %add3A_1162, %get3A_1187 : vector<16xf32>
        %get3A_1189 = arith.constant 1 : i32
        %get3A_1190 = arith.index_cast %get3A_1189 : i32 to index
        %get3A_1191 = arith.index_cast %scan3A_1170 : i32 to index
        %get3A_1192 = arith.constant 48 : index
        %get3A_1193 = tpu.vector_load %arg12[%get3A_1190, %get3A_1191, %get3A_1192] {strides = array<i32>} : memref<4x200x64xf32, #tpu.memory_space<vmem>>, vector<16xf32>,
        %add3A_1194 = arith.addf %add3A_1168, %get3A_1193 : vector<16xf32>
        %scan3A_1195 = arith.constant 2 : i32
        %scan3A_1196 = arith.addi %scan3A_1140, %scan3A_1195 : i32
        %get3A_1197 = arith.constant 1 : i32
        %get3A_1198 = arith.index_cast %get3A_1197 : i32 to index
        %get3A_1199 = arith.index_cast %scan3A_1196 : i32 to index
        %get3A_1200 = arith.constant 0 : index
        %get3A_1201 = tpu.vector_load %arg12[%get3A_1198, %get3A_1199, %get3A_1200] {strides = array<i32>} : memref<4x200x64xf32, #tpu.memory_space<vmem>>, vector<16xf32>,
        %add3A_1202 = arith.addf %add3A_1176, %get3A_1201 : vector<16xf32>
        %get3A_1203 = arith.constant 1 : i32
        %get3A_1204 = arith.index_cast %get3A_1203 : i32 to index
        %get3A_1205 = arith.index_cast %scan3A_1196 : i32 to index
        %get3A_1206 = arith.constant 16 : index
        %get3A_1207 = tpu.vector_load %arg12[%get3A_1204, %get3A_1205, %get3A_1206] {strides = array<i32>} : memref<4x200x64xf32, #tpu.memory_space<vmem>>, vector<16xf32>,
        %add3A_1208 = arith.addf %add3A_1182, %get3A_1207 : vector<16xf32>
        %get3A_1209 = arith.constant 1 : i32
        %get3A_1210 = arith.index_cast %get3A_1209 : i32 to index
        %get3A_1211 = arith.index_cast %scan3A_1196 : i32 to index
        %get3A_1212 = arith.constant 32 : index
        %get3A_1213 = tpu.vector_load %arg12[%get3A_1210, %get3A_1211, %get3A_1212] {strides = array<i32>} : memref<4x200x64xf32, #tpu.memory_space<vmem>>, vector<16xf32>,
        %add3A_1214 = arith.addf %add3A_1188, %get3A_1213 : vector<16xf32>
        %get3A_1215 = arith.constant 1 : i32
        %get3A_1216 = arith.index_cast %get3A_1215 : i32 to index
        %get3A_1217 = arith.index_cast %scan3A_1196 : i32 to index
        %get3A_1218 = arith.constant 48 : index
        %get3A_1219 = tpu.vector_load %arg12[%get3A_1216, %get3A_1217, %get3A_1218] {strides = array<i32>} : memref<4x200x64xf32, #tpu.memory_space<vmem>>, vector<16xf32>,
        %add3A_1220 = arith.addf %add3A_1194, %get3A_1219 : vector<16xf32>
        %scan3A_1221 = arith.constant 3 : i32
        %scan3A_1222 = arith.addi %scan3A_1140, %scan3A_1221 : i32
        %get3A_1223 = arith.constant 1 : i32
        %get3A_1224 = arith.index_cast %get3A_1223 : i32 to index
        %get3A_1225 = arith.index_cast %scan3A_1222 : i32 to index
        %get3A_1226 = arith.constant 0 : index
        %get3A_1227 = tpu.vector_load %arg12[%get3A_1224, %get3A_1225, %get3A_1226] {strides = array<i32>} : memref<4x200x64xf32, #tpu.memory_space<vmem>>, vector<16xf32>,
        %add3A_1228 = arith.addf %add3A_1202, %get3A_1227 : vector<16xf32>
        %get3A_1229 = arith.constant 1 : i32
        %get3A_1230 = arith.index_cast %get3A_1229 : i32 to index
        %get3A_1231 = arith.index_cast %scan3A_1222 : i32 to index
        %get3A_1232 = arith.constant 16 : index
        %get3A_1233 = tpu.vector_load %arg12[%get3A_1230, %get3A_1231, %get3A_1232] {strides = array<i32>} : memref<4x200x64xf32, #tpu.memory_space<vmem>>, vector<16xf32>,
        %add3A_1234 = arith.addf %add3A_1208, %get3A_1233 : vector<16xf32>
        %get3A_1235 = arith.constant 1 : i32
        %get3A_1236 = arith.index_cast %get3A_1235 : i32 to index
        %get3A_1237 = arith.index_cast %scan3A_1222 : i32 to index
        %get3A_1238 = arith.constant 32 : index
        %get3A_1239 = tpu.vector_load %arg12[%get3A_1236, %get3A_1237, %get3A_1238] {strides = array<i32>} : memref<4x200x64xf32, #tpu.memory_space<vmem>>, vector<16xf32>,
        %add3A_1240 = arith.addf %add3A_1214, %get3A_1239 : vector<16xf32>
        %get3A_1241 = arith.constant 1 : i32
        %get3A_1242 = arith.index_cast %get3A_1241 : i32 to index
        %get3A_1243 = arith.index_cast %scan3A_1222 : i32 to index
        %get3A_1244 = arith.constant 48 : index
        %get3A_1245 = tpu.vector_load %arg12[%get3A_1242, %get3A_1243, %get3A_1244] {strides = array<i32>} : memref<4x200x64xf32, #tpu.memory_space<vmem>>, vector<16xf32>,
        %add3A_1246 = arith.addf %add3A_1220, %get3A_1245 : vector<16xf32>
        %scan3A_1247 = arith.constant 4 : i32
        %scan3A_1248 = arith.addi %scan3A_1140, %scan3A_1247 : i32
        %get3A_1249 = arith.constant 1 : i32
        %get3A_1250 = arith.index_cast %get3A_1249 : i32 to index
        %get3A_1251 = arith.index_cast %scan3A_1248 : i32 to index
        %get3A_1252 = arith.constant 0 : index
        %get3A_1253 = tpu.vector_load %arg12[%get3A_1250, %get3A_1251, %get3A_1252] {strides = array<i32>} : memref<4x200x64xf32, #tpu.memory_space<vmem>>, vector<16xf32>,
        %add3A_1254 = arith.addf %add3A_1228, %get3A_1253 : vector<16xf32>
        %get3A_1255 = arith.constant 1 : i32
        %get3A_1256 = arith.index_cast %get3A_1255 : i32 to index
        %get3A_1257 = arith.index_cast %scan3A_1248 : i32 to index
        %get3A_1258 = arith.constant 16 : index
        %get3A_1259 = tpu.vector_load %arg12[%get3A_1256, %get3A_1257, %get3A_1258] {strides = array<i32>} : memref<4x200x64xf32, #tpu.memory_space<vmem>>, vector<16xf32>,
        %add3A_1260 = arith.addf %add3A_1234, %get3A_1259 : vector<16xf32>
        %get3A_1261 = arith.constant 1 : i32
        %get3A_1262 = arith.index_cast %get3A_1261 : i32 to index
        %get3A_1263 = arith.index_cast %scan3A_1248 : i32 to index
        %get3A_1264 = arith.constant 32 : index
        %get3A_1265 = tpu.vector_load %arg12[%get3A_1262, %get3A_1263, %get3A_1264] {strides = array<i32>} : memref<4x200x64xf32, #tpu.memory_space<vmem>>, vector<16xf32>,
        %add3A_1266 = arith.addf %add3A_1240, %get3A_1265 : vector<16xf32>
        %get3A_1267 = arith.constant 1 : i32
        %get3A_1268 = arith.index_cast %get3A_1267 : i32 to index
        %get3A_1269 = arith.index_cast %scan3A_1248 : i32 to index
        %get3A_1270 = arith.constant 48 : index
        %get3A_1271 = tpu.vector_load %arg12[%get3A_1268, %get3A_1269, %get3A_1270] {strides = array<i32>} : memref<4x200x64xf32, #tpu.memory_space<vmem>>, vector<16xf32>,
        %add3A_1272 = arith.addf %add3A_1246, %get3A_1271 : vector<16xf32>
        %scan3A_1273 = arith.constant 5 : i32
        %scan3A_1274 = arith.addi %scan3A_1140, %scan3A_1273 : i32
        %get3A_1275 = arith.constant 1 : i32
        %get3A_1276 = arith.index_cast %get3A_1275 : i32 to index
        %get3A_1277 = arith.index_cast %scan3A_1274 : i32 to index
        %get3A_1278 = arith.constant 0 : index
        %get3A_1279 = tpu.vector_load %arg12[%get3A_1276, %get3A_1277, %get3A_1278] {strides = array<i32>} : memref<4x200x64xf32, #tpu.memory_space<vmem>>, vector<16xf32>,
        %add3A_1280 = arith.addf %add3A_1254, %get3A_1279 : vector<16xf32>
        %get3A_1281 = arith.constant 1 : i32
        %get3A_1282 = arith.index_cast %get3A_1281 : i32 to index
        %get3A_1283 = arith.index_cast %scan3A_1274 : i32 to index
        %get3A_1284 = arith.constant 16 : index
        %get3A_1285 = tpu.vector_load %arg12[%get3A_1282, %get3A_1283, %get3A_1284] {strides = array<i32>} : memref<4x200x64xf32, #tpu.memory_space<vmem>>, vector<16xf32>,
        %add3A_1286 = arith.addf %add3A_1260, %get3A_1285 : vector<16xf32>
        %get3A_1287 = arith.constant 1 : i32
        %get3A_1288 = arith.index_cast %get3A_1287 : i32 to index
        %get3A_1289 = arith.index_cast %scan3A_1274 : i32 to index
        %get3A_1290 = arith.constant 32 : index
        %get3A_1291 = tpu.vector_load %arg12[%get3A_1288, %get3A_1289, %get3A_1290] {strides = array<i32>} : memref<4x200x64xf32, #tpu.memory_space<vmem>>, vector<16xf32>,
        %add3A_1292 = arith.addf %add3A_1266, %get3A_1291 : vector<16xf32>
        %get3A_1293 = arith.constant 1 : i32
        %get3A_1294 = arith.index_cast %get3A_1293 : i32 to index
        %get3A_1295 = arith.index_cast %scan3A_1274 : i32 to index
        %get3A_1296 = arith.constant 48 : index
        %get3A_1297 = tpu.vector_load %arg12[%get3A_1294, %get3A_1295, %get3A_1296] {strides = array<i32>} : memref<4x200x64xf32, #tpu.memory_space<vmem>>, vector<16xf32>,
        %add3A_1298 = arith.addf %add3A_1272, %get3A_1297 : vector<16xf32>
        %scan3A_1299 = arith.constant 6 : i32
        %scan3A_1300 = arith.addi %scan3A_1140, %scan3A_1299 : i32
        %get3A_1301 = arith.constant 1 : i32
        %get3A_1302 = arith.index_cast %get3A_1301 : i32 to index
        %get3A_1303 = arith.index_cast %scan3A_1300 : i32 to index
        %get3A_1304 = arith.constant 0 : index
        %get3A_1305 = tpu.vector_load %arg12[%get3A_1302, %get3A_1303, %get3A_1304] {strides = array<i32>} : memref<4x200x64xf32, #tpu.memory_space<vmem>>, vector<16xf32>,
        %add3A_1306 = arith.addf %add3A_1280, %get3A_1305 : vector<16xf32>
        %get3A_1307 = arith.constant 1 : i32
        %get3A_1308 = arith.index_cast %get3A_1307 : i32 to index
        %get3A_1309 = arith.index_cast %scan3A_1300 : i32 to index
        %get3A_1310 = arith.constant 16 : index
        %get3A_1311 = tpu.vector_load %arg12[%get3A_1308, %get3A_1309, %get3A_1310] {strides = array<i32>} : memref<4x200x64xf32, #tpu.memory_space<vmem>>, vector<16xf32>,
        %add3A_1312 = arith.addf %add3A_1286, %get3A_1311 : vector<16xf32>
        %get3A_1313 = arith.constant 1 : i32
        %get3A_1314 = arith.index_cast %get3A_1313 : i32 to index
        %get3A_1315 = arith.index_cast %scan3A_1300 : i32 to index
        %get3A_1316 = arith.constant 32 : index
        %get3A_1317 = tpu.vector_load %arg12[%get3A_1314, %get3A_1315, %get3A_1316] {strides = array<i32>} : memref<4x200x64xf32, #tpu.memory_space<vmem>>, vector<16xf32>,
        %add3A_1318 = arith.addf %add3A_1292, %get3A_1317 : vector<16xf32>
        %get3A_1319 = arith.constant 1 : i32
        %get3A_1320 = arith.index_cast %get3A_1319 : i32 to index
        %get3A_1321 = arith.index_cast %scan3A_1300 : i32 to index
        %get3A_1322 = arith.constant 48 : index
        %get3A_1323 = tpu.vector_load %arg12[%get3A_1320, %get3A_1321, %get3A_1322] {strides = array<i32>} : memref<4x200x64xf32, #tpu.memory_space<vmem>>, vector<16xf32>,
        %add3A_1324 = arith.addf %add3A_1298, %get3A_1323 : vector<16xf32>
        %scan3A_1325 = arith.constant 7 : i32
        %scan3A_1326 = arith.addi %scan3A_1140, %scan3A_1325 : i32
        %get3A_1327 = arith.constant 1 : i32
        %get3A_1328 = arith.index_cast %get3A_1327 : i32 to index
        %get3A_1329 = arith.index_cast %scan3A_1326 : i32 to index
        %get3A_1330 = arith.constant 0 : index
        %get3A_1331 = tpu.vector_load %arg12[%get3A_1328, %get3A_1329, %get3A_1330] {strides = array<i32>} : memref<4x200x64xf32, #tpu.memory_space<vmem>>, vector<16xf32>,
        %add3A_1332 = arith.addf %add3A_1306, %get3A_1331 : vector<16xf32>
        %get3A_1333 = arith.constant 1 : i32
        %get3A_1334 = arith.index_cast %get3A_1333 : i32 to index
        %get3A_1335 = arith.index_cast %scan3A_1326 : i32 to index
        %get3A_1336 = arith.constant 16 : index
        %get3A_1337 = tpu.vector_load %arg12[%get3A_1334, %get3A_1335, %get3A_1336] {strides = array<i32>} : memref<4x200x64xf32, #tpu.memory_space<vmem>>, vector<16xf32>,
        %add3A_1338 = arith.addf %add3A_1312, %get3A_1337 : vector<16xf32>
        %get3A_1339 = arith.constant 1 : i32
        %get3A_1340 = arith.index_cast %get3A_1339 : i32 to index
        %get3A_1341 = arith.index_cast %scan3A_1326 : i32 to index
        %get3A_1342 = arith.constant 32 : index
        %get3A_1343 = tpu.vector_load %arg12[%get3A_1340, %get3A_1341, %get3A_1342] {strides = array<i32>} : memref<4x200x64xf32, #tpu.memory_space<vmem>>, vector<16xf32>,
        %add3A_1344 = arith.addf %add3A_1318, %get3A_1343 : vector<16xf32>
        %get3A_1345 = arith.constant 1 : i32
        %get3A_1346 = arith.index_cast %get3A_1345 : i32 to index
        %get3A_1347 = arith.index_cast %scan3A_1326 : i32 to index
        %get3A_1348 = arith.constant 48 : index
        %get3A_1349 = tpu.vector_load %arg12[%get3A_1346, %get3A_1347, %get3A_1348] {strides = array<i32>} : memref<4x200x64xf32, #tpu.memory_space<vmem>>, vector<16xf32>,
        %add3A_1350 = arith.addf %add3A_1324, %get3A_1349 : vector<16xf32>
        scf.yield %add3A_1332, %add3A_1338, %add3A_1344, %add3A_1350 : vector<16xf32>, vector<16xf32>, vector<16xf32>, vector<16xf32>
      }
      %scan3A_833 = arith.constant 200 : i32
      %get3A_834 = arith.index_cast %add3A_801 : i32 to index
      %get3A_835 = arith.constant 0 : index
      %get3A_836 = tpu.vector_load %arg11[%get3A_834, %get3A_835] {strides = array<i32>} : memref<128x64xf32, #tpu.memory_space<vmem>>, vector<16xf32>,
      %get3A_837 = arith.index_cast %add3A_801 : i32 to index
      %get3A_838 = arith.constant 16 : index
      %get3A_839 = tpu.vector_load %arg11[%get3A_837, %get3A_838] {strides = array<i32>} : memref<128x64xf32, #tpu.memory_space<vmem>>, vector<16xf32>,
      %get3A_840 = arith.index_cast %add3A_801 : i32 to index
      %get3A_841 = arith.constant 32 : index
      %get3A_842 = tpu.vector_load %arg11[%get3A_840, %get3A_841] {strides = array<i32>} : memref<128x64xf32, #tpu.memory_space<vmem>>, vector<16xf32>,
      %get3A_843 = arith.index_cast %add3A_801 : i32 to index
      %get3A_844 = arith.constant 48 : index
      %get3A_845 = tpu.vector_load %arg11[%get3A_843, %get3A_844] {strides = array<i32>} : memref<128x64xf32, #tpu.memory_space<vmem>>, vector<16xf32>,
      %jit3A_846 = arith.constant 0.000000e+00 : f32
      %broadcast_in_dim3A_847 = vector.broadcast %jit3A_846 : f32 to vector<16xf32>
      %select_n3A_848 = arith.select %lt3A_10, %scan3A_832#3, %broadcast_in_dim3A_847 : vector<16xi1>, vector<16xf32>
      %jit3A_849 = arith.constant 0.000000e+00 : f32
      %broadcast_in_dim3A_850 = vector.broadcast %jit3A_849 : f32 to vector<16xf32>
      %select_n3A_851 = arith.select %lt3A_10, %get3A_845, %broadcast_in_dim3A_850 : vector<16xi1>, vector<16xf32>
      %mul3A_852 = arith.mulf %scan3A_832#0, %get3A_836 : vector<16xf32>
      %mul3A_853 = arith.mulf %scan3A_832#1, %get3A_839 : vector<16xf32>
      %add3A_854 = arith.addf %mul3A_852, %mul3A_853 : vector<16xf32>
      %mul3A_855 = arith.mulf %scan3A_832#2, %get3A_842 : vector<16xf32>
      %add3A_856 = arith.addf %add3A_854, %mul3A_855 : vector<16xf32>
      %mul3A_857 = arith.mulf %select_n3A_848, %select_n3A_851 : vector<16xf32>
      %add3A_858 = arith.addf %add3A_856, %mul3A_857 : vector<16xf32>
      %reduce_sum3A_859 = arith.constant true
      %reduce_sum3A_860 = vector.broadcast %reduce_sum3A_859 : i1 to vector<16xi1>
      %reduce_sum3A_861 = tpu.scan <sum>, %add3A_858 masked %reduce_sum3A_860 : vector<16xf32>, vector<16xi1> -> vector<16xf32>
      %reduce_sum3A_862 = vector.extract %reduce_sum3A_861[15] : f32 from vector<16xf32>
      %mul3A_863 = arith.mulf %scan3A_832#0, %scan3A_832#0 : vector<16xf32>
      %mul3A_864 = arith.mulf %scan3A_832#1, %scan3A_832#1 : vector<16xf32>
      %add3A_865 = arith.addf %mul3A_863, %mul3A_864 : vector<16xf32>
      %mul3A_866 = arith.mulf %scan3A_832#2, %scan3A_832#2 : vector<16xf32>
      %add3A_867 = arith.addf %add3A_865, %mul3A_866 : vector<16xf32>
      %mul3A_868 = arith.mulf %select_n3A_848, %select_n3A_848 : vector<16xf32>
      %add3A_869 = arith.addf %add3A_867, %mul3A_868 : vector<16xf32>
      %reduce_sum3A_870 = arith.constant true
      %reduce_sum3A_871 = vector.broadcast %reduce_sum3A_870 : i1 to vector<16xi1>
      %reduce_sum3A_872 = tpu.scan <sum>, %add3A_869 masked %reduce_sum3A_871 : vector<16xf32>, vector<16xi1> -> vector<16xf32>
      %reduce_sum3A_873 = vector.extract %reduce_sum3A_872[15] : f32 from vector<16xf32>
      %mul3A_874 = arith.mulf %get3A_836, %get3A_836 : vector<16xf32>
      %mul3A_875 = arith.mulf %get3A_839, %get3A_839 : vector<16xf32>
      %add3A_876 = arith.addf %mul3A_874, %mul3A_875 : vector<16xf32>
      %mul3A_877 = arith.mulf %get3A_842, %get3A_842 : vector<16xf32>
      %add3A_878 = arith.addf %add3A_876, %mul3A_877 : vector<16xf32>
      %mul3A_879 = arith.mulf %select_n3A_851, %select_n3A_851 : vector<16xf32>
      %add3A_880 = arith.addf %add3A_878, %mul3A_879 : vector<16xf32>
      %reduce_sum3A_881 = arith.constant true
      %reduce_sum3A_882 = vector.broadcast %reduce_sum3A_881 : i1 to vector<16xi1>
      %reduce_sum3A_883 = tpu.scan <sum>, %add3A_880 masked %reduce_sum3A_882 : vector<16xf32>, vector<16xi1> -> vector<16xf32>
      %reduce_sum3A_884 = vector.extract %reduce_sum3A_883[15] : f32 from vector<16xf32>
      %eq3A_885 = arith.constant 0 : i32
      %eq3A_886 = vector.broadcast %eq3A_885 : i32 to vector<16xi32>
      %eq3A_887 = arith.cmpi eq, %iota3A, %eq3A_886 : vector<16xi32>
      %eq3A_888 = arith.constant 1 : i32
      %eq3A_889 = vector.broadcast %eq3A_888 : i32 to vector<16xi32>
      %eq3A_890 = arith.cmpi eq, %iota3A, %eq3A_889 : vector<16xi32>
      %eq3A_891 = arith.constant 2 : i32
      %eq3A_892 = vector.broadcast %eq3A_891 : i32 to vector<16xi32>
      %eq3A_893 = arith.cmpi eq, %iota3A, %eq3A_892 : vector<16xi32>
      %jit3A_894 = arith.constant 0.000000e+00 : f32
      %broadcast_in_dim3A_895 = vector.broadcast %reduce_sum3A_884 : f32 to vector<16xf32>
      %broadcast_in_dim3A_896 = vector.broadcast %jit3A_894 : f32 to vector<16xf32>
      %select_n3A_897 = arith.select %eq3A_893, %broadcast_in_dim3A_895, %broadcast_in_dim3A_896 : vector<16xi1>, vector<16xf32>
      %broadcast_in_dim3A_898 = vector.broadcast %reduce_sum3A_873 : f32 to vector<16xf32>
      %select_n3A_899 = arith.select %eq3A_890, %broadcast_in_dim3A_898, %select_n3A_897 : vector<16xi1>, vector<16xf32>
      %broadcast_in_dim3A_900 = vector.broadcast %reduce_sum3A_862 : f32 to vector<16xf32>
      %select_n3A_901 = arith.select %eq3A_887, %broadcast_in_dim3A_900, %select_n3A_899 : vector<16xi1>, vector<16xf32>
      %swap3A_902 = arith.index_cast %add3A_801 : i32 to index
      %swap3A_903 = arith.constant 0 : index
      %swap3A_904 = tpu.vector_load %arg13[%swap3A_902, %swap3A_903] {strides = array<i32>} : memref<128x16xf32, #tpu.memory_space<vmem>>, vector<16xf32>,
      tpu.vector_store %arg13[%swap3A_902, %swap3A_903], %select_n3A_901 {strides = array<i32>} : memref<128x16xf32, #tpu.memory_space<vmem>>, vector<16xf32>,
      %add3A_905 = arith.constant 4 : i32
      %add3A_906 = arith.addi %add3A_801, %add3A_905 : i32
      %lt3A_907 = arith.constant 128 : i32
      %lt3A_908 = arith.cmpi slt, %add3A_906, %lt3A_907 : i32
      %convert_element_type3A_909 = arith.extui %lt3A_908 : i1 to i32
      %cond3A_910 = arith.constant 0 : i32
      %cond3A_911 = arith.cmpi ne, %convert_element_type3A_909, %cond3A_910 : i32
      scf.if %cond3A_911 {
        %add3A_1140 = arith.constant 4 : i32
        %add3A_1141 = arith.addi %add3A_801, %add3A_1140 : i32
        %mul3A_1142 = arith.constant 200 : i32
        %mul3A_1143 = arith.muli %mul3A_1142, %add3A_1141 : i32
        %dma_start3A_1144 = arith.constant 1 : i32
        %dma_start3A_1145 = arith.constant 0 : i32
        %dma_start3A_1146 = arith.constant 0 : i32
        %dma_start3A_1147 = tpu.memref_slice %arg12[%dma_start3A_1144, %dma_start3A_1145, %dma_start3A_1146] : memref<4x200x64xf32, #tpu.memory_space<vmem>> -> memref<1x104x64xf32, #tpu.memory_space<vmem>>
        %dma_start3A_1148 = tpu.memref_squeeze %dma_start3A_1147 : memref<1x104x64xf32, #tpu.memory_space<vmem>> -> memref<104x64xf32, #tpu.memory_space<vmem>>
        %dma_start3A_1149 = tpu.memref_slice %arg9[%mul3A_1143] : memref<25600xi32, #tpu.memory_space<vmem>> -> memref<104xi32, #tpu.memory_space<vmem>>
        %dma_start3A_1150 = arith.constant 0 : i32
        %dma_start3A_1151 = arith.constant 0 : i32
        %dma_start3A_1152 = tpu.memref_slice %arg2[%dma_start3A_1150, %dma_start3A_1151] : memref<100000x64xf32, #tpu.memory_space<hbm>> -> memref<100000x64xf32, #tpu.memory_space<hbm>>
        tpu.enqueue_indirect_dma source(%dma_start3A_1152 : memref<100000x64xf32, #tpu.memory_space<hbm>>) target(%dma_start3A_1148 : memref<104x64xf32, #tpu.memory_space<vmem>>) offsets(%dma_start3A_1149 : memref<104xi32, #tpu.memory_space<vmem>>) semaphore(%arg19 : memref<!tpu.dma_semaphore, #tpu.memory_space<semaphore_mem>>)
        %mul3A_1153 = arith.constant 200 : i32
        %mul3A_1154 = arith.muli %mul3A_1153, %add3A_1141 : i32
        %add3A_1155 = arith.constant 104 : i32
        %add3A_1156 = arith.addi %mul3A_1154, %add3A_1155 : i32
        %dma_start3A_1157 = arith.constant 1 : i32
        %dma_start3A_1158 = arith.constant 104 : i32
        %dma_start3A_1159 = arith.constant 0 : i32
        %dma_start3A_1160 = tpu.memref_slice %arg12[%dma_start3A_1157, %dma_start3A_1158, %dma_start3A_1159] : memref<4x200x64xf32, #tpu.memory_space<vmem>> -> memref<1x96x64xf32, #tpu.memory_space<vmem>>
        %dma_start3A_1161 = tpu.memref_squeeze %dma_start3A_1160 : memref<1x96x64xf32, #tpu.memory_space<vmem>> -> memref<96x64xf32, #tpu.memory_space<vmem>>
        %dma_start3A_1162 = tpu.memref_slice %arg9[%add3A_1156] : memref<25600xi32, #tpu.memory_space<vmem>> -> memref<96xi32, #tpu.memory_space<vmem>>
        %dma_start3A_1163 = arith.constant 0 : i32
        %dma_start3A_1164 = arith.constant 0 : i32
        %dma_start3A_1165 = tpu.memref_slice %arg2[%dma_start3A_1163, %dma_start3A_1164] : memref<100000x64xf32, #tpu.memory_space<hbm>> -> memref<100000x64xf32, #tpu.memory_space<hbm>>
        tpu.enqueue_indirect_dma source(%dma_start3A_1165 : memref<100000x64xf32, #tpu.memory_space<hbm>>) target(%dma_start3A_1161 : memref<96x64xf32, #tpu.memory_space<vmem>>) offsets(%dma_start3A_1162 : memref<96xi32, #tpu.memory_space<vmem>>) semaphore(%arg19 : memref<!tpu.dma_semaphore, #tpu.memory_space<semaphore_mem>>)
      } else {
      }
      %mul3A_912 = arith.constant 4 : i32
      %mul3A_913 = arith.muli %mul3A_912, %scan3A_690 : i32
      %add3A_914 = arith.constant 2 : i32
      %add3A_915 = arith.addi %mul3A_913, %add3A_914 : i32
      %mul3A_916 = arith.constant 200 : i32
      %mul3A_917 = arith.muli %mul3A_916, %add3A_915 : i32
      %dma_wait3A_918 = arith.constant 2 : i32
      %dma_wait3A_919 = arith.constant 0 : i32
      %dma_wait3A_920 = arith.constant 0 : i32
      %dma_wait3A_921 = tpu.memref_slice %arg12[%dma_wait3A_918, %dma_wait3A_919, %dma_wait3A_920] : memref<4x200x64xf32, #tpu.memory_space<vmem>> -> memref<1x104x64xf32, #tpu.memory_space<vmem>>
      %dma_wait3A_922 = tpu.memref_squeeze %dma_wait3A_921 : memref<1x104x64xf32, #tpu.memory_space<vmem>> -> memref<104x64xf32, #tpu.memory_space<vmem>>
      %dma_wait3A_923 = tpu.memref_slice %arg9[%mul3A_917] : memref<25600xi32, #tpu.memory_space<vmem>> -> memref<104xi32, #tpu.memory_space<vmem>>
      %dma_wait3A_924 = arith.constant 0 : i32
      %dma_wait3A_925 = arith.constant 0 : i32
      %dma_wait3A_926 = tpu.memref_slice %arg2[%dma_wait3A_924, %dma_wait3A_925] : memref<100000x64xf32, #tpu.memory_space<hbm>> -> memref<100000x64xf32, #tpu.memory_space<hbm>>
      tpu.wait_indirect_dma semaphore(%arg20 : memref<!tpu.dma_semaphore, #tpu.memory_space<semaphore_mem>>) src(%dma_wait3A_926 : memref<100000x64xf32, #tpu.memory_space<hbm>>) dst(%dma_wait3A_922 : memref<104x64xf32, #tpu.memory_space<vmem>>)
      %mul3A_927 = arith.constant 200 : i32
      %mul3A_928 = arith.muli %mul3A_927, %add3A_915 : i32
      %add3A_929 = arith.constant 104 : i32
      %add3A_930 = arith.addi %mul3A_928, %add3A_929 : i32
      %dma_wait3A_931 = arith.constant 2 : i32
      %dma_wait3A_932 = arith.constant 104 : i32
      %dma_wait3A_933 = arith.constant 0 : i32
      %dma_wait3A_934 = tpu.memref_slice %arg12[%dma_wait3A_931, %dma_wait3A_932, %dma_wait3A_933] : memref<4x200x64xf32, #tpu.memory_space<vmem>> -> memref<1x96x64xf32, #tpu.memory_space<vmem>>
      %dma_wait3A_935 = tpu.memref_squeeze %dma_wait3A_934 : memref<1x96x64xf32, #tpu.memory_space<vmem>> -> memref<96x64xf32, #tpu.memory_space<vmem>>
      %dma_wait3A_936 = tpu.memref_slice %arg9[%add3A_930] : memref<25600xi32, #tpu.memory_space<vmem>> -> memref<96xi32, #tpu.memory_space<vmem>>
      %dma_wait3A_937 = arith.constant 0 : i32
      %dma_wait3A_938 = arith.constant 0 : i32
      %dma_wait3A_939 = tpu.memref_slice %arg2[%dma_wait3A_937, %dma_wait3A_938] : memref<100000x64xf32, #tpu.memory_space<hbm>> -> memref<100000x64xf32, #tpu.memory_space<hbm>>
      tpu.wait_indirect_dma semaphore(%arg20 : memref<!tpu.dma_semaphore, #tpu.memory_space<semaphore_mem>>) src(%dma_wait3A_939 : memref<100000x64xf32, #tpu.memory_space<hbm>>) dst(%dma_wait3A_935 : memref<96x64xf32, #tpu.memory_space<vmem>>)
      %broadcast_in_dim3A_940 = arith.constant 0.000000e+00 : f32
      %broadcast_in_dim3A_941 = vector.broadcast %broadcast_in_dim3A_940 : f32 to vector<16xf32>
      %scan3A_942 = arith.constant 0 : i32
      %scan3A_943 = arith.constant 200 : i32
      %scan3A_944 = arith.addi %scan3A_942, %scan3A_943 : i32
      %scan3A_945 = arith.constant 8 : i32
      %scan3A_946:4 = scf.for %scan3A_1140 = %scan3A_942 to %scan3A_944 step %scan3A_945 iter_args(%scan3A_1141 = %broadcast_in_dim3A_941, %scan3A_1142 = %broadcast_in_dim3A_941, %scan3A_1143 = %broadcast_in_dim3A_941, %scan3A_1144 = %broadcast_in_dim3A_941) -> (vector<16xf32>, vector<16xf32>, vector<16xf32>, vector<16xf32>)  : i32 {
        %get3A_1145 = arith.constant 2 : i32
        %get3A_1146 = arith.index_cast %get3A_1145 : i32 to index
        %get3A_1147 = arith.index_cast %scan3A_1140 : i32 to index
        %get3A_1148 = arith.constant 0 : index
        %get3A_1149 = tpu.vector_load %arg12[%get3A_1146, %get3A_1147, %get3A_1148] {strides = array<i32>} : memref<4x200x64xf32, #tpu.memory_space<vmem>>, vector<16xf32>,
        %add3A_1150 = arith.addf %scan3A_1141, %get3A_1149 : vector<16xf32>
        %get3A_1151 = arith.constant 2 : i32
        %get3A_1152 = arith.index_cast %get3A_1151 : i32 to index
        %get3A_1153 = arith.index_cast %scan3A_1140 : i32 to index
        %get3A_1154 = arith.constant 16 : index
        %get3A_1155 = tpu.vector_load %arg12[%get3A_1152, %get3A_1153, %get3A_1154] {strides = array<i32>} : memref<4x200x64xf32, #tpu.memory_space<vmem>>, vector<16xf32>,
        %add3A_1156 = arith.addf %scan3A_1142, %get3A_1155 : vector<16xf32>
        %get3A_1157 = arith.constant 2 : i32
        %get3A_1158 = arith.index_cast %get3A_1157 : i32 to index
        %get3A_1159 = arith.index_cast %scan3A_1140 : i32 to index
        %get3A_1160 = arith.constant 32 : index
        %get3A_1161 = tpu.vector_load %arg12[%get3A_1158, %get3A_1159, %get3A_1160] {strides = array<i32>} : memref<4x200x64xf32, #tpu.memory_space<vmem>>, vector<16xf32>,
        %add3A_1162 = arith.addf %scan3A_1143, %get3A_1161 : vector<16xf32>
        %get3A_1163 = arith.constant 2 : i32
        %get3A_1164 = arith.index_cast %get3A_1163 : i32 to index
        %get3A_1165 = arith.index_cast %scan3A_1140 : i32 to index
        %get3A_1166 = arith.constant 48 : index
        %get3A_1167 = tpu.vector_load %arg12[%get3A_1164, %get3A_1165, %get3A_1166] {strides = array<i32>} : memref<4x200x64xf32, #tpu.memory_space<vmem>>, vector<16xf32>,
        %add3A_1168 = arith.addf %scan3A_1144, %get3A_1167 : vector<16xf32>
        %scan3A_1169 = arith.constant 1 : i32
        %scan3A_1170 = arith.addi %scan3A_1140, %scan3A_1169 : i32
        %get3A_1171 = arith.constant 2 : i32
        %get3A_1172 = arith.index_cast %get3A_1171 : i32 to index
        %get3A_1173 = arith.index_cast %scan3A_1170 : i32 to index
        %get3A_1174 = arith.constant 0 : index
        %get3A_1175 = tpu.vector_load %arg12[%get3A_1172, %get3A_1173, %get3A_1174] {strides = array<i32>} : memref<4x200x64xf32, #tpu.memory_space<vmem>>, vector<16xf32>,
        %add3A_1176 = arith.addf %add3A_1150, %get3A_1175 : vector<16xf32>
        %get3A_1177 = arith.constant 2 : i32
        %get3A_1178 = arith.index_cast %get3A_1177 : i32 to index
        %get3A_1179 = arith.index_cast %scan3A_1170 : i32 to index
        %get3A_1180 = arith.constant 16 : index
        %get3A_1181 = tpu.vector_load %arg12[%get3A_1178, %get3A_1179, %get3A_1180] {strides = array<i32>} : memref<4x200x64xf32, #tpu.memory_space<vmem>>, vector<16xf32>,
        %add3A_1182 = arith.addf %add3A_1156, %get3A_1181 : vector<16xf32>
        %get3A_1183 = arith.constant 2 : i32
        %get3A_1184 = arith.index_cast %get3A_1183 : i32 to index
        %get3A_1185 = arith.index_cast %scan3A_1170 : i32 to index
        %get3A_1186 = arith.constant 32 : index
        %get3A_1187 = tpu.vector_load %arg12[%get3A_1184, %get3A_1185, %get3A_1186] {strides = array<i32>} : memref<4x200x64xf32, #tpu.memory_space<vmem>>, vector<16xf32>,
        %add3A_1188 = arith.addf %add3A_1162, %get3A_1187 : vector<16xf32>
        %get3A_1189 = arith.constant 2 : i32
        %get3A_1190 = arith.index_cast %get3A_1189 : i32 to index
        %get3A_1191 = arith.index_cast %scan3A_1170 : i32 to index
        %get3A_1192 = arith.constant 48 : index
        %get3A_1193 = tpu.vector_load %arg12[%get3A_1190, %get3A_1191, %get3A_1192] {strides = array<i32>} : memref<4x200x64xf32, #tpu.memory_space<vmem>>, vector<16xf32>,
        %add3A_1194 = arith.addf %add3A_1168, %get3A_1193 : vector<16xf32>
        %scan3A_1195 = arith.constant 2 : i32
        %scan3A_1196 = arith.addi %scan3A_1140, %scan3A_1195 : i32
        %get3A_1197 = arith.constant 2 : i32
        %get3A_1198 = arith.index_cast %get3A_1197 : i32 to index
        %get3A_1199 = arith.index_cast %scan3A_1196 : i32 to index
        %get3A_1200 = arith.constant 0 : index
        %get3A_1201 = tpu.vector_load %arg12[%get3A_1198, %get3A_1199, %get3A_1200] {strides = array<i32>} : memref<4x200x64xf32, #tpu.memory_space<vmem>>, vector<16xf32>,
        %add3A_1202 = arith.addf %add3A_1176, %get3A_1201 : vector<16xf32>
        %get3A_1203 = arith.constant 2 : i32
        %get3A_1204 = arith.index_cast %get3A_1203 : i32 to index
        %get3A_1205 = arith.index_cast %scan3A_1196 : i32 to index
        %get3A_1206 = arith.constant 16 : index
        %get3A_1207 = tpu.vector_load %arg12[%get3A_1204, %get3A_1205, %get3A_1206] {strides = array<i32>} : memref<4x200x64xf32, #tpu.memory_space<vmem>>, vector<16xf32>,
        %add3A_1208 = arith.addf %add3A_1182, %get3A_1207 : vector<16xf32>
        %get3A_1209 = arith.constant 2 : i32
        %get3A_1210 = arith.index_cast %get3A_1209 : i32 to index
        %get3A_1211 = arith.index_cast %scan3A_1196 : i32 to index
        %get3A_1212 = arith.constant 32 : index
        %get3A_1213 = tpu.vector_load %arg12[%get3A_1210, %get3A_1211, %get3A_1212] {strides = array<i32>} : memref<4x200x64xf32, #tpu.memory_space<vmem>>, vector<16xf32>,
        %add3A_1214 = arith.addf %add3A_1188, %get3A_1213 : vector<16xf32>
        %get3A_1215 = arith.constant 2 : i32
        %get3A_1216 = arith.index_cast %get3A_1215 : i32 to index
        %get3A_1217 = arith.index_cast %scan3A_1196 : i32 to index
        %get3A_1218 = arith.constant 48 : index
        %get3A_1219 = tpu.vector_load %arg12[%get3A_1216, %get3A_1217, %get3A_1218] {strides = array<i32>} : memref<4x200x64xf32, #tpu.memory_space<vmem>>, vector<16xf32>,
        %add3A_1220 = arith.addf %add3A_1194, %get3A_1219 : vector<16xf32>
        %scan3A_1221 = arith.constant 3 : i32
        %scan3A_1222 = arith.addi %scan3A_1140, %scan3A_1221 : i32
        %get3A_1223 = arith.constant 2 : i32
        %get3A_1224 = arith.index_cast %get3A_1223 : i32 to index
        %get3A_1225 = arith.index_cast %scan3A_1222 : i32 to index
        %get3A_1226 = arith.constant 0 : index
        %get3A_1227 = tpu.vector_load %arg12[%get3A_1224, %get3A_1225, %get3A_1226] {strides = array<i32>} : memref<4x200x64xf32, #tpu.memory_space<vmem>>, vector<16xf32>,
        %add3A_1228 = arith.addf %add3A_1202, %get3A_1227 : vector<16xf32>
        %get3A_1229 = arith.constant 2 : i32
        %get3A_1230 = arith.index_cast %get3A_1229 : i32 to index
        %get3A_1231 = arith.index_cast %scan3A_1222 : i32 to index
        %get3A_1232 = arith.constant 16 : index
        %get3A_1233 = tpu.vector_load %arg12[%get3A_1230, %get3A_1231, %get3A_1232] {strides = array<i32>} : memref<4x200x64xf32, #tpu.memory_space<vmem>>, vector<16xf32>,
        %add3A_1234 = arith.addf %add3A_1208, %get3A_1233 : vector<16xf32>
        %get3A_1235 = arith.constant 2 : i32
        %get3A_1236 = arith.index_cast %get3A_1235 : i32 to index
        %get3A_1237 = arith.index_cast %scan3A_1222 : i32 to index
        %get3A_1238 = arith.constant 32 : index
        %get3A_1239 = tpu.vector_load %arg12[%get3A_1236, %get3A_1237, %get3A_1238] {strides = array<i32>} : memref<4x200x64xf32, #tpu.memory_space<vmem>>, vector<16xf32>,
        %add3A_1240 = arith.addf %add3A_1214, %get3A_1239 : vector<16xf32>
        %get3A_1241 = arith.constant 2 : i32
        %get3A_1242 = arith.index_cast %get3A_1241 : i32 to index
        %get3A_1243 = arith.index_cast %scan3A_1222 : i32 to index
        %get3A_1244 = arith.constant 48 : index
        %get3A_1245 = tpu.vector_load %arg12[%get3A_1242, %get3A_1243, %get3A_1244] {strides = array<i32>} : memref<4x200x64xf32, #tpu.memory_space<vmem>>, vector<16xf32>,
        %add3A_1246 = arith.addf %add3A_1220, %get3A_1245 : vector<16xf32>
        %scan3A_1247 = arith.constant 4 : i32
        %scan3A_1248 = arith.addi %scan3A_1140, %scan3A_1247 : i32
        %get3A_1249 = arith.constant 2 : i32
        %get3A_1250 = arith.index_cast %get3A_1249 : i32 to index
        %get3A_1251 = arith.index_cast %scan3A_1248 : i32 to index
        %get3A_1252 = arith.constant 0 : index
        %get3A_1253 = tpu.vector_load %arg12[%get3A_1250, %get3A_1251, %get3A_1252] {strides = array<i32>} : memref<4x200x64xf32, #tpu.memory_space<vmem>>, vector<16xf32>,
        %add3A_1254 = arith.addf %add3A_1228, %get3A_1253 : vector<16xf32>
        %get3A_1255 = arith.constant 2 : i32
        %get3A_1256 = arith.index_cast %get3A_1255 : i32 to index
        %get3A_1257 = arith.index_cast %scan3A_1248 : i32 to index
        %get3A_1258 = arith.constant 16 : index
        %get3A_1259 = tpu.vector_load %arg12[%get3A_1256, %get3A_1257, %get3A_1258] {strides = array<i32>} : memref<4x200x64xf32, #tpu.memory_space<vmem>>, vector<16xf32>,
        %add3A_1260 = arith.addf %add3A_1234, %get3A_1259 : vector<16xf32>
        %get3A_1261 = arith.constant 2 : i32
        %get3A_1262 = arith.index_cast %get3A_1261 : i32 to index
        %get3A_1263 = arith.index_cast %scan3A_1248 : i32 to index
        %get3A_1264 = arith.constant 32 : index
        %get3A_1265 = tpu.vector_load %arg12[%get3A_1262, %get3A_1263, %get3A_1264] {strides = array<i32>} : memref<4x200x64xf32, #tpu.memory_space<vmem>>, vector<16xf32>,
        %add3A_1266 = arith.addf %add3A_1240, %get3A_1265 : vector<16xf32>
        %get3A_1267 = arith.constant 2 : i32
        %get3A_1268 = arith.index_cast %get3A_1267 : i32 to index
        %get3A_1269 = arith.index_cast %scan3A_1248 : i32 to index
        %get3A_1270 = arith.constant 48 : index
        %get3A_1271 = tpu.vector_load %arg12[%get3A_1268, %get3A_1269, %get3A_1270] {strides = array<i32>} : memref<4x200x64xf32, #tpu.memory_space<vmem>>, vector<16xf32>,
        %add3A_1272 = arith.addf %add3A_1246, %get3A_1271 : vector<16xf32>
        %scan3A_1273 = arith.constant 5 : i32
        %scan3A_1274 = arith.addi %scan3A_1140, %scan3A_1273 : i32
        %get3A_1275 = arith.constant 2 : i32
        %get3A_1276 = arith.index_cast %get3A_1275 : i32 to index
        %get3A_1277 = arith.index_cast %scan3A_1274 : i32 to index
        %get3A_1278 = arith.constant 0 : index
        %get3A_1279 = tpu.vector_load %arg12[%get3A_1276, %get3A_1277, %get3A_1278] {strides = array<i32>} : memref<4x200x64xf32, #tpu.memory_space<vmem>>, vector<16xf32>,
        %add3A_1280 = arith.addf %add3A_1254, %get3A_1279 : vector<16xf32>
        %get3A_1281 = arith.constant 2 : i32
        %get3A_1282 = arith.index_cast %get3A_1281 : i32 to index
        %get3A_1283 = arith.index_cast %scan3A_1274 : i32 to index
        %get3A_1284 = arith.constant 16 : index
        %get3A_1285 = tpu.vector_load %arg12[%get3A_1282, %get3A_1283, %get3A_1284] {strides = array<i32>} : memref<4x200x64xf32, #tpu.memory_space<vmem>>, vector<16xf32>,
        %add3A_1286 = arith.addf %add3A_1260, %get3A_1285 : vector<16xf32>
        %get3A_1287 = arith.constant 2 : i32
        %get3A_1288 = arith.index_cast %get3A_1287 : i32 to index
        %get3A_1289 = arith.index_cast %scan3A_1274 : i32 to index
        %get3A_1290 = arith.constant 32 : index
        %get3A_1291 = tpu.vector_load %arg12[%get3A_1288, %get3A_1289, %get3A_1290] {strides = array<i32>} : memref<4x200x64xf32, #tpu.memory_space<vmem>>, vector<16xf32>,
        %add3A_1292 = arith.addf %add3A_1266, %get3A_1291 : vector<16xf32>
        %get3A_1293 = arith.constant 2 : i32
        %get3A_1294 = arith.index_cast %get3A_1293 : i32 to index
        %get3A_1295 = arith.index_cast %scan3A_1274 : i32 to index
        %get3A_1296 = arith.constant 48 : index
        %get3A_1297 = tpu.vector_load %arg12[%get3A_1294, %get3A_1295, %get3A_1296] {strides = array<i32>} : memref<4x200x64xf32, #tpu.memory_space<vmem>>, vector<16xf32>,
        %add3A_1298 = arith.addf %add3A_1272, %get3A_1297 : vector<16xf32>
        %scan3A_1299 = arith.constant 6 : i32
        %scan3A_1300 = arith.addi %scan3A_1140, %scan3A_1299 : i32
        %get3A_1301 = arith.constant 2 : i32
        %get3A_1302 = arith.index_cast %get3A_1301 : i32 to index
        %get3A_1303 = arith.index_cast %scan3A_1300 : i32 to index
        %get3A_1304 = arith.constant 0 : index
        %get3A_1305 = tpu.vector_load %arg12[%get3A_1302, %get3A_1303, %get3A_1304] {strides = array<i32>} : memref<4x200x64xf32, #tpu.memory_space<vmem>>, vector<16xf32>,
        %add3A_1306 = arith.addf %add3A_1280, %get3A_1305 : vector<16xf32>
        %get3A_1307 = arith.constant 2 : i32
        %get3A_1308 = arith.index_cast %get3A_1307 : i32 to index
        %get3A_1309 = arith.index_cast %scan3A_1300 : i32 to index
        %get3A_1310 = arith.constant 16 : index
        %get3A_1311 = tpu.vector_load %arg12[%get3A_1308, %get3A_1309, %get3A_1310] {strides = array<i32>} : memref<4x200x64xf32, #tpu.memory_space<vmem>>, vector<16xf32>,
        %add3A_1312 = arith.addf %add3A_1286, %get3A_1311 : vector<16xf32>
        %get3A_1313 = arith.constant 2 : i32
        %get3A_1314 = arith.index_cast %get3A_1313 : i32 to index
        %get3A_1315 = arith.index_cast %scan3A_1300 : i32 to index
        %get3A_1316 = arith.constant 32 : index
        %get3A_1317 = tpu.vector_load %arg12[%get3A_1314, %get3A_1315, %get3A_1316] {strides = array<i32>} : memref<4x200x64xf32, #tpu.memory_space<vmem>>, vector<16xf32>,
        %add3A_1318 = arith.addf %add3A_1292, %get3A_1317 : vector<16xf32>
        %get3A_1319 = arith.constant 2 : i32
        %get3A_1320 = arith.index_cast %get3A_1319 : i32 to index
        %get3A_1321 = arith.index_cast %scan3A_1300 : i32 to index
        %get3A_1322 = arith.constant 48 : index
        %get3A_1323 = tpu.vector_load %arg12[%get3A_1320, %get3A_1321, %get3A_1322] {strides = array<i32>} : memref<4x200x64xf32, #tpu.memory_space<vmem>>, vector<16xf32>,
        %add3A_1324 = arith.addf %add3A_1298, %get3A_1323 : vector<16xf32>
        %scan3A_1325 = arith.constant 7 : i32
        %scan3A_1326 = arith.addi %scan3A_1140, %scan3A_1325 : i32
        %get3A_1327 = arith.constant 2 : i32
        %get3A_1328 = arith.index_cast %get3A_1327 : i32 to index
        %get3A_1329 = arith.index_cast %scan3A_1326 : i32 to index
        %get3A_1330 = arith.constant 0 : index
        %get3A_1331 = tpu.vector_load %arg12[%get3A_1328, %get3A_1329, %get3A_1330] {strides = array<i32>} : memref<4x200x64xf32, #tpu.memory_space<vmem>>, vector<16xf32>,
        %add3A_1332 = arith.addf %add3A_1306, %get3A_1331 : vector<16xf32>
        %get3A_1333 = arith.constant 2 : i32
        %get3A_1334 = arith.index_cast %get3A_1333 : i32 to index
        %get3A_1335 = arith.index_cast %scan3A_1326 : i32 to index
        %get3A_1336 = arith.constant 16 : index
        %get3A_1337 = tpu.vector_load %arg12[%get3A_1334, %get3A_1335, %get3A_1336] {strides = array<i32>} : memref<4x200x64xf32, #tpu.memory_space<vmem>>, vector<16xf32>,
        %add3A_1338 = arith.addf %add3A_1312, %get3A_1337 : vector<16xf32>
        %get3A_1339 = arith.constant 2 : i32
        %get3A_1340 = arith.index_cast %get3A_1339 : i32 to index
        %get3A_1341 = arith.index_cast %scan3A_1326 : i32 to index
        %get3A_1342 = arith.constant 32 : index
        %get3A_1343 = tpu.vector_load %arg12[%get3A_1340, %get3A_1341, %get3A_1342] {strides = array<i32>} : memref<4x200x64xf32, #tpu.memory_space<vmem>>, vector<16xf32>,
        %add3A_1344 = arith.addf %add3A_1318, %get3A_1343 : vector<16xf32>
        %get3A_1345 = arith.constant 2 : i32
        %get3A_1346 = arith.index_cast %get3A_1345 : i32 to index
        %get3A_1347 = arith.index_cast %scan3A_1326 : i32 to index
        %get3A_1348 = arith.constant 48 : index
        %get3A_1349 = tpu.vector_load %arg12[%get3A_1346, %get3A_1347, %get3A_1348] {strides = array<i32>} : memref<4x200x64xf32, #tpu.memory_space<vmem>>, vector<16xf32>,
        %add3A_1350 = arith.addf %add3A_1324, %get3A_1349 : vector<16xf32>
        scf.yield %add3A_1332, %add3A_1338, %add3A_1344, %add3A_1350 : vector<16xf32>, vector<16xf32>, vector<16xf32>, vector<16xf32>
      }
      %scan3A_947 = arith.constant 200 : i32
      %get3A_948 = arith.index_cast %add3A_915 : i32 to index
      %get3A_949 = arith.constant 0 : index
      %get3A_950 = tpu.vector_load %arg11[%get3A_948, %get3A_949] {strides = array<i32>} : memref<128x64xf32, #tpu.memory_space<vmem>>, vector<16xf32>,
      %get3A_951 = arith.index_cast %add3A_915 : i32 to index
      %get3A_952 = arith.constant 16 : index
      %get3A_953 = tpu.vector_load %arg11[%get3A_951, %get3A_952] {strides = array<i32>} : memref<128x64xf32, #tpu.memory_space<vmem>>, vector<16xf32>,
      %get3A_954 = arith.index_cast %add3A_915 : i32 to index
      %get3A_955 = arith.constant 32 : index
      %get3A_956 = tpu.vector_load %arg11[%get3A_954, %get3A_955] {strides = array<i32>} : memref<128x64xf32, #tpu.memory_space<vmem>>, vector<16xf32>,
      %get3A_957 = arith.index_cast %add3A_915 : i32 to index
      %get3A_958 = arith.constant 48 : index
      %get3A_959 = tpu.vector_load %arg11[%get3A_957, %get3A_958] {strides = array<i32>} : memref<128x64xf32, #tpu.memory_space<vmem>>, vector<16xf32>,
      %jit3A_960 = arith.constant 0.000000e+00 : f32
      %broadcast_in_dim3A_961 = vector.broadcast %jit3A_960 : f32 to vector<16xf32>
      %select_n3A_962 = arith.select %lt3A_10, %scan3A_946#3, %broadcast_in_dim3A_961 : vector<16xi1>, vector<16xf32>
      %jit3A_963 = arith.constant 0.000000e+00 : f32
      %broadcast_in_dim3A_964 = vector.broadcast %jit3A_963 : f32 to vector<16xf32>
      %select_n3A_965 = arith.select %lt3A_10, %get3A_959, %broadcast_in_dim3A_964 : vector<16xi1>, vector<16xf32>
      %mul3A_966 = arith.mulf %scan3A_946#0, %get3A_950 : vector<16xf32>
      %mul3A_967 = arith.mulf %scan3A_946#1, %get3A_953 : vector<16xf32>
      %add3A_968 = arith.addf %mul3A_966, %mul3A_967 : vector<16xf32>
      %mul3A_969 = arith.mulf %scan3A_946#2, %get3A_956 : vector<16xf32>
      %add3A_970 = arith.addf %add3A_968, %mul3A_969 : vector<16xf32>
      %mul3A_971 = arith.mulf %select_n3A_962, %select_n3A_965 : vector<16xf32>
      %add3A_972 = arith.addf %add3A_970, %mul3A_971 : vector<16xf32>
      %reduce_sum3A_973 = arith.constant true
      %reduce_sum3A_974 = vector.broadcast %reduce_sum3A_973 : i1 to vector<16xi1>
      %reduce_sum3A_975 = tpu.scan <sum>, %add3A_972 masked %reduce_sum3A_974 : vector<16xf32>, vector<16xi1> -> vector<16xf32>
      %reduce_sum3A_976 = vector.extract %reduce_sum3A_975[15] : f32 from vector<16xf32>
      %mul3A_977 = arith.mulf %scan3A_946#0, %scan3A_946#0 : vector<16xf32>
      %mul3A_978 = arith.mulf %scan3A_946#1, %scan3A_946#1 : vector<16xf32>
      %add3A_979 = arith.addf %mul3A_977, %mul3A_978 : vector<16xf32>
      %mul3A_980 = arith.mulf %scan3A_946#2, %scan3A_946#2 : vector<16xf32>
      %add3A_981 = arith.addf %add3A_979, %mul3A_980 : vector<16xf32>
      %mul3A_982 = arith.mulf %select_n3A_962, %select_n3A_962 : vector<16xf32>
      %add3A_983 = arith.addf %add3A_981, %mul3A_982 : vector<16xf32>
      %reduce_sum3A_984 = arith.constant true
      %reduce_sum3A_985 = vector.broadcast %reduce_sum3A_984 : i1 to vector<16xi1>
      %reduce_sum3A_986 = tpu.scan <sum>, %add3A_983 masked %reduce_sum3A_985 : vector<16xf32>, vector<16xi1> -> vector<16xf32>
      %reduce_sum3A_987 = vector.extract %reduce_sum3A_986[15] : f32 from vector<16xf32>
      %mul3A_988 = arith.mulf %get3A_950, %get3A_950 : vector<16xf32>
      %mul3A_989 = arith.mulf %get3A_953, %get3A_953 : vector<16xf32>
      %add3A_990 = arith.addf %mul3A_988, %mul3A_989 : vector<16xf32>
      %mul3A_991 = arith.mulf %get3A_956, %get3A_956 : vector<16xf32>
      %add3A_992 = arith.addf %add3A_990, %mul3A_991 : vector<16xf32>
      %mul3A_993 = arith.mulf %select_n3A_965, %select_n3A_965 : vector<16xf32>
      %add3A_994 = arith.addf %add3A_992, %mul3A_993 : vector<16xf32>
      %reduce_sum3A_995 = arith.constant true
      %reduce_sum3A_996 = vector.broadcast %reduce_sum3A_995 : i1 to vector<16xi1>
      %reduce_sum3A_997 = tpu.scan <sum>, %add3A_994 masked %reduce_sum3A_996 : vector<16xf32>, vector<16xi1> -> vector<16xf32>
      %reduce_sum3A_998 = vector.extract %reduce_sum3A_997[15] : f32 from vector<16xf32>
      %eq3A_999 = arith.constant 0 : i32
      %eq3A_1000 = vector.broadcast %eq3A_999 : i32 to vector<16xi32>
      %eq3A_1001 = arith.cmpi eq, %iota3A, %eq3A_1000 : vector<16xi32>
      %eq3A_1002 = arith.constant 1 : i32
      %eq3A_1003 = vector.broadcast %eq3A_1002 : i32 to vector<16xi32>
      %eq3A_1004 = arith.cmpi eq, %iota3A, %eq3A_1003 : vector<16xi32>
      %eq3A_1005 = arith.constant 2 : i32
      %eq3A_1006 = vector.broadcast %eq3A_1005 : i32 to vector<16xi32>
      %eq3A_1007 = arith.cmpi eq, %iota3A, %eq3A_1006 : vector<16xi32>
      %jit3A_1008 = arith.constant 0.000000e+00 : f32
      %broadcast_in_dim3A_1009 = vector.broadcast %reduce_sum3A_998 : f32 to vector<16xf32>
      %broadcast_in_dim3A_1010 = vector.broadcast %jit3A_1008 : f32 to vector<16xf32>
      %select_n3A_1011 = arith.select %eq3A_1007, %broadcast_in_dim3A_1009, %broadcast_in_dim3A_1010 : vector<16xi1>, vector<16xf32>
      %broadcast_in_dim3A_1012 = vector.broadcast %reduce_sum3A_987 : f32 to vector<16xf32>
      %select_n3A_1013 = arith.select %eq3A_1004, %broadcast_in_dim3A_1012, %select_n3A_1011 : vector<16xi1>, vector<16xf32>
      %broadcast_in_dim3A_1014 = vector.broadcast %reduce_sum3A_976 : f32 to vector<16xf32>
      %select_n3A_1015 = arith.select %eq3A_1001, %broadcast_in_dim3A_1014, %select_n3A_1013 : vector<16xi1>, vector<16xf32>
      %swap3A_1016 = arith.index_cast %add3A_915 : i32 to index
      %swap3A_1017 = arith.constant 0 : index
      %swap3A_1018 = tpu.vector_load %arg13[%swap3A_1016, %swap3A_1017] {strides = array<i32>} : memref<128x16xf32, #tpu.memory_space<vmem>>, vector<16xf32>,
      tpu.vector_store %arg13[%swap3A_1016, %swap3A_1017], %select_n3A_1015 {strides = array<i32>} : memref<128x16xf32, #tpu.memory_space<vmem>>, vector<16xf32>,
      %add3A_1019 = arith.constant 4 : i32
      %add3A_1020 = arith.addi %add3A_915, %add3A_1019 : i32
      %lt3A_1021 = arith.constant 128 : i32
      %lt3A_1022 = arith.cmpi slt, %add3A_1020, %lt3A_1021 : i32
      %convert_element_type3A_1023 = arith.extui %lt3A_1022 : i1 to i32
      %cond3A_1024 = arith.constant 0 : i32
      %cond3A_1025 = arith.cmpi ne, %convert_element_type3A_1023, %cond3A_1024 : i32
      scf.if %cond3A_1025 {
        %add3A_1140 = arith.constant 4 : i32
        %add3A_1141 = arith.addi %add3A_915, %add3A_1140 : i32
        %mul3A_1142 = arith.constant 200 : i32
        %mul3A_1143 = arith.muli %mul3A_1142, %add3A_1141 : i32
        %dma_start3A_1144 = arith.constant 2 : i32
        %dma_start3A_1145 = arith.constant 0 : i32
        %dma_start3A_1146 = arith.constant 0 : i32
        %dma_start3A_1147 = tpu.memref_slice %arg12[%dma_start3A_1144, %dma_start3A_1145, %dma_start3A_1146] : memref<4x200x64xf32, #tpu.memory_space<vmem>> -> memref<1x104x64xf32, #tpu.memory_space<vmem>>
        %dma_start3A_1148 = tpu.memref_squeeze %dma_start3A_1147 : memref<1x104x64xf32, #tpu.memory_space<vmem>> -> memref<104x64xf32, #tpu.memory_space<vmem>>
        %dma_start3A_1149 = tpu.memref_slice %arg9[%mul3A_1143] : memref<25600xi32, #tpu.memory_space<vmem>> -> memref<104xi32, #tpu.memory_space<vmem>>
        %dma_start3A_1150 = arith.constant 0 : i32
        %dma_start3A_1151 = arith.constant 0 : i32
        %dma_start3A_1152 = tpu.memref_slice %arg2[%dma_start3A_1150, %dma_start3A_1151] : memref<100000x64xf32, #tpu.memory_space<hbm>> -> memref<100000x64xf32, #tpu.memory_space<hbm>>
        tpu.enqueue_indirect_dma source(%dma_start3A_1152 : memref<100000x64xf32, #tpu.memory_space<hbm>>) target(%dma_start3A_1148 : memref<104x64xf32, #tpu.memory_space<vmem>>) offsets(%dma_start3A_1149 : memref<104xi32, #tpu.memory_space<vmem>>) semaphore(%arg20 : memref<!tpu.dma_semaphore, #tpu.memory_space<semaphore_mem>>)
        %mul3A_1153 = arith.constant 200 : i32
        %mul3A_1154 = arith.muli %mul3A_1153, %add3A_1141 : i32
        %add3A_1155 = arith.constant 104 : i32
        %add3A_1156 = arith.addi %mul3A_1154, %add3A_1155 : i32
        %dma_start3A_1157 = arith.constant 2 : i32
        %dma_start3A_1158 = arith.constant 104 : i32
        %dma_start3A_1159 = arith.constant 0 : i32
        %dma_start3A_1160 = tpu.memref_slice %arg12[%dma_start3A_1157, %dma_start3A_1158, %dma_start3A_1159] : memref<4x200x64xf32, #tpu.memory_space<vmem>> -> memref<1x96x64xf32, #tpu.memory_space<vmem>>
        %dma_start3A_1161 = tpu.memref_squeeze %dma_start3A_1160 : memref<1x96x64xf32, #tpu.memory_space<vmem>> -> memref<96x64xf32, #tpu.memory_space<vmem>>
        %dma_start3A_1162 = tpu.memref_slice %arg9[%add3A_1156] : memref<25600xi32, #tpu.memory_space<vmem>> -> memref<96xi32, #tpu.memory_space<vmem>>
        %dma_start3A_1163 = arith.constant 0 : i32
        %dma_start3A_1164 = arith.constant 0 : i32
        %dma_start3A_1165 = tpu.memref_slice %arg2[%dma_start3A_1163, %dma_start3A_1164] : memref<100000x64xf32, #tpu.memory_space<hbm>> -> memref<100000x64xf32, #tpu.memory_space<hbm>>
        tpu.enqueue_indirect_dma source(%dma_start3A_1165 : memref<100000x64xf32, #tpu.memory_space<hbm>>) target(%dma_start3A_1161 : memref<96x64xf32, #tpu.memory_space<vmem>>) offsets(%dma_start3A_1162 : memref<96xi32, #tpu.memory_space<vmem>>) semaphore(%arg20 : memref<!tpu.dma_semaphore, #tpu.memory_space<semaphore_mem>>)
      } else {
      }
      %mul3A_1026 = arith.constant 4 : i32
      %mul3A_1027 = arith.muli %mul3A_1026, %scan3A_690 : i32
      %add3A_1028 = arith.constant 3 : i32
      %add3A_1029 = arith.addi %mul3A_1027, %add3A_1028 : i32
      %mul3A_1030 = arith.constant 200 : i32
      %mul3A_1031 = arith.muli %mul3A_1030, %add3A_1029 : i32
      %dma_wait3A_1032 = arith.constant 3 : i32
      %dma_wait3A_1033 = arith.constant 0 : i32
      %dma_wait3A_1034 = arith.constant 0 : i32
      %dma_wait3A_1035 = tpu.memref_slice %arg12[%dma_wait3A_1032, %dma_wait3A_1033, %dma_wait3A_1034] : memref<4x200x64xf32, #tpu.memory_space<vmem>> -> memref<1x104x64xf32, #tpu.memory_space<vmem>>
      %dma_wait3A_1036 = tpu.memref_squeeze %dma_wait3A_1035 : memref<1x104x64xf32, #tpu.memory_space<vmem>> -> memref<104x64xf32, #tpu.memory_space<vmem>>
      %dma_wait3A_1037 = tpu.memref_slice %arg9[%mul3A_1031] : memref<25600xi32, #tpu.memory_space<vmem>> -> memref<104xi32, #tpu.memory_space<vmem>>
      %dma_wait3A_1038 = arith.constant 0 : i32
      %dma_wait3A_1039 = arith.constant 0 : i32
      %dma_wait3A_1040 = tpu.memref_slice %arg2[%dma_wait3A_1038, %dma_wait3A_1039] : memref<100000x64xf32, #tpu.memory_space<hbm>> -> memref<100000x64xf32, #tpu.memory_space<hbm>>
      tpu.wait_indirect_dma semaphore(%arg21 : memref<!tpu.dma_semaphore, #tpu.memory_space<semaphore_mem>>) src(%dma_wait3A_1040 : memref<100000x64xf32, #tpu.memory_space<hbm>>) dst(%dma_wait3A_1036 : memref<104x64xf32, #tpu.memory_space<vmem>>)
      %mul3A_1041 = arith.constant 200 : i32
      %mul3A_1042 = arith.muli %mul3A_1041, %add3A_1029 : i32
      %add3A_1043 = arith.constant 104 : i32
      %add3A_1044 = arith.addi %mul3A_1042, %add3A_1043 : i32
      %dma_wait3A_1045 = arith.constant 3 : i32
      %dma_wait3A_1046 = arith.constant 104 : i32
      %dma_wait3A_1047 = arith.constant 0 : i32
      %dma_wait3A_1048 = tpu.memref_slice %arg12[%dma_wait3A_1045, %dma_wait3A_1046, %dma_wait3A_1047] : memref<4x200x64xf32, #tpu.memory_space<vmem>> -> memref<1x96x64xf32, #tpu.memory_space<vmem>>
      %dma_wait3A_1049 = tpu.memref_squeeze %dma_wait3A_1048 : memref<1x96x64xf32, #tpu.memory_space<vmem>> -> memref<96x64xf32, #tpu.memory_space<vmem>>
      %dma_wait3A_1050 = tpu.memref_slice %arg9[%add3A_1044] : memref<25600xi32, #tpu.memory_space<vmem>> -> memref<96xi32, #tpu.memory_space<vmem>>
      %dma_wait3A_1051 = arith.constant 0 : i32
      %dma_wait3A_1052 = arith.constant 0 : i32
      %dma_wait3A_1053 = tpu.memref_slice %arg2[%dma_wait3A_1051, %dma_wait3A_1052] : memref<100000x64xf32, #tpu.memory_space<hbm>> -> memref<100000x64xf32, #tpu.memory_space<hbm>>
      tpu.wait_indirect_dma semaphore(%arg21 : memref<!tpu.dma_semaphore, #tpu.memory_space<semaphore_mem>>) src(%dma_wait3A_1053 : memref<100000x64xf32, #tpu.memory_space<hbm>>) dst(%dma_wait3A_1049 : memref<96x64xf32, #tpu.memory_space<vmem>>)
      %broadcast_in_dim3A_1054 = arith.constant 0.000000e+00 : f32
      %broadcast_in_dim3A_1055 = vector.broadcast %broadcast_in_dim3A_1054 : f32 to vector<16xf32>
      %scan3A_1056 = arith.constant 0 : i32
      %scan3A_1057 = arith.constant 200 : i32
      %scan3A_1058 = arith.addi %scan3A_1056, %scan3A_1057 : i32
      %scan3A_1059 = arith.constant 8 : i32
      %scan3A_1060:4 = scf.for %scan3A_1140 = %scan3A_1056 to %scan3A_1058 step %scan3A_1059 iter_args(%scan3A_1141 = %broadcast_in_dim3A_1055, %scan3A_1142 = %broadcast_in_dim3A_1055, %scan3A_1143 = %broadcast_in_dim3A_1055, %scan3A_1144 = %broadcast_in_dim3A_1055) -> (vector<16xf32>, vector<16xf32>, vector<16xf32>, vector<16xf32>)  : i32 {
        %get3A_1145 = arith.constant 3 : i32
        %get3A_1146 = arith.index_cast %get3A_1145 : i32 to index
        %get3A_1147 = arith.index_cast %scan3A_1140 : i32 to index
        %get3A_1148 = arith.constant 0 : index
        %get3A_1149 = tpu.vector_load %arg12[%get3A_1146, %get3A_1147, %get3A_1148] {strides = array<i32>} : memref<4x200x64xf32, #tpu.memory_space<vmem>>, vector<16xf32>,
        %add3A_1150 = arith.addf %scan3A_1141, %get3A_1149 : vector<16xf32>
        %get3A_1151 = arith.constant 3 : i32
        %get3A_1152 = arith.index_cast %get3A_1151 : i32 to index
        %get3A_1153 = arith.index_cast %scan3A_1140 : i32 to index
        %get3A_1154 = arith.constant 16 : index
        %get3A_1155 = tpu.vector_load %arg12[%get3A_1152, %get3A_1153, %get3A_1154] {strides = array<i32>} : memref<4x200x64xf32, #tpu.memory_space<vmem>>, vector<16xf32>,
        %add3A_1156 = arith.addf %scan3A_1142, %get3A_1155 : vector<16xf32>
        %get3A_1157 = arith.constant 3 : i32
        %get3A_1158 = arith.index_cast %get3A_1157 : i32 to index
        %get3A_1159 = arith.index_cast %scan3A_1140 : i32 to index
        %get3A_1160 = arith.constant 32 : index
        %get3A_1161 = tpu.vector_load %arg12[%get3A_1158, %get3A_1159, %get3A_1160] {strides = array<i32>} : memref<4x200x64xf32, #tpu.memory_space<vmem>>, vector<16xf32>,
        %add3A_1162 = arith.addf %scan3A_1143, %get3A_1161 : vector<16xf32>
        %get3A_1163 = arith.constant 3 : i32
        %get3A_1164 = arith.index_cast %get3A_1163 : i32 to index
        %get3A_1165 = arith.index_cast %scan3A_1140 : i32 to index
        %get3A_1166 = arith.constant 48 : index
        %get3A_1167 = tpu.vector_load %arg12[%get3A_1164, %get3A_1165, %get3A_1166] {strides = array<i32>} : memref<4x200x64xf32, #tpu.memory_space<vmem>>, vector<16xf32>,
        %add3A_1168 = arith.addf %scan3A_1144, %get3A_1167 : vector<16xf32>
        %scan3A_1169 = arith.constant 1 : i32
        %scan3A_1170 = arith.addi %scan3A_1140, %scan3A_1169 : i32
        %get3A_1171 = arith.constant 3 : i32
        %get3A_1172 = arith.index_cast %get3A_1171 : i32 to index
        %get3A_1173 = arith.index_cast %scan3A_1170 : i32 to index
        %get3A_1174 = arith.constant 0 : index
        %get3A_1175 = tpu.vector_load %arg12[%get3A_1172, %get3A_1173, %get3A_1174] {strides = array<i32>} : memref<4x200x64xf32, #tpu.memory_space<vmem>>, vector<16xf32>,
        %add3A_1176 = arith.addf %add3A_1150, %get3A_1175 : vector<16xf32>
        %get3A_1177 = arith.constant 3 : i32
        %get3A_1178 = arith.index_cast %get3A_1177 : i32 to index
        %get3A_1179 = arith.index_cast %scan3A_1170 : i32 to index
        %get3A_1180 = arith.constant 16 : index
        %get3A_1181 = tpu.vector_load %arg12[%get3A_1178, %get3A_1179, %get3A_1180] {strides = array<i32>} : memref<4x200x64xf32, #tpu.memory_space<vmem>>, vector<16xf32>,
        %add3A_1182 = arith.addf %add3A_1156, %get3A_1181 : vector<16xf32>
        %get3A_1183 = arith.constant 3 : i32
        %get3A_1184 = arith.index_cast %get3A_1183 : i32 to index
        %get3A_1185 = arith.index_cast %scan3A_1170 : i32 to index
        %get3A_1186 = arith.constant 32 : index
        %get3A_1187 = tpu.vector_load %arg12[%get3A_1184, %get3A_1185, %get3A_1186] {strides = array<i32>} : memref<4x200x64xf32, #tpu.memory_space<vmem>>, vector<16xf32>,
        %add3A_1188 = arith.addf %add3A_1162, %get3A_1187 : vector<16xf32>
        %get3A_1189 = arith.constant 3 : i32
        %get3A_1190 = arith.index_cast %get3A_1189 : i32 to index
        %get3A_1191 = arith.index_cast %scan3A_1170 : i32 to index
        %get3A_1192 = arith.constant 48 : index
        %get3A_1193 = tpu.vector_load %arg12[%get3A_1190, %get3A_1191, %get3A_1192] {strides = array<i32>} : memref<4x200x64xf32, #tpu.memory_space<vmem>>, vector<16xf32>,
        %add3A_1194 = arith.addf %add3A_1168, %get3A_1193 : vector<16xf32>
        %scan3A_1195 = arith.constant 2 : i32
        %scan3A_1196 = arith.addi %scan3A_1140, %scan3A_1195 : i32
        %get3A_1197 = arith.constant 3 : i32
        %get3A_1198 = arith.index_cast %get3A_1197 : i32 to index
        %get3A_1199 = arith.index_cast %scan3A_1196 : i32 to index
        %get3A_1200 = arith.constant 0 : index
        %get3A_1201 = tpu.vector_load %arg12[%get3A_1198, %get3A_1199, %get3A_1200] {strides = array<i32>} : memref<4x200x64xf32, #tpu.memory_space<vmem>>, vector<16xf32>,
        %add3A_1202 = arith.addf %add3A_1176, %get3A_1201 : vector<16xf32>
        %get3A_1203 = arith.constant 3 : i32
        %get3A_1204 = arith.index_cast %get3A_1203 : i32 to index
        %get3A_1205 = arith.index_cast %scan3A_1196 : i32 to index
        %get3A_1206 = arith.constant 16 : index
        %get3A_1207 = tpu.vector_load %arg12[%get3A_1204, %get3A_1205, %get3A_1206] {strides = array<i32>} : memref<4x200x64xf32, #tpu.memory_space<vmem>>, vector<16xf32>,
        %add3A_1208 = arith.addf %add3A_1182, %get3A_1207 : vector<16xf32>
        %get3A_1209 = arith.constant 3 : i32
        %get3A_1210 = arith.index_cast %get3A_1209 : i32 to index
        %get3A_1211 = arith.index_cast %scan3A_1196 : i32 to index
        %get3A_1212 = arith.constant 32 : index
        %get3A_1213 = tpu.vector_load %arg12[%get3A_1210, %get3A_1211, %get3A_1212] {strides = array<i32>} : memref<4x200x64xf32, #tpu.memory_space<vmem>>, vector<16xf32>,
        %add3A_1214 = arith.addf %add3A_1188, %get3A_1213 : vector<16xf32>
        %get3A_1215 = arith.constant 3 : i32
        %get3A_1216 = arith.index_cast %get3A_1215 : i32 to index
        %get3A_1217 = arith.index_cast %scan3A_1196 : i32 to index
        %get3A_1218 = arith.constant 48 : index
        %get3A_1219 = tpu.vector_load %arg12[%get3A_1216, %get3A_1217, %get3A_1218] {strides = array<i32>} : memref<4x200x64xf32, #tpu.memory_space<vmem>>, vector<16xf32>,
        %add3A_1220 = arith.addf %add3A_1194, %get3A_1219 : vector<16xf32>
        %scan3A_1221 = arith.constant 3 : i32
        %scan3A_1222 = arith.addi %scan3A_1140, %scan3A_1221 : i32
        %get3A_1223 = arith.constant 3 : i32
        %get3A_1224 = arith.index_cast %get3A_1223 : i32 to index
        %get3A_1225 = arith.index_cast %scan3A_1222 : i32 to index
        %get3A_1226 = arith.constant 0 : index
        %get3A_1227 = tpu.vector_load %arg12[%get3A_1224, %get3A_1225, %get3A_1226] {strides = array<i32>} : memref<4x200x64xf32, #tpu.memory_space<vmem>>, vector<16xf32>,
        %add3A_1228 = arith.addf %add3A_1202, %get3A_1227 : vector<16xf32>
        %get3A_1229 = arith.constant 3 : i32
        %get3A_1230 = arith.index_cast %get3A_1229 : i32 to index
        %get3A_1231 = arith.index_cast %scan3A_1222 : i32 to index
        %get3A_1232 = arith.constant 16 : index
        %get3A_1233 = tpu.vector_load %arg12[%get3A_1230, %get3A_1231, %get3A_1232] {strides = array<i32>} : memref<4x200x64xf32, #tpu.memory_space<vmem>>, vector<16xf32>,
        %add3A_1234 = arith.addf %add3A_1208, %get3A_1233 : vector<16xf32>
        %get3A_1235 = arith.constant 3 : i32
        %get3A_1236 = arith.index_cast %get3A_1235 : i32 to index
        %get3A_1237 = arith.index_cast %scan3A_1222 : i32 to index
        %get3A_1238 = arith.constant 32 : index
        %get3A_1239 = tpu.vector_load %arg12[%get3A_1236, %get3A_1237, %get3A_1238] {strides = array<i32>} : memref<4x200x64xf32, #tpu.memory_space<vmem>>, vector<16xf32>,
        %add3A_1240 = arith.addf %add3A_1214, %get3A_1239 : vector<16xf32>
        %get3A_1241 = arith.constant 3 : i32
        %get3A_1242 = arith.index_cast %get3A_1241 : i32 to index
        %get3A_1243 = arith.index_cast %scan3A_1222 : i32 to index
        %get3A_1244 = arith.constant 48 : index
        %get3A_1245 = tpu.vector_load %arg12[%get3A_1242, %get3A_1243, %get3A_1244] {strides = array<i32>} : memref<4x200x64xf32, #tpu.memory_space<vmem>>, vector<16xf32>,
        %add3A_1246 = arith.addf %add3A_1220, %get3A_1245 : vector<16xf32>
        %scan3A_1247 = arith.constant 4 : i32
        %scan3A_1248 = arith.addi %scan3A_1140, %scan3A_1247 : i32
        %get3A_1249 = arith.constant 3 : i32
        %get3A_1250 = arith.index_cast %get3A_1249 : i32 to index
        %get3A_1251 = arith.index_cast %scan3A_1248 : i32 to index
        %get3A_1252 = arith.constant 0 : index
        %get3A_1253 = tpu.vector_load %arg12[%get3A_1250, %get3A_1251, %get3A_1252] {strides = array<i32>} : memref<4x200x64xf32, #tpu.memory_space<vmem>>, vector<16xf32>,
        %add3A_1254 = arith.addf %add3A_1228, %get3A_1253 : vector<16xf32>
        %get3A_1255 = arith.constant 3 : i32
        %get3A_1256 = arith.index_cast %get3A_1255 : i32 to index
        %get3A_1257 = arith.index_cast %scan3A_1248 : i32 to index
        %get3A_1258 = arith.constant 16 : index
        %get3A_1259 = tpu.vector_load %arg12[%get3A_1256, %get3A_1257, %get3A_1258] {strides = array<i32>} : memref<4x200x64xf32, #tpu.memory_space<vmem>>, vector<16xf32>,
        %add3A_1260 = arith.addf %add3A_1234, %get3A_1259 : vector<16xf32>
        %get3A_1261 = arith.constant 3 : i32
        %get3A_1262 = arith.index_cast %get3A_1261 : i32 to index
        %get3A_1263 = arith.index_cast %scan3A_1248 : i32 to index
        %get3A_1264 = arith.constant 32 : index
        %get3A_1265 = tpu.vector_load %arg12[%get3A_1262, %get3A_1263, %get3A_1264] {strides = array<i32>} : memref<4x200x64xf32, #tpu.memory_space<vmem>>, vector<16xf32>,
        %add3A_1266 = arith.addf %add3A_1240, %get3A_1265 : vector<16xf32>
        %get3A_1267 = arith.constant 3 : i32
        %get3A_1268 = arith.index_cast %get3A_1267 : i32 to index
        %get3A_1269 = arith.index_cast %scan3A_1248 : i32 to index
        %get3A_1270 = arith.constant 48 : index
        %get3A_1271 = tpu.vector_load %arg12[%get3A_1268, %get3A_1269, %get3A_1270] {strides = array<i32>} : memref<4x200x64xf32, #tpu.memory_space<vmem>>, vector<16xf32>,
        %add3A_1272 = arith.addf %add3A_1246, %get3A_1271 : vector<16xf32>
        %scan3A_1273 = arith.constant 5 : i32
        %scan3A_1274 = arith.addi %scan3A_1140, %scan3A_1273 : i32
        %get3A_1275 = arith.constant 3 : i32
        %get3A_1276 = arith.index_cast %get3A_1275 : i32 to index
        %get3A_1277 = arith.index_cast %scan3A_1274 : i32 to index
        %get3A_1278 = arith.constant 0 : index
        %get3A_1279 = tpu.vector_load %arg12[%get3A_1276, %get3A_1277, %get3A_1278] {strides = array<i32>} : memref<4x200x64xf32, #tpu.memory_space<vmem>>, vector<16xf32>,
        %add3A_1280 = arith.addf %add3A_1254, %get3A_1279 : vector<16xf32>
        %get3A_1281 = arith.constant 3 : i32
        %get3A_1282 = arith.index_cast %get3A_1281 : i32 to index
        %get3A_1283 = arith.index_cast %scan3A_1274 : i32 to index
        %get3A_1284 = arith.constant 16 : index
        %get3A_1285 = tpu.vector_load %arg12[%get3A_1282, %get3A_1283, %get3A_1284] {strides = array<i32>} : memref<4x200x64xf32, #tpu.memory_space<vmem>>, vector<16xf32>,
        %add3A_1286 = arith.addf %add3A_1260, %get3A_1285 : vector<16xf32>
        %get3A_1287 = arith.constant 3 : i32
        %get3A_1288 = arith.index_cast %get3A_1287 : i32 to index
        %get3A_1289 = arith.index_cast %scan3A_1274 : i32 to index
        %get3A_1290 = arith.constant 32 : index
        %get3A_1291 = tpu.vector_load %arg12[%get3A_1288, %get3A_1289, %get3A_1290] {strides = array<i32>} : memref<4x200x64xf32, #tpu.memory_space<vmem>>, vector<16xf32>,
        %add3A_1292 = arith.addf %add3A_1266, %get3A_1291 : vector<16xf32>
        %get3A_1293 = arith.constant 3 : i32
        %get3A_1294 = arith.index_cast %get3A_1293 : i32 to index
        %get3A_1295 = arith.index_cast %scan3A_1274 : i32 to index
        %get3A_1296 = arith.constant 48 : index
        %get3A_1297 = tpu.vector_load %arg12[%get3A_1294, %get3A_1295, %get3A_1296] {strides = array<i32>} : memref<4x200x64xf32, #tpu.memory_space<vmem>>, vector<16xf32>,
        %add3A_1298 = arith.addf %add3A_1272, %get3A_1297 : vector<16xf32>
        %scan3A_1299 = arith.constant 6 : i32
        %scan3A_1300 = arith.addi %scan3A_1140, %scan3A_1299 : i32
        %get3A_1301 = arith.constant 3 : i32
        %get3A_1302 = arith.index_cast %get3A_1301 : i32 to index
        %get3A_1303 = arith.index_cast %scan3A_1300 : i32 to index
        %get3A_1304 = arith.constant 0 : index
        %get3A_1305 = tpu.vector_load %arg12[%get3A_1302, %get3A_1303, %get3A_1304] {strides = array<i32>} : memref<4x200x64xf32, #tpu.memory_space<vmem>>, vector<16xf32>,
        %add3A_1306 = arith.addf %add3A_1280, %get3A_1305 : vector<16xf32>
        %get3A_1307 = arith.constant 3 : i32
        %get3A_1308 = arith.index_cast %get3A_1307 : i32 to index
        %get3A_1309 = arith.index_cast %scan3A_1300 : i32 to index
        %get3A_1310 = arith.constant 16 : index
        %get3A_1311 = tpu.vector_load %arg12[%get3A_1308, %get3A_1309, %get3A_1310] {strides = array<i32>} : memref<4x200x64xf32, #tpu.memory_space<vmem>>, vector<16xf32>,
        %add3A_1312 = arith.addf %add3A_1286, %get3A_1311 : vector<16xf32>
        %get3A_1313 = arith.constant 3 : i32
        %get3A_1314 = arith.index_cast %get3A_1313 : i32 to index
        %get3A_1315 = arith.index_cast %scan3A_1300 : i32 to index
        %get3A_1316 = arith.constant 32 : index
        %get3A_1317 = tpu.vector_load %arg12[%get3A_1314, %get3A_1315, %get3A_1316] {strides = array<i32>} : memref<4x200x64xf32, #tpu.memory_space<vmem>>, vector<16xf32>,
        %add3A_1318 = arith.addf %add3A_1292, %get3A_1317 : vector<16xf32>
        %get3A_1319 = arith.constant 3 : i32
        %get3A_1320 = arith.index_cast %get3A_1319 : i32 to index
        %get3A_1321 = arith.index_cast %scan3A_1300 : i32 to index
        %get3A_1322 = arith.constant 48 : index
        %get3A_1323 = tpu.vector_load %arg12[%get3A_1320, %get3A_1321, %get3A_1322] {strides = array<i32>} : memref<4x200x64xf32, #tpu.memory_space<vmem>>, vector<16xf32>,
        %add3A_1324 = arith.addf %add3A_1298, %get3A_1323 : vector<16xf32>
        %scan3A_1325 = arith.constant 7 : i32
        %scan3A_1326 = arith.addi %scan3A_1140, %scan3A_1325 : i32
        %get3A_1327 = arith.constant 3 : i32
        %get3A_1328 = arith.index_cast %get3A_1327 : i32 to index
        %get3A_1329 = arith.index_cast %scan3A_1326 : i32 to index
        %get3A_1330 = arith.constant 0 : index
        %get3A_1331 = tpu.vector_load %arg12[%get3A_1328, %get3A_1329, %get3A_1330] {strides = array<i32>} : memref<4x200x64xf32, #tpu.memory_space<vmem>>, vector<16xf32>,
        %add3A_1332 = arith.addf %add3A_1306, %get3A_1331 : vector<16xf32>
        %get3A_1333 = arith.constant 3 : i32
        %get3A_1334 = arith.index_cast %get3A_1333 : i32 to index
        %get3A_1335 = arith.index_cast %scan3A_1326 : i32 to index
        %get3A_1336 = arith.constant 16 : index
        %get3A_1337 = tpu.vector_load %arg12[%get3A_1334, %get3A_1335, %get3A_1336] {strides = array<i32>} : memref<4x200x64xf32, #tpu.memory_space<vmem>>, vector<16xf32>,
        %add3A_1338 = arith.addf %add3A_1312, %get3A_1337 : vector<16xf32>
        %get3A_1339 = arith.constant 3 : i32
        %get3A_1340 = arith.index_cast %get3A_1339 : i32 to index
        %get3A_1341 = arith.index_cast %scan3A_1326 : i32 to index
        %get3A_1342 = arith.constant 32 : index
        %get3A_1343 = tpu.vector_load %arg12[%get3A_1340, %get3A_1341, %get3A_1342] {strides = array<i32>} : memref<4x200x64xf32, #tpu.memory_space<vmem>>, vector<16xf32>,
        %add3A_1344 = arith.addf %add3A_1318, %get3A_1343 : vector<16xf32>
        %get3A_1345 = arith.constant 3 : i32
        %get3A_1346 = arith.index_cast %get3A_1345 : i32 to index
        %get3A_1347 = arith.index_cast %scan3A_1326 : i32 to index
        %get3A_1348 = arith.constant 48 : index
        %get3A_1349 = tpu.vector_load %arg12[%get3A_1346, %get3A_1347, %get3A_1348] {strides = array<i32>} : memref<4x200x64xf32, #tpu.memory_space<vmem>>, vector<16xf32>,
        %add3A_1350 = arith.addf %add3A_1324, %get3A_1349 : vector<16xf32>
        scf.yield %add3A_1332, %add3A_1338, %add3A_1344, %add3A_1350 : vector<16xf32>, vector<16xf32>, vector<16xf32>, vector<16xf32>
      }
      %scan3A_1061 = arith.constant 200 : i32
      %get3A_1062 = arith.index_cast %add3A_1029 : i32 to index
      %get3A_1063 = arith.constant 0 : index
      %get3A_1064 = tpu.vector_load %arg11[%get3A_1062, %get3A_1063] {strides = array<i32>} : memref<128x64xf32, #tpu.memory_space<vmem>>, vector<16xf32>,
      %get3A_1065 = arith.index_cast %add3A_1029 : i32 to index
      %get3A_1066 = arith.constant 16 : index
      %get3A_1067 = tpu.vector_load %arg11[%get3A_1065, %get3A_1066] {strides = array<i32>} : memref<128x64xf32, #tpu.memory_space<vmem>>, vector<16xf32>,
      %get3A_1068 = arith.index_cast %add3A_1029 : i32 to index
      %get3A_1069 = arith.constant 32 : index
      %get3A_1070 = tpu.vector_load %arg11[%get3A_1068, %get3A_1069] {strides = array<i32>} : memref<128x64xf32, #tpu.memory_space<vmem>>, vector<16xf32>,
      %get3A_1071 = arith.index_cast %add3A_1029 : i32 to index
      %get3A_1072 = arith.constant 48 : index
      %get3A_1073 = tpu.vector_load %arg11[%get3A_1071, %get3A_1072] {strides = array<i32>} : memref<128x64xf32, #tpu.memory_space<vmem>>, vector<16xf32>,
      %jit3A_1074 = arith.constant 0.000000e+00 : f32
      %broadcast_in_dim3A_1075 = vector.broadcast %jit3A_1074 : f32 to vector<16xf32>
      %select_n3A_1076 = arith.select %lt3A_10, %scan3A_1060#3, %broadcast_in_dim3A_1075 : vector<16xi1>, vector<16xf32>
      %jit3A_1077 = arith.constant 0.000000e+00 : f32
      %broadcast_in_dim3A_1078 = vector.broadcast %jit3A_1077 : f32 to vector<16xf32>
      %select_n3A_1079 = arith.select %lt3A_10, %get3A_1073, %broadcast_in_dim3A_1078 : vector<16xi1>, vector<16xf32>
      %mul3A_1080 = arith.mulf %scan3A_1060#0, %get3A_1064 : vector<16xf32>
      %mul3A_1081 = arith.mulf %scan3A_1060#1, %get3A_1067 : vector<16xf32>
      %add3A_1082 = arith.addf %mul3A_1080, %mul3A_1081 : vector<16xf32>
      %mul3A_1083 = arith.mulf %scan3A_1060#2, %get3A_1070 : vector<16xf32>
      %add3A_1084 = arith.addf %add3A_1082, %mul3A_1083 : vector<16xf32>
      %mul3A_1085 = arith.mulf %select_n3A_1076, %select_n3A_1079 : vector<16xf32>
      %add3A_1086 = arith.addf %add3A_1084, %mul3A_1085 : vector<16xf32>
      %reduce_sum3A_1087 = arith.constant true
      %reduce_sum3A_1088 = vector.broadcast %reduce_sum3A_1087 : i1 to vector<16xi1>
      %reduce_sum3A_1089 = tpu.scan <sum>, %add3A_1086 masked %reduce_sum3A_1088 : vector<16xf32>, vector<16xi1> -> vector<16xf32>
      %reduce_sum3A_1090 = vector.extract %reduce_sum3A_1089[15] : f32 from vector<16xf32>
      %mul3A_1091 = arith.mulf %scan3A_1060#0, %scan3A_1060#0 : vector<16xf32>
      %mul3A_1092 = arith.mulf %scan3A_1060#1, %scan3A_1060#1 : vector<16xf32>
      %add3A_1093 = arith.addf %mul3A_1091, %mul3A_1092 : vector<16xf32>
      %mul3A_1094 = arith.mulf %scan3A_1060#2, %scan3A_1060#2 : vector<16xf32>
      %add3A_1095 = arith.addf %add3A_1093, %mul3A_1094 : vector<16xf32>
      %mul3A_1096 = arith.mulf %select_n3A_1076, %select_n3A_1076 : vector<16xf32>
      %add3A_1097 = arith.addf %add3A_1095, %mul3A_1096 : vector<16xf32>
      %reduce_sum3A_1098 = arith.constant true
      %reduce_sum3A_1099 = vector.broadcast %reduce_sum3A_1098 : i1 to vector<16xi1>
      %reduce_sum3A_1100 = tpu.scan <sum>, %add3A_1097 masked %reduce_sum3A_1099 : vector<16xf32>, vector<16xi1> -> vector<16xf32>
      %reduce_sum3A_1101 = vector.extract %reduce_sum3A_1100[15] : f32 from vector<16xf32>
      %mul3A_1102 = arith.mulf %get3A_1064, %get3A_1064 : vector<16xf32>
      %mul3A_1103 = arith.mulf %get3A_1067, %get3A_1067 : vector<16xf32>
      %add3A_1104 = arith.addf %mul3A_1102, %mul3A_1103 : vector<16xf32>
      %mul3A_1105 = arith.mulf %get3A_1070, %get3A_1070 : vector<16xf32>
      %add3A_1106 = arith.addf %add3A_1104, %mul3A_1105 : vector<16xf32>
      %mul3A_1107 = arith.mulf %select_n3A_1079, %select_n3A_1079 : vector<16xf32>
      %add3A_1108 = arith.addf %add3A_1106, %mul3A_1107 : vector<16xf32>
      %reduce_sum3A_1109 = arith.constant true
      %reduce_sum3A_1110 = vector.broadcast %reduce_sum3A_1109 : i1 to vector<16xi1>
      %reduce_sum3A_1111 = tpu.scan <sum>, %add3A_1108 masked %reduce_sum3A_1110 : vector<16xf32>, vector<16xi1> -> vector<16xf32>
      %reduce_sum3A_1112 = vector.extract %reduce_sum3A_1111[15] : f32 from vector<16xf32>
      %eq3A_1113 = arith.constant 0 : i32
      %eq3A_1114 = vector.broadcast %eq3A_1113 : i32 to vector<16xi32>
      %eq3A_1115 = arith.cmpi eq, %iota3A, %eq3A_1114 : vector<16xi32>
      %eq3A_1116 = arith.constant 1 : i32
      %eq3A_1117 = vector.broadcast %eq3A_1116 : i32 to vector<16xi32>
      %eq3A_1118 = arith.cmpi eq, %iota3A, %eq3A_1117 : vector<16xi32>
      %eq3A_1119 = arith.constant 2 : i32
      %eq3A_1120 = vector.broadcast %eq3A_1119 : i32 to vector<16xi32>
      %eq3A_1121 = arith.cmpi eq, %iota3A, %eq3A_1120 : vector<16xi32>
      %jit3A_1122 = arith.constant 0.000000e+00 : f32
      %broadcast_in_dim3A_1123 = vector.broadcast %reduce_sum3A_1112 : f32 to vector<16xf32>
      %broadcast_in_dim3A_1124 = vector.broadcast %jit3A_1122 : f32 to vector<16xf32>
      %select_n3A_1125 = arith.select %eq3A_1121, %broadcast_in_dim3A_1123, %broadcast_in_dim3A_1124 : vector<16xi1>, vector<16xf32>
      %broadcast_in_dim3A_1126 = vector.broadcast %reduce_sum3A_1101 : f32 to vector<16xf32>
      %select_n3A_1127 = arith.select %eq3A_1118, %broadcast_in_dim3A_1126, %select_n3A_1125 : vector<16xi1>, vector<16xf32>
      %broadcast_in_dim3A_1128 = vector.broadcast %reduce_sum3A_1090 : f32 to vector<16xf32>
      %select_n3A_1129 = arith.select %eq3A_1115, %broadcast_in_dim3A_1128, %select_n3A_1127 : vector<16xi1>, vector<16xf32>
      %swap3A_1130 = arith.index_cast %add3A_1029 : i32 to index
      %swap3A_1131 = arith.constant 0 : index
      %swap3A_1132 = tpu.vector_load %arg13[%swap3A_1130, %swap3A_1131] {strides = array<i32>} : memref<128x16xf32, #tpu.memory_space<vmem>>, vector<16xf32>,
      tpu.vector_store %arg13[%swap3A_1130, %swap3A_1131], %select_n3A_1129 {strides = array<i32>} : memref<128x16xf32, #tpu.memory_space<vmem>>, vector<16xf32>,
      %add3A_1133 = arith.constant 4 : i32
      %add3A_1134 = arith.addi %add3A_1029, %add3A_1133 : i32
      %lt3A_1135 = arith.constant 128 : i32
      %lt3A_1136 = arith.cmpi slt, %add3A_1134, %lt3A_1135 : i32
      %convert_element_type3A_1137 = arith.extui %lt3A_1136 : i1 to i32
      %cond3A_1138 = arith.constant 0 : i32
      %cond3A_1139 = arith.cmpi ne, %convert_element_type3A_1137, %cond3A_1138 : i32
      scf.if %cond3A_1139 {
        %add3A_1140 = arith.constant 4 : i32
        %add3A_1141 = arith.addi %add3A_1029, %add3A_1140 : i32
        %mul3A_1142 = arith.constant 200 : i32
        %mul3A_1143 = arith.muli %mul3A_1142, %add3A_1141 : i32
        %dma_start3A_1144 = arith.constant 3 : i32
        %dma_start3A_1145 = arith.constant 0 : i32
        %dma_start3A_1146 = arith.constant 0 : i32
        %dma_start3A_1147 = tpu.memref_slice %arg12[%dma_start3A_1144, %dma_start3A_1145, %dma_start3A_1146] : memref<4x200x64xf32, #tpu.memory_space<vmem>> -> memref<1x104x64xf32, #tpu.memory_space<vmem>>
        %dma_start3A_1148 = tpu.memref_squeeze %dma_start3A_1147 : memref<1x104x64xf32, #tpu.memory_space<vmem>> -> memref<104x64xf32, #tpu.memory_space<vmem>>
        %dma_start3A_1149 = tpu.memref_slice %arg9[%mul3A_1143] : memref<25600xi32, #tpu.memory_space<vmem>> -> memref<104xi32, #tpu.memory_space<vmem>>
        %dma_start3A_1150 = arith.constant 0 : i32
        %dma_start3A_1151 = arith.constant 0 : i32
        %dma_start3A_1152 = tpu.memref_slice %arg2[%dma_start3A_1150, %dma_start3A_1151] : memref<100000x64xf32, #tpu.memory_space<hbm>> -> memref<100000x64xf32, #tpu.memory_space<hbm>>
        tpu.enqueue_indirect_dma source(%dma_start3A_1152 : memref<100000x64xf32, #tpu.memory_space<hbm>>) target(%dma_start3A_1148 : memref<104x64xf32, #tpu.memory_space<vmem>>) offsets(%dma_start3A_1149 : memref<104xi32, #tpu.memory_space<vmem>>) semaphore(%arg21 : memref<!tpu.dma_semaphore, #tpu.memory_space<semaphore_mem>>)
        %mul3A_1153 = arith.constant 200 : i32
        %mul3A_1154 = arith.muli %mul3A_1153, %add3A_1141 : i32
        %add3A_1155 = arith.constant 104 : i32
        %add3A_1156 = arith.addi %mul3A_1154, %add3A_1155 : i32
        %dma_start3A_1157 = arith.constant 3 : i32
        %dma_start3A_1158 = arith.constant 104 : i32
        %dma_start3A_1159 = arith.constant 0 : i32
        %dma_start3A_1160 = tpu.memref_slice %arg12[%dma_start3A_1157, %dma_start3A_1158, %dma_start3A_1159] : memref<4x200x64xf32, #tpu.memory_space<vmem>> -> memref<1x96x64xf32, #tpu.memory_space<vmem>>
        %dma_start3A_1161 = tpu.memref_squeeze %dma_start3A_1160 : memref<1x96x64xf32, #tpu.memory_space<vmem>> -> memref<96x64xf32, #tpu.memory_space<vmem>>
        %dma_start3A_1162 = tpu.memref_slice %arg9[%add3A_1156] : memref<25600xi32, #tpu.memory_space<vmem>> -> memref<96xi32, #tpu.memory_space<vmem>>
        %dma_start3A_1163 = arith.constant 0 : i32
        %dma_start3A_1164 = arith.constant 0 : i32
        %dma_start3A_1165 = tpu.memref_slice %arg2[%dma_start3A_1163, %dma_start3A_1164] : memref<100000x64xf32, #tpu.memory_space<hbm>> -> memref<100000x64xf32, #tpu.memory_space<hbm>>
        tpu.enqueue_indirect_dma source(%dma_start3A_1165 : memref<100000x64xf32, #tpu.memory_space<hbm>>) target(%dma_start3A_1161 : memref<96x64xf32, #tpu.memory_space<vmem>>) offsets(%dma_start3A_1162 : memref<96xi32, #tpu.memory_space<vmem>>) semaphore(%arg21 : memref<!tpu.dma_semaphore, #tpu.memory_space<semaphore_mem>>)
      } else {
      }
    }
    %scan3A_95 = arith.constant 32 : i32
    %get3A = arith.constant 0 : index
    %get3A_96 = tpu.vector_load %arg15[%get3A] {strides = array<i32>} : memref<16xf32, #tpu.memory_space<vmem>>, vector<16xf32>,
    %get3A_97 = arith.constant 0 : index
    %get3A_98 = tpu.vector_load %arg16[%get3A_97] {strides = array<i32>} : memref<16xf32, #tpu.memory_space<vmem>>, vector<16xf32>,
    %add3A_99 = arith.constant 0 : i32
    %add3A_100 = vector.broadcast %add3A_99 : i32 to vector<16xi32>
    %add3A_101 = arith.addi %add3A_100, %iota3A : vector<16xi32>
    %mul3A_102 = arith.constant 0 : i32
    %mul3A_103 = vector.broadcast %mul3A_102 : i32 to vector<16xi32>
    %mul3A_104 = arith.muli %iota3A, %mul3A_103 : vector<16xi32>
    %gather3A = tpu.vector_load_idx %arg13[%add3A_101, %mul3A_104] : memref<128x16xf32, #tpu.memory_space<vmem>>[vector<16xi32>, vector<16xi32>], vector<16xf32>,
    %mul3A_105 = arith.constant 0 : i32
    %mul3A_106 = vector.broadcast %mul3A_105 : i32 to vector<16xi32>
    %mul3A_107 = arith.muli %iota3A, %mul3A_106 : vector<16xi32>
    %add3A_108 = arith.constant 1 : i32
    %add3A_109 = vector.broadcast %add3A_108 : i32 to vector<16xi32>
    %add3A_110 = arith.addi %mul3A_107, %add3A_109 : vector<16xi32>
    %gather3A_111 = tpu.vector_load_idx %arg13[%add3A_101, %add3A_110] : memref<128x16xf32, #tpu.memory_space<vmem>>[vector<16xi32>, vector<16xi32>], vector<16xf32>,
    %mul3A_112 = arith.constant 0 : i32
    %mul3A_113 = vector.broadcast %mul3A_112 : i32 to vector<16xi32>
    %mul3A_114 = arith.muli %iota3A, %mul3A_113 : vector<16xi32>
    %add3A_115 = arith.constant 2 : i32
    %add3A_116 = vector.broadcast %add3A_115 : i32 to vector<16xi32>
    %add3A_117 = arith.addi %mul3A_114, %add3A_116 : vector<16xi32>
    %gather3A_118 = tpu.vector_load_idx %arg13[%add3A_101, %add3A_117] : memref<128x16xf32, #tpu.memory_space<vmem>>[vector<16xi32>, vector<16xi32>], vector<16xf32>,
    %mul3A_119 = arith.mulf %gather3A_111, %gather3A_118 : vector<16xf32>
    %max3A = arith.constant 1.000000e-30 : f32
    %max3A_120 = vector.broadcast %max3A : f32 to vector<16xf32>
    %max3A_121 = arith.maximumf %mul3A_119, %max3A_120 : vector<16xf32>
    %bitcast3A = vector.bitcast %max3A_121 : vector<16xf32> to vector<16xi32>
    %shift_right_arithmetic3A = arith.constant 1 : i32
    %shift_right_arithmetic3A_122 = vector.broadcast %shift_right_arithmetic3A : i32 to vector<16xi32>
    %shift_right_arithmetic3A_123 = arith.shrsi %bitcast3A, %shift_right_arithmetic3A_122 : vector<16xi32>
    %sub3A = arith.constant 1597463007 : i32
    %sub3A_124 = vector.broadcast %sub3A : i32 to vector<16xi32>
    %sub3A_125 = arith.subi %sub3A_124, %shift_right_arithmetic3A_123 : vector<16xi32>
    %bitcast3A_126 = vector.bitcast %sub3A_125 : vector<16xi32> to vector<16xf32>
    %mul3A_127 = arith.constant 5.000000e-01 : f32
    %mul3A_128 = vector.broadcast %mul3A_127 : f32 to vector<16xf32>
    %mul3A_129 = arith.mulf %mul3A_128, %max3A_121 : vector<16xf32>
    %mul3A_130 = arith.mulf %mul3A_129, %bitcast3A_126 : vector<16xf32>
    %mul3A_131 = arith.mulf %mul3A_130, %bitcast3A_126 : vector<16xf32>
    %sub3A_132 = arith.constant 1.500000e+00 : f32
    %sub3A_133 = vector.broadcast %sub3A_132 : f32 to vector<16xf32>
    %sub3A_134 = arith.subf %sub3A_133, %mul3A_131 : vector<16xf32>
    %mul3A_135 = arith.mulf %bitcast3A_126, %sub3A_134 : vector<16xf32>
    %mul3A_136 = arith.constant 5.000000e-01 : f32
    %mul3A_137 = vector.broadcast %mul3A_136 : f32 to vector<16xf32>
    %mul3A_138 = arith.mulf %mul3A_137, %max3A_121 : vector<16xf32>
    %mul3A_139 = arith.mulf %mul3A_138, %mul3A_135 : vector<16xf32>
    %mul3A_140 = arith.mulf %mul3A_139, %mul3A_135 : vector<16xf32>
    %sub3A_141 = arith.constant 1.500000e+00 : f32
    %sub3A_142 = vector.broadcast %sub3A_141 : f32 to vector<16xf32>
    %sub3A_143 = arith.subf %sub3A_142, %mul3A_140 : vector<16xf32>
    %mul3A_144 = arith.mulf %mul3A_135, %sub3A_143 : vector<16xf32>
    %mul3A_145 = arith.constant 5.000000e-01 : f32
    %mul3A_146 = vector.broadcast %mul3A_145 : f32 to vector<16xf32>
    %mul3A_147 = arith.mulf %mul3A_146, %max3A_121 : vector<16xf32>
    %mul3A_148 = arith.mulf %mul3A_147, %mul3A_144 : vector<16xf32>
    %mul3A_149 = arith.mulf %mul3A_148, %mul3A_144 : vector<16xf32>
    %sub3A_150 = arith.constant 1.500000e+00 : f32
    %sub3A_151 = vector.broadcast %sub3A_150 : f32 to vector<16xf32>
    %sub3A_152 = arith.subf %sub3A_151, %mul3A_149 : vector<16xf32>
    %mul3A_153 = arith.mulf %mul3A_144, %sub3A_152 : vector<16xf32>
    %mul3A_154 = arith.mulf %gather3A, %mul3A_153 : vector<16xf32>
    %mul3A_155 = arith.mulf %mul3A_154, %get3A_96 : vector<16xf32>
    %add3A_156 = arith.addf %mul3A_155, %get3A_98 : vector<16xf32>
    %neg3A = arith.constant 0.000000e+00 : f32
    %neg3A_157 = vector.broadcast %neg3A : f32 to vector<16xf32>
    %neg3A_158 = arith.subf %neg3A_157, %add3A_156 : vector<16xf32>
    %exp3A = math.exp %neg3A_158 : vector<16xf32>
    %add3A_159 = arith.constant 1.000000e+00 : f32
    %add3A_160 = vector.broadcast %add3A_159 : f32 to vector<16xf32>
    %add3A_161 = arith.addf %add3A_160, %exp3A : vector<16xf32>
    %div3A = arith.constant 1.000000e+00 : f32
    %div3A_162 = vector.broadcast %div3A : f32 to vector<16xf32>
    %div3A_163 = arith.divf %div3A_162, %add3A_161 : vector<16xf32>
    %swap3A = arith.constant 0 : index
    %swap3A_164 = tpu.vector_load %arg14[%swap3A] {strides = array<i32>} : memref<128xf32, #tpu.memory_space<vmem>>, vector<16xf32>,
    tpu.vector_store %arg14[%swap3A], %div3A_163 {strides = array<i32>} : memref<128xf32, #tpu.memory_space<vmem>>, vector<16xf32>,
    %add3A_165 = arith.constant 16 : i32
    %add3A_166 = vector.broadcast %add3A_165 : i32 to vector<16xi32>
    %add3A_167 = arith.addi %add3A_166, %iota3A : vector<16xi32>
    %mul3A_168 = arith.constant 0 : i32
    %mul3A_169 = vector.broadcast %mul3A_168 : i32 to vector<16xi32>
    %mul3A_170 = arith.muli %iota3A, %mul3A_169 : vector<16xi32>
    %gather3A_171 = tpu.vector_load_idx %arg13[%add3A_167, %mul3A_170] : memref<128x16xf32, #tpu.memory_space<vmem>>[vector<16xi32>, vector<16xi32>], vector<16xf32>,
    %mul3A_172 = arith.constant 0 : i32
    %mul3A_173 = vector.broadcast %mul3A_172 : i32 to vector<16xi32>
    %mul3A_174 = arith.muli %iota3A, %mul3A_173 : vector<16xi32>
    %add3A_175 = arith.constant 1 : i32
    %add3A_176 = vector.broadcast %add3A_175 : i32 to vector<16xi32>
    %add3A_177 = arith.addi %mul3A_174, %add3A_176 : vector<16xi32>
    %gather3A_178 = tpu.vector_load_idx %arg13[%add3A_167, %add3A_177] : memref<128x16xf32, #tpu.memory_space<vmem>>[vector<16xi32>, vector<16xi32>], vector<16xf32>,
    %mul3A_179 = arith.constant 0 : i32
    %mul3A_180 = vector.broadcast %mul3A_179 : i32 to vector<16xi32>
    %mul3A_181 = arith.muli %iota3A, %mul3A_180 : vector<16xi32>
    %add3A_182 = arith.constant 2 : i32
    %add3A_183 = vector.broadcast %add3A_182 : i32 to vector<16xi32>
    %add3A_184 = arith.addi %mul3A_181, %add3A_183 : vector<16xi32>
    %gather3A_185 = tpu.vector_load_idx %arg13[%add3A_167, %add3A_184] : memref<128x16xf32, #tpu.memory_space<vmem>>[vector<16xi32>, vector<16xi32>], vector<16xf32>,
    %mul3A_186 = arith.mulf %gather3A_178, %gather3A_185 : vector<16xf32>
    %max3A_187 = arith.constant 1.000000e-30 : f32
    %max3A_188 = vector.broadcast %max3A_187 : f32 to vector<16xf32>
    %max3A_189 = arith.maximumf %mul3A_186, %max3A_188 : vector<16xf32>
    %bitcast3A_190 = vector.bitcast %max3A_189 : vector<16xf32> to vector<16xi32>
    %shift_right_arithmetic3A_191 = arith.constant 1 : i32
    %shift_right_arithmetic3A_192 = vector.broadcast %shift_right_arithmetic3A_191 : i32 to vector<16xi32>
    %shift_right_arithmetic3A_193 = arith.shrsi %bitcast3A_190, %shift_right_arithmetic3A_192 : vector<16xi32>
    %sub3A_194 = arith.constant 1597463007 : i32
    %sub3A_195 = vector.broadcast %sub3A_194 : i32 to vector<16xi32>
    %sub3A_196 = arith.subi %sub3A_195, %shift_right_arithmetic3A_193 : vector<16xi32>
    %bitcast3A_197 = vector.bitcast %sub3A_196 : vector<16xi32> to vector<16xf32>
    %mul3A_198 = arith.constant 5.000000e-01 : f32
    %mul3A_199 = vector.broadcast %mul3A_198 : f32 to vector<16xf32>
    %mul3A_200 = arith.mulf %mul3A_199, %max3A_189 : vector<16xf32>
    %mul3A_201 = arith.mulf %mul3A_200, %bitcast3A_197 : vector<16xf32>
    %mul3A_202 = arith.mulf %mul3A_201, %bitcast3A_197 : vector<16xf32>
    %sub3A_203 = arith.constant 1.500000e+00 : f32
    %sub3A_204 = vector.broadcast %sub3A_203 : f32 to vector<16xf32>
    %sub3A_205 = arith.subf %sub3A_204, %mul3A_202 : vector<16xf32>
    %mul3A_206 = arith.mulf %bitcast3A_197, %sub3A_205 : vector<16xf32>
    %mul3A_207 = arith.constant 5.000000e-01 : f32
    %mul3A_208 = vector.broadcast %mul3A_207 : f32 to vector<16xf32>
    %mul3A_209 = arith.mulf %mul3A_208, %max3A_189 : vector<16xf32>
    %mul3A_210 = arith.mulf %mul3A_209, %mul3A_206 : vector<16xf32>
    %mul3A_211 = arith.mulf %mul3A_210, %mul3A_206 : vector<16xf32>
    %sub3A_212 = arith.constant 1.500000e+00 : f32
    %sub3A_213 = vector.broadcast %sub3A_212 : f32 to vector<16xf32>
    %sub3A_214 = arith.subf %sub3A_213, %mul3A_211 : vector<16xf32>
    %mul3A_215 = arith.mulf %mul3A_206, %sub3A_214 : vector<16xf32>
    %mul3A_216 = arith.constant 5.000000e-01 : f32
    %mul3A_217 = vector.broadcast %mul3A_216 : f32 to vector<16xf32>
    %mul3A_218 = arith.mulf %mul3A_217, %max3A_189 : vector<16xf32>
    %mul3A_219 = arith.mulf %mul3A_218, %mul3A_215 : vector<16xf32>
    %mul3A_220 = arith.mulf %mul3A_219, %mul3A_215 : vector<16xf32>
    %sub3A_221 = arith.constant 1.500000e+00 : f32
    %sub3A_222 = vector.broadcast %sub3A_221 : f32 to vector<16xf32>
    %sub3A_223 = arith.subf %sub3A_222, %mul3A_220 : vector<16xf32>
    %mul3A_224 = arith.mulf %mul3A_215, %sub3A_223 : vector<16xf32>
    %mul3A_225 = arith.mulf %gather3A_171, %mul3A_224 : vector<16xf32>
    %mul3A_226 = arith.mulf %mul3A_225, %get3A_96 : vector<16xf32>
    %add3A_227 = arith.addf %mul3A_226, %get3A_98 : vector<16xf32>
    %neg3A_228 = arith.constant 0.000000e+00 : f32
    %neg3A_229 = vector.broadcast %neg3A_228 : f32 to vector<16xf32>
    %neg3A_230 = arith.subf %neg3A_229, %add3A_227 : vector<16xf32>
    %exp3A_231 = math.exp %neg3A_230 : vector<16xf32>
    %add3A_232 = arith.constant 1.000000e+00 : f32
    %add3A_233 = vector.broadcast %add3A_232 : f32 to vector<16xf32>
    %add3A_234 = arith.addf %add3A_233, %exp3A_231 : vector<16xf32>
    %div3A_235 = arith.constant 1.000000e+00 : f32
    %div3A_236 = vector.broadcast %div3A_235 : f32 to vector<16xf32>
    %div3A_237 = arith.divf %div3A_236, %add3A_234 : vector<16xf32>
    %swap3A_238 = arith.constant 16 : index
    %swap3A_239 = tpu.vector_load %arg14[%swap3A_238] {strides = array<i32>} : memref<128xf32, #tpu.memory_space<vmem>>, vector<16xf32>,
    tpu.vector_store %arg14[%swap3A_238], %div3A_237 {strides = array<i32>} : memref<128xf32, #tpu.memory_space<vmem>>, vector<16xf32>,
    %add3A_240 = arith.constant 32 : i32
    %add3A_241 = vector.broadcast %add3A_240 : i32 to vector<16xi32>
    %add3A_242 = arith.addi %add3A_241, %iota3A : vector<16xi32>
    %mul3A_243 = arith.constant 0 : i32
    %mul3A_244 = vector.broadcast %mul3A_243 : i32 to vector<16xi32>
    %mul3A_245 = arith.muli %iota3A, %mul3A_244 : vector<16xi32>
    %gather3A_246 = tpu.vector_load_idx %arg13[%add3A_242, %mul3A_245] : memref<128x16xf32, #tpu.memory_space<vmem>>[vector<16xi32>, vector<16xi32>], vector<16xf32>,
    %mul3A_247 = arith.constant 0 : i32
    %mul3A_248 = vector.broadcast %mul3A_247 : i32 to vector<16xi32>
    %mul3A_249 = arith.muli %iota3A, %mul3A_248 : vector<16xi32>
    %add3A_250 = arith.constant 1 : i32
    %add3A_251 = vector.broadcast %add3A_250 : i32 to vector<16xi32>
    %add3A_252 = arith.addi %mul3A_249, %add3A_251 : vector<16xi32>
    %gather3A_253 = tpu.vector_load_idx %arg13[%add3A_242, %add3A_252] : memref<128x16xf32, #tpu.memory_space<vmem>>[vector<16xi32>, vector<16xi32>], vector<16xf32>,
    %mul3A_254 = arith.constant 0 : i32
    %mul3A_255 = vector.broadcast %mul3A_254 : i32 to vector<16xi32>
    %mul3A_256 = arith.muli %iota3A, %mul3A_255 : vector<16xi32>
    %add3A_257 = arith.constant 2 : i32
    %add3A_258 = vector.broadcast %add3A_257 : i32 to vector<16xi32>
    %add3A_259 = arith.addi %mul3A_256, %add3A_258 : vector<16xi32>
    %gather3A_260 = tpu.vector_load_idx %arg13[%add3A_242, %add3A_259] : memref<128x16xf32, #tpu.memory_space<vmem>>[vector<16xi32>, vector<16xi32>], vector<16xf32>,
    %mul3A_261 = arith.mulf %gather3A_253, %gather3A_260 : vector<16xf32>
    %max3A_262 = arith.constant 1.000000e-30 : f32
    %max3A_263 = vector.broadcast %max3A_262 : f32 to vector<16xf32>
    %max3A_264 = arith.maximumf %mul3A_261, %max3A_263 : vector<16xf32>
    %bitcast3A_265 = vector.bitcast %max3A_264 : vector<16xf32> to vector<16xi32>
    %shift_right_arithmetic3A_266 = arith.constant 1 : i32
    %shift_right_arithmetic3A_267 = vector.broadcast %shift_right_arithmetic3A_266 : i32 to vector<16xi32>
    %shift_right_arithmetic3A_268 = arith.shrsi %bitcast3A_265, %shift_right_arithmetic3A_267 : vector<16xi32>
    %sub3A_269 = arith.constant 1597463007 : i32
    %sub3A_270 = vector.broadcast %sub3A_269 : i32 to vector<16xi32>
    %sub3A_271 = arith.subi %sub3A_270, %shift_right_arithmetic3A_268 : vector<16xi32>
    %bitcast3A_272 = vector.bitcast %sub3A_271 : vector<16xi32> to vector<16xf32>
    %mul3A_273 = arith.constant 5.000000e-01 : f32
    %mul3A_274 = vector.broadcast %mul3A_273 : f32 to vector<16xf32>
    %mul3A_275 = arith.mulf %mul3A_274, %max3A_264 : vector<16xf32>
    %mul3A_276 = arith.mulf %mul3A_275, %bitcast3A_272 : vector<16xf32>
    %mul3A_277 = arith.mulf %mul3A_276, %bitcast3A_272 : vector<16xf32>
    %sub3A_278 = arith.constant 1.500000e+00 : f32
    %sub3A_279 = vector.broadcast %sub3A_278 : f32 to vector<16xf32>
    %sub3A_280 = arith.subf %sub3A_279, %mul3A_277 : vector<16xf32>
    %mul3A_281 = arith.mulf %bitcast3A_272, %sub3A_280 : vector<16xf32>
    %mul3A_282 = arith.constant 5.000000e-01 : f32
    %mul3A_283 = vector.broadcast %mul3A_282 : f32 to vector<16xf32>
    %mul3A_284 = arith.mulf %mul3A_283, %max3A_264 : vector<16xf32>
    %mul3A_285 = arith.mulf %mul3A_284, %mul3A_281 : vector<16xf32>
    %mul3A_286 = arith.mulf %mul3A_285, %mul3A_281 : vector<16xf32>
    %sub3A_287 = arith.constant 1.500000e+00 : f32
    %sub3A_288 = vector.broadcast %sub3A_287 : f32 to vector<16xf32>
    %sub3A_289 = arith.subf %sub3A_288, %mul3A_286 : vector<16xf32>
    %mul3A_290 = arith.mulf %mul3A_281, %sub3A_289 : vector<16xf32>
    %mul3A_291 = arith.constant 5.000000e-01 : f32
    %mul3A_292 = vector.broadcast %mul3A_291 : f32 to vector<16xf32>
    %mul3A_293 = arith.mulf %mul3A_292, %max3A_264 : vector<16xf32>
    %mul3A_294 = arith.mulf %mul3A_293, %mul3A_290 : vector<16xf32>
    %mul3A_295 = arith.mulf %mul3A_294, %mul3A_290 : vector<16xf32>
    %sub3A_296 = arith.constant 1.500000e+00 : f32
    %sub3A_297 = vector.broadcast %sub3A_296 : f32 to vector<16xf32>
    %sub3A_298 = arith.subf %sub3A_297, %mul3A_295 : vector<16xf32>
    %mul3A_299 = arith.mulf %mul3A_290, %sub3A_298 : vector<16xf32>
    %mul3A_300 = arith.mulf %gather3A_246, %mul3A_299 : vector<16xf32>
    %mul3A_301 = arith.mulf %mul3A_300, %get3A_96 : vector<16xf32>
    %add3A_302 = arith.addf %mul3A_301, %get3A_98 : vector<16xf32>
    %neg3A_303 = arith.constant 0.000000e+00 : f32
    %neg3A_304 = vector.broadcast %neg3A_303 : f32 to vector<16xf32>
    %neg3A_305 = arith.subf %neg3A_304, %add3A_302 : vector<16xf32>
    %exp3A_306 = math.exp %neg3A_305 : vector<16xf32>
    %add3A_307 = arith.constant 1.000000e+00 : f32
    %add3A_308 = vector.broadcast %add3A_307 : f32 to vector<16xf32>
    %add3A_309 = arith.addf %add3A_308, %exp3A_306 : vector<16xf32>
    %div3A_310 = arith.constant 1.000000e+00 : f32
    %div3A_311 = vector.broadcast %div3A_310 : f32 to vector<16xf32>
    %div3A_312 = arith.divf %div3A_311, %add3A_309 : vector<16xf32>
    %swap3A_313 = arith.constant 32 : index
    %swap3A_314 = tpu.vector_load %arg14[%swap3A_313] {strides = array<i32>} : memref<128xf32, #tpu.memory_space<vmem>>, vector<16xf32>,
    tpu.vector_store %arg14[%swap3A_313], %div3A_312 {strides = array<i32>} : memref<128xf32, #tpu.memory_space<vmem>>, vector<16xf32>,
    %add3A_315 = arith.constant 48 : i32
    %add3A_316 = vector.broadcast %add3A_315 : i32 to vector<16xi32>
    %add3A_317 = arith.addi %add3A_316, %iota3A : vector<16xi32>
    %mul3A_318 = arith.constant 0 : i32
    %mul3A_319 = vector.broadcast %mul3A_318 : i32 to vector<16xi32>
    %mul3A_320 = arith.muli %iota3A, %mul3A_319 : vector<16xi32>
    %gather3A_321 = tpu.vector_load_idx %arg13[%add3A_317, %mul3A_320] : memref<128x16xf32, #tpu.memory_space<vmem>>[vector<16xi32>, vector<16xi32>], vector<16xf32>,
    %mul3A_322 = arith.constant 0 : i32
    %mul3A_323 = vector.broadcast %mul3A_322 : i32 to vector<16xi32>
    %mul3A_324 = arith.muli %iota3A, %mul3A_323 : vector<16xi32>
    %add3A_325 = arith.constant 1 : i32
    %add3A_326 = vector.broadcast %add3A_325 : i32 to vector<16xi32>
    %add3A_327 = arith.addi %mul3A_324, %add3A_326 : vector<16xi32>
    %gather3A_328 = tpu.vector_load_idx %arg13[%add3A_317, %add3A_327] : memref<128x16xf32, #tpu.memory_space<vmem>>[vector<16xi32>, vector<16xi32>], vector<16xf32>,
    %mul3A_329 = arith.constant 0 : i32
    %mul3A_330 = vector.broadcast %mul3A_329 : i32 to vector<16xi32>
    %mul3A_331 = arith.muli %iota3A, %mul3A_330 : vector<16xi32>
    %add3A_332 = arith.constant 2 : i32
    %add3A_333 = vector.broadcast %add3A_332 : i32 to vector<16xi32>
    %add3A_334 = arith.addi %mul3A_331, %add3A_333 : vector<16xi32>
    %gather3A_335 = tpu.vector_load_idx %arg13[%add3A_317, %add3A_334] : memref<128x16xf32, #tpu.memory_space<vmem>>[vector<16xi32>, vector<16xi32>], vector<16xf32>,
    %mul3A_336 = arith.mulf %gather3A_328, %gather3A_335 : vector<16xf32>
    %max3A_337 = arith.constant 1.000000e-30 : f32
    %max3A_338 = vector.broadcast %max3A_337 : f32 to vector<16xf32>
    %max3A_339 = arith.maximumf %mul3A_336, %max3A_338 : vector<16xf32>
    %bitcast3A_340 = vector.bitcast %max3A_339 : vector<16xf32> to vector<16xi32>
    %shift_right_arithmetic3A_341 = arith.constant 1 : i32
    %shift_right_arithmetic3A_342 = vector.broadcast %shift_right_arithmetic3A_341 : i32 to vector<16xi32>
    %shift_right_arithmetic3A_343 = arith.shrsi %bitcast3A_340, %shift_right_arithmetic3A_342 : vector<16xi32>
    %sub3A_344 = arith.constant 1597463007 : i32
    %sub3A_345 = vector.broadcast %sub3A_344 : i32 to vector<16xi32>
    %sub3A_346 = arith.subi %sub3A_345, %shift_right_arithmetic3A_343 : vector<16xi32>
    %bitcast3A_347 = vector.bitcast %sub3A_346 : vector<16xi32> to vector<16xf32>
    %mul3A_348 = arith.constant 5.000000e-01 : f32
    %mul3A_349 = vector.broadcast %mul3A_348 : f32 to vector<16xf32>
    %mul3A_350 = arith.mulf %mul3A_349, %max3A_339 : vector<16xf32>
    %mul3A_351 = arith.mulf %mul3A_350, %bitcast3A_347 : vector<16xf32>
    %mul3A_352 = arith.mulf %mul3A_351, %bitcast3A_347 : vector<16xf32>
    %sub3A_353 = arith.constant 1.500000e+00 : f32
    %sub3A_354 = vector.broadcast %sub3A_353 : f32 to vector<16xf32>
    %sub3A_355 = arith.subf %sub3A_354, %mul3A_352 : vector<16xf32>
    %mul3A_356 = arith.mulf %bitcast3A_347, %sub3A_355 : vector<16xf32>
    %mul3A_357 = arith.constant 5.000000e-01 : f32
    %mul3A_358 = vector.broadcast %mul3A_357 : f32 to vector<16xf32>
    %mul3A_359 = arith.mulf %mul3A_358, %max3A_339 : vector<16xf32>
    %mul3A_360 = arith.mulf %mul3A_359, %mul3A_356 : vector<16xf32>
    %mul3A_361 = arith.mulf %mul3A_360, %mul3A_356 : vector<16xf32>
    %sub3A_362 = arith.constant 1.500000e+00 : f32
    %sub3A_363 = vector.broadcast %sub3A_362 : f32 to vector<16xf32>
    %sub3A_364 = arith.subf %sub3A_363, %mul3A_361 : vector<16xf32>
    %mul3A_365 = arith.mulf %mul3A_356, %sub3A_364 : vector<16xf32>
    %mul3A_366 = arith.constant 5.000000e-01 : f32
    %mul3A_367 = vector.broadcast %mul3A_366 : f32 to vector<16xf32>
    %mul3A_368 = arith.mulf %mul3A_367, %max3A_339 : vector<16xf32>
    %mul3A_369 = arith.mulf %mul3A_368, %mul3A_365 : vector<16xf32>
    %mul3A_370 = arith.mulf %mul3A_369, %mul3A_365 : vector<16xf32>
    %sub3A_371 = arith.constant 1.500000e+00 : f32
    %sub3A_372 = vector.broadcast %sub3A_371 : f32 to vector<16xf32>
    %sub3A_373 = arith.subf %sub3A_372, %mul3A_370 : vector<16xf32>
    %mul3A_374 = arith.mulf %mul3A_365, %sub3A_373 : vector<16xf32>
    %mul3A_375 = arith.mulf %gather3A_321, %mul3A_374 : vector<16xf32>
    %mul3A_376 = arith.mulf %mul3A_375, %get3A_96 : vector<16xf32>
    %add3A_377 = arith.addf %mul3A_376, %get3A_98 : vector<16xf32>
    %neg3A_378 = arith.constant 0.000000e+00 : f32
    %neg3A_379 = vector.broadcast %neg3A_378 : f32 to vector<16xf32>
    %neg3A_380 = arith.subf %neg3A_379, %add3A_377 : vector<16xf32>
    %exp3A_381 = math.exp %neg3A_380 : vector<16xf32>
    %add3A_382 = arith.constant 1.000000e+00 : f32
    %add3A_383 = vector.broadcast %add3A_382 : f32 to vector<16xf32>
    %add3A_384 = arith.addf %add3A_383, %exp3A_381 : vector<16xf32>
    %div3A_385 = arith.constant 1.000000e+00 : f32
    %div3A_386 = vector.broadcast %div3A_385 : f32 to vector<16xf32>
    %div3A_387 = arith.divf %div3A_386, %add3A_384 : vector<16xf32>
    %swap3A_388 = arith.constant 48 : index
    %swap3A_389 = tpu.vector_load %arg14[%swap3A_388] {strides = array<i32>} : memref<128xf32, #tpu.memory_space<vmem>>, vector<16xf32>,
    tpu.vector_store %arg14[%swap3A_388], %div3A_387 {strides = array<i32>} : memref<128xf32, #tpu.memory_space<vmem>>, vector<16xf32>,
    %add3A_390 = arith.constant 64 : i32
    %add3A_391 = vector.broadcast %add3A_390 : i32 to vector<16xi32>
    %add3A_392 = arith.addi %add3A_391, %iota3A : vector<16xi32>
    %mul3A_393 = arith.constant 0 : i32
    %mul3A_394 = vector.broadcast %mul3A_393 : i32 to vector<16xi32>
    %mul3A_395 = arith.muli %iota3A, %mul3A_394 : vector<16xi32>
    %gather3A_396 = tpu.vector_load_idx %arg13[%add3A_392, %mul3A_395] : memref<128x16xf32, #tpu.memory_space<vmem>>[vector<16xi32>, vector<16xi32>], vector<16xf32>,
    %mul3A_397 = arith.constant 0 : i32
    %mul3A_398 = vector.broadcast %mul3A_397 : i32 to vector<16xi32>
    %mul3A_399 = arith.muli %iota3A, %mul3A_398 : vector<16xi32>
    %add3A_400 = arith.constant 1 : i32
    %add3A_401 = vector.broadcast %add3A_400 : i32 to vector<16xi32>
    %add3A_402 = arith.addi %mul3A_399, %add3A_401 : vector<16xi32>
    %gather3A_403 = tpu.vector_load_idx %arg13[%add3A_392, %add3A_402] : memref<128x16xf32, #tpu.memory_space<vmem>>[vector<16xi32>, vector<16xi32>], vector<16xf32>,
    %mul3A_404 = arith.constant 0 : i32
    %mul3A_405 = vector.broadcast %mul3A_404 : i32 to vector<16xi32>
    %mul3A_406 = arith.muli %iota3A, %mul3A_405 : vector<16xi32>
    %add3A_407 = arith.constant 2 : i32
    %add3A_408 = vector.broadcast %add3A_407 : i32 to vector<16xi32>
    %add3A_409 = arith.addi %mul3A_406, %add3A_408 : vector<16xi32>
    %gather3A_410 = tpu.vector_load_idx %arg13[%add3A_392, %add3A_409] : memref<128x16xf32, #tpu.memory_space<vmem>>[vector<16xi32>, vector<16xi32>], vector<16xf32>,
    %mul3A_411 = arith.mulf %gather3A_403, %gather3A_410 : vector<16xf32>
    %max3A_412 = arith.constant 1.000000e-30 : f32
    %max3A_413 = vector.broadcast %max3A_412 : f32 to vector<16xf32>
    %max3A_414 = arith.maximumf %mul3A_411, %max3A_413 : vector<16xf32>
    %bitcast3A_415 = vector.bitcast %max3A_414 : vector<16xf32> to vector<16xi32>
    %shift_right_arithmetic3A_416 = arith.constant 1 : i32
    %shift_right_arithmetic3A_417 = vector.broadcast %shift_right_arithmetic3A_416 : i32 to vector<16xi32>
    %shift_right_arithmetic3A_418 = arith.shrsi %bitcast3A_415, %shift_right_arithmetic3A_417 : vector<16xi32>
    %sub3A_419 = arith.constant 1597463007 : i32
    %sub3A_420 = vector.broadcast %sub3A_419 : i32 to vector<16xi32>
    %sub3A_421 = arith.subi %sub3A_420, %shift_right_arithmetic3A_418 : vector<16xi32>
    %bitcast3A_422 = vector.bitcast %sub3A_421 : vector<16xi32> to vector<16xf32>
    %mul3A_423 = arith.constant 5.000000e-01 : f32
    %mul3A_424 = vector.broadcast %mul3A_423 : f32 to vector<16xf32>
    %mul3A_425 = arith.mulf %mul3A_424, %max3A_414 : vector<16xf32>
    %mul3A_426 = arith.mulf %mul3A_425, %bitcast3A_422 : vector<16xf32>
    %mul3A_427 = arith.mulf %mul3A_426, %bitcast3A_422 : vector<16xf32>
    %sub3A_428 = arith.constant 1.500000e+00 : f32
    %sub3A_429 = vector.broadcast %sub3A_428 : f32 to vector<16xf32>
    %sub3A_430 = arith.subf %sub3A_429, %mul3A_427 : vector<16xf32>
    %mul3A_431 = arith.mulf %bitcast3A_422, %sub3A_430 : vector<16xf32>
    %mul3A_432 = arith.constant 5.000000e-01 : f32
    %mul3A_433 = vector.broadcast %mul3A_432 : f32 to vector<16xf32>
    %mul3A_434 = arith.mulf %mul3A_433, %max3A_414 : vector<16xf32>
    %mul3A_435 = arith.mulf %mul3A_434, %mul3A_431 : vector<16xf32>
    %mul3A_436 = arith.mulf %mul3A_435, %mul3A_431 : vector<16xf32>
    %sub3A_437 = arith.constant 1.500000e+00 : f32
    %sub3A_438 = vector.broadcast %sub3A_437 : f32 to vector<16xf32>
    %sub3A_439 = arith.subf %sub3A_438, %mul3A_436 : vector<16xf32>
    %mul3A_440 = arith.mulf %mul3A_431, %sub3A_439 : vector<16xf32>
    %mul3A_441 = arith.constant 5.000000e-01 : f32
    %mul3A_442 = vector.broadcast %mul3A_441 : f32 to vector<16xf32>
    %mul3A_443 = arith.mulf %mul3A_442, %max3A_414 : vector<16xf32>
    %mul3A_444 = arith.mulf %mul3A_443, %mul3A_440 : vector<16xf32>
    %mul3A_445 = arith.mulf %mul3A_444, %mul3A_440 : vector<16xf32>
    %sub3A_446 = arith.constant 1.500000e+00 : f32
    %sub3A_447 = vector.broadcast %sub3A_446 : f32 to vector<16xf32>
    %sub3A_448 = arith.subf %sub3A_447, %mul3A_445 : vector<16xf32>
    %mul3A_449 = arith.mulf %mul3A_440, %sub3A_448 : vector<16xf32>
    %mul3A_450 = arith.mulf %gather3A_396, %mul3A_449 : vector<16xf32>
    %mul3A_451 = arith.mulf %mul3A_450, %get3A_96 : vector<16xf32>
    %add3A_452 = arith.addf %mul3A_451, %get3A_98 : vector<16xf32>
    %neg3A_453 = arith.constant 0.000000e+00 : f32
    %neg3A_454 = vector.broadcast %neg3A_453 : f32 to vector<16xf32>
    %neg3A_455 = arith.subf %neg3A_454, %add3A_452 : vector<16xf32>
    %exp3A_456 = math.exp %neg3A_455 : vector<16xf32>
    %add3A_457 = arith.constant 1.000000e+00 : f32
    %add3A_458 = vector.broadcast %add3A_457 : f32 to vector<16xf32>
    %add3A_459 = arith.addf %add3A_458, %exp3A_456 : vector<16xf32>
    %div3A_460 = arith.constant 1.000000e+00 : f32
    %div3A_461 = vector.broadcast %div3A_460 : f32 to vector<16xf32>
    %div3A_462 = arith.divf %div3A_461, %add3A_459 : vector<16xf32>
    %swap3A_463 = arith.constant 64 : index
    %swap3A_464 = tpu.vector_load %arg14[%swap3A_463] {strides = array<i32>} : memref<128xf32, #tpu.memory_space<vmem>>, vector<16xf32>,
    tpu.vector_store %arg14[%swap3A_463], %div3A_462 {strides = array<i32>} : memref<128xf32, #tpu.memory_space<vmem>>, vector<16xf32>,
    %add3A_465 = arith.constant 80 : i32
    %add3A_466 = vector.broadcast %add3A_465 : i32 to vector<16xi32>
    %add3A_467 = arith.addi %add3A_466, %iota3A : vector<16xi32>
    %mul3A_468 = arith.constant 0 : i32
    %mul3A_469 = vector.broadcast %mul3A_468 : i32 to vector<16xi32>
    %mul3A_470 = arith.muli %iota3A, %mul3A_469 : vector<16xi32>
    %gather3A_471 = tpu.vector_load_idx %arg13[%add3A_467, %mul3A_470] : memref<128x16xf32, #tpu.memory_space<vmem>>[vector<16xi32>, vector<16xi32>], vector<16xf32>,
    %mul3A_472 = arith.constant 0 : i32
    %mul3A_473 = vector.broadcast %mul3A_472 : i32 to vector<16xi32>
    %mul3A_474 = arith.muli %iota3A, %mul3A_473 : vector<16xi32>
    %add3A_475 = arith.constant 1 : i32
    %add3A_476 = vector.broadcast %add3A_475 : i32 to vector<16xi32>
    %add3A_477 = arith.addi %mul3A_474, %add3A_476 : vector<16xi32>
    %gather3A_478 = tpu.vector_load_idx %arg13[%add3A_467, %add3A_477] : memref<128x16xf32, #tpu.memory_space<vmem>>[vector<16xi32>, vector<16xi32>], vector<16xf32>,
    %mul3A_479 = arith.constant 0 : i32
    %mul3A_480 = vector.broadcast %mul3A_479 : i32 to vector<16xi32>
    %mul3A_481 = arith.muli %iota3A, %mul3A_480 : vector<16xi32>
    %add3A_482 = arith.constant 2 : i32
    %add3A_483 = vector.broadcast %add3A_482 : i32 to vector<16xi32>
    %add3A_484 = arith.addi %mul3A_481, %add3A_483 : vector<16xi32>
    %gather3A_485 = tpu.vector_load_idx %arg13[%add3A_467, %add3A_484] : memref<128x16xf32, #tpu.memory_space<vmem>>[vector<16xi32>, vector<16xi32>], vector<16xf32>,
    %mul3A_486 = arith.mulf %gather3A_478, %gather3A_485 : vector<16xf32>
    %max3A_487 = arith.constant 1.000000e-30 : f32
    %max3A_488 = vector.broadcast %max3A_487 : f32 to vector<16xf32>
    %max3A_489 = arith.maximumf %mul3A_486, %max3A_488 : vector<16xf32>
    %bitcast3A_490 = vector.bitcast %max3A_489 : vector<16xf32> to vector<16xi32>
    %shift_right_arithmetic3A_491 = arith.constant 1 : i32
    %shift_right_arithmetic3A_492 = vector.broadcast %shift_right_arithmetic3A_491 : i32 to vector<16xi32>
    %shift_right_arithmetic3A_493 = arith.shrsi %bitcast3A_490, %shift_right_arithmetic3A_492 : vector<16xi32>
    %sub3A_494 = arith.constant 1597463007 : i32
    %sub3A_495 = vector.broadcast %sub3A_494 : i32 to vector<16xi32>
    %sub3A_496 = arith.subi %sub3A_495, %shift_right_arithmetic3A_493 : vector<16xi32>
    %bitcast3A_497 = vector.bitcast %sub3A_496 : vector<16xi32> to vector<16xf32>
    %mul3A_498 = arith.constant 5.000000e-01 : f32
    %mul3A_499 = vector.broadcast %mul3A_498 : f32 to vector<16xf32>
    %mul3A_500 = arith.mulf %mul3A_499, %max3A_489 : vector<16xf32>
    %mul3A_501 = arith.mulf %mul3A_500, %bitcast3A_497 : vector<16xf32>
    %mul3A_502 = arith.mulf %mul3A_501, %bitcast3A_497 : vector<16xf32>
    %sub3A_503 = arith.constant 1.500000e+00 : f32
    %sub3A_504 = vector.broadcast %sub3A_503 : f32 to vector<16xf32>
    %sub3A_505 = arith.subf %sub3A_504, %mul3A_502 : vector<16xf32>
    %mul3A_506 = arith.mulf %bitcast3A_497, %sub3A_505 : vector<16xf32>
    %mul3A_507 = arith.constant 5.000000e-01 : f32
    %mul3A_508 = vector.broadcast %mul3A_507 : f32 to vector<16xf32>
    %mul3A_509 = arith.mulf %mul3A_508, %max3A_489 : vector<16xf32>
    %mul3A_510 = arith.mulf %mul3A_509, %mul3A_506 : vector<16xf32>
    %mul3A_511 = arith.mulf %mul3A_510, %mul3A_506 : vector<16xf32>
    %sub3A_512 = arith.constant 1.500000e+00 : f32
    %sub3A_513 = vector.broadcast %sub3A_512 : f32 to vector<16xf32>
    %sub3A_514 = arith.subf %sub3A_513, %mul3A_511 : vector<16xf32>
    %mul3A_515 = arith.mulf %mul3A_506, %sub3A_514 : vector<16xf32>
    %mul3A_516 = arith.constant 5.000000e-01 : f32
    %mul3A_517 = vector.broadcast %mul3A_516 : f32 to vector<16xf32>
    %mul3A_518 = arith.mulf %mul3A_517, %max3A_489 : vector<16xf32>
    %mul3A_519 = arith.mulf %mul3A_518, %mul3A_515 : vector<16xf32>
    %mul3A_520 = arith.mulf %mul3A_519, %mul3A_515 : vector<16xf32>
    %sub3A_521 = arith.constant 1.500000e+00 : f32
    %sub3A_522 = vector.broadcast %sub3A_521 : f32 to vector<16xf32>
    %sub3A_523 = arith.subf %sub3A_522, %mul3A_520 : vector<16xf32>
    %mul3A_524 = arith.mulf %mul3A_515, %sub3A_523 : vector<16xf32>
    %mul3A_525 = arith.mulf %gather3A_471, %mul3A_524 : vector<16xf32>
    %mul3A_526 = arith.mulf %mul3A_525, %get3A_96 : vector<16xf32>
    %add3A_527 = arith.addf %mul3A_526, %get3A_98 : vector<16xf32>
    %neg3A_528 = arith.constant 0.000000e+00 : f32
    %neg3A_529 = vector.broadcast %neg3A_528 : f32 to vector<16xf32>
    %neg3A_530 = arith.subf %neg3A_529, %add3A_527 : vector<16xf32>
    %exp3A_531 = math.exp %neg3A_530 : vector<16xf32>
    %add3A_532 = arith.constant 1.000000e+00 : f32
    %add3A_533 = vector.broadcast %add3A_532 : f32 to vector<16xf32>
    %add3A_534 = arith.addf %add3A_533, %exp3A_531 : vector<16xf32>
    %div3A_535 = arith.constant 1.000000e+00 : f32
    %div3A_536 = vector.broadcast %div3A_535 : f32 to vector<16xf32>
    %div3A_537 = arith.divf %div3A_536, %add3A_534 : vector<16xf32>
    %swap3A_538 = arith.constant 80 : index
    %swap3A_539 = tpu.vector_load %arg14[%swap3A_538] {strides = array<i32>} : memref<128xf32, #tpu.memory_space<vmem>>, vector<16xf32>,
    tpu.vector_store %arg14[%swap3A_538], %div3A_537 {strides = array<i32>} : memref<128xf32, #tpu.memory_space<vmem>>, vector<16xf32>,
    %add3A_540 = arith.constant 96 : i32
    %add3A_541 = vector.broadcast %add3A_540 : i32 to vector<16xi32>
    %add3A_542 = arith.addi %add3A_541, %iota3A : vector<16xi32>
    %mul3A_543 = arith.constant 0 : i32
    %mul3A_544 = vector.broadcast %mul3A_543 : i32 to vector<16xi32>
    %mul3A_545 = arith.muli %iota3A, %mul3A_544 : vector<16xi32>
    %gather3A_546 = tpu.vector_load_idx %arg13[%add3A_542, %mul3A_545] : memref<128x16xf32, #tpu.memory_space<vmem>>[vector<16xi32>, vector<16xi32>], vector<16xf32>,
    %mul3A_547 = arith.constant 0 : i32
    %mul3A_548 = vector.broadcast %mul3A_547 : i32 to vector<16xi32>
    %mul3A_549 = arith.muli %iota3A, %mul3A_548 : vector<16xi32>
    %add3A_550 = arith.constant 1 : i32
    %add3A_551 = vector.broadcast %add3A_550 : i32 to vector<16xi32>
    %add3A_552 = arith.addi %mul3A_549, %add3A_551 : vector<16xi32>
    %gather3A_553 = tpu.vector_load_idx %arg13[%add3A_542, %add3A_552] : memref<128x16xf32, #tpu.memory_space<vmem>>[vector<16xi32>, vector<16xi32>], vector<16xf32>,
    %mul3A_554 = arith.constant 0 : i32
    %mul3A_555 = vector.broadcast %mul3A_554 : i32 to vector<16xi32>
    %mul3A_556 = arith.muli %iota3A, %mul3A_555 : vector<16xi32>
    %add3A_557 = arith.constant 2 : i32
    %add3A_558 = vector.broadcast %add3A_557 : i32 to vector<16xi32>
    %add3A_559 = arith.addi %mul3A_556, %add3A_558 : vector<16xi32>
    %gather3A_560 = tpu.vector_load_idx %arg13[%add3A_542, %add3A_559] : memref<128x16xf32, #tpu.memory_space<vmem>>[vector<16xi32>, vector<16xi32>], vector<16xf32>,
    %mul3A_561 = arith.mulf %gather3A_553, %gather3A_560 : vector<16xf32>
    %max3A_562 = arith.constant 1.000000e-30 : f32
    %max3A_563 = vector.broadcast %max3A_562 : f32 to vector<16xf32>
    %max3A_564 = arith.maximumf %mul3A_561, %max3A_563 : vector<16xf32>
    %bitcast3A_565 = vector.bitcast %max3A_564 : vector<16xf32> to vector<16xi32>
    %shift_right_arithmetic3A_566 = arith.constant 1 : i32
    %shift_right_arithmetic3A_567 = vector.broadcast %shift_right_arithmetic3A_566 : i32 to vector<16xi32>
    %shift_right_arithmetic3A_568 = arith.shrsi %bitcast3A_565, %shift_right_arithmetic3A_567 : vector<16xi32>
    %sub3A_569 = arith.constant 1597463007 : i32
    %sub3A_570 = vector.broadcast %sub3A_569 : i32 to vector<16xi32>
    %sub3A_571 = arith.subi %sub3A_570, %shift_right_arithmetic3A_568 : vector<16xi32>
    %bitcast3A_572 = vector.bitcast %sub3A_571 : vector<16xi32> to vector<16xf32>
    %mul3A_573 = arith.constant 5.000000e-01 : f32
    %mul3A_574 = vector.broadcast %mul3A_573 : f32 to vector<16xf32>
    %mul3A_575 = arith.mulf %mul3A_574, %max3A_564 : vector<16xf32>
    %mul3A_576 = arith.mulf %mul3A_575, %bitcast3A_572 : vector<16xf32>
    %mul3A_577 = arith.mulf %mul3A_576, %bitcast3A_572 : vector<16xf32>
    %sub3A_578 = arith.constant 1.500000e+00 : f32
    %sub3A_579 = vector.broadcast %sub3A_578 : f32 to vector<16xf32>
    %sub3A_580 = arith.subf %sub3A_579, %mul3A_577 : vector<16xf32>
    %mul3A_581 = arith.mulf %bitcast3A_572, %sub3A_580 : vector<16xf32>
    %mul3A_582 = arith.constant 5.000000e-01 : f32
    %mul3A_583 = vector.broadcast %mul3A_582 : f32 to vector<16xf32>
    %mul3A_584 = arith.mulf %mul3A_583, %max3A_564 : vector<16xf32>
    %mul3A_585 = arith.mulf %mul3A_584, %mul3A_581 : vector<16xf32>
    %mul3A_586 = arith.mulf %mul3A_585, %mul3A_581 : vector<16xf32>
    %sub3A_587 = arith.constant 1.500000e+00 : f32
    %sub3A_588 = vector.broadcast %sub3A_587 : f32 to vector<16xf32>
    %sub3A_589 = arith.subf %sub3A_588, %mul3A_586 : vector<16xf32>
    %mul3A_590 = arith.mulf %mul3A_581, %sub3A_589 : vector<16xf32>
    %mul3A_591 = arith.constant 5.000000e-01 : f32
    %mul3A_592 = vector.broadcast %mul3A_591 : f32 to vector<16xf32>
    %mul3A_593 = arith.mulf %mul3A_592, %max3A_564 : vector<16xf32>
    %mul3A_594 = arith.mulf %mul3A_593, %mul3A_590 : vector<16xf32>
    %mul3A_595 = arith.mulf %mul3A_594, %mul3A_590 : vector<16xf32>
    %sub3A_596 = arith.constant 1.500000e+00 : f32
    %sub3A_597 = vector.broadcast %sub3A_596 : f32 to vector<16xf32>
    %sub3A_598 = arith.subf %sub3A_597, %mul3A_595 : vector<16xf32>
    %mul3A_599 = arith.mulf %mul3A_590, %sub3A_598 : vector<16xf32>
    %mul3A_600 = arith.mulf %gather3A_546, %mul3A_599 : vector<16xf32>
    %mul3A_601 = arith.mulf %mul3A_600, %get3A_96 : vector<16xf32>
    %add3A_602 = arith.addf %mul3A_601, %get3A_98 : vector<16xf32>
    %neg3A_603 = arith.constant 0.000000e+00 : f32
    %neg3A_604 = vector.broadcast %neg3A_603 : f32 to vector<16xf32>
    %neg3A_605 = arith.subf %neg3A_604, %add3A_602 : vector<16xf32>
    %exp3A_606 = math.exp %neg3A_605 : vector<16xf32>
    %add3A_607 = arith.constant 1.000000e+00 : f32
    %add3A_608 = vector.broadcast %add3A_607 : f32 to vector<16xf32>
    %add3A_609 = arith.addf %add3A_608, %exp3A_606 : vector<16xf32>
    %div3A_610 = arith.constant 1.000000e+00 : f32
    %div3A_611 = vector.broadcast %div3A_610 : f32 to vector<16xf32>
    %div3A_612 = arith.divf %div3A_611, %add3A_609 : vector<16xf32>
    %swap3A_613 = arith.constant 96 : index
    %swap3A_614 = tpu.vector_load %arg14[%swap3A_613] {strides = array<i32>} : memref<128xf32, #tpu.memory_space<vmem>>, vector<16xf32>,
    tpu.vector_store %arg14[%swap3A_613], %div3A_612 {strides = array<i32>} : memref<128xf32, #tpu.memory_space<vmem>>, vector<16xf32>,
    %add3A_615 = arith.constant 112 : i32
    %add3A_616 = vector.broadcast %add3A_615 : i32 to vector<16xi32>
    %add3A_617 = arith.addi %add3A_616, %iota3A : vector<16xi32>
    %mul3A_618 = arith.constant 0 : i32
    %mul3A_619 = vector.broadcast %mul3A_618 : i32 to vector<16xi32>
    %mul3A_620 = arith.muli %iota3A, %mul3A_619 : vector<16xi32>
    %gather3A_621 = tpu.vector_load_idx %arg13[%add3A_617, %mul3A_620] : memref<128x16xf32, #tpu.memory_space<vmem>>[vector<16xi32>, vector<16xi32>], vector<16xf32>,
    %mul3A_622 = arith.constant 0 : i32
    %mul3A_623 = vector.broadcast %mul3A_622 : i32 to vector<16xi32>
    %mul3A_624 = arith.muli %iota3A, %mul3A_623 : vector<16xi32>
    %add3A_625 = arith.constant 1 : i32
    %add3A_626 = vector.broadcast %add3A_625 : i32 to vector<16xi32>
    %add3A_627 = arith.addi %mul3A_624, %add3A_626 : vector<16xi32>
    %gather3A_628 = tpu.vector_load_idx %arg13[%add3A_617, %add3A_627] : memref<128x16xf32, #tpu.memory_space<vmem>>[vector<16xi32>, vector<16xi32>], vector<16xf32>,
    %mul3A_629 = arith.constant 0 : i32
    %mul3A_630 = vector.broadcast %mul3A_629 : i32 to vector<16xi32>
    %mul3A_631 = arith.muli %iota3A, %mul3A_630 : vector<16xi32>
    %add3A_632 = arith.constant 2 : i32
    %add3A_633 = vector.broadcast %add3A_632 : i32 to vector<16xi32>
    %add3A_634 = arith.addi %mul3A_631, %add3A_633 : vector<16xi32>
    %gather3A_635 = tpu.vector_load_idx %arg13[%add3A_617, %add3A_634] : memref<128x16xf32, #tpu.memory_space<vmem>>[vector<16xi32>, vector<16xi32>], vector<16xf32>,
    %mul3A_636 = arith.mulf %gather3A_628, %gather3A_635 : vector<16xf32>
    %max3A_637 = arith.constant 1.000000e-30 : f32
    %max3A_638 = vector.broadcast %max3A_637 : f32 to vector<16xf32>
    %max3A_639 = arith.maximumf %mul3A_636, %max3A_638 : vector<16xf32>
    %bitcast3A_640 = vector.bitcast %max3A_639 : vector<16xf32> to vector<16xi32>
    %shift_right_arithmetic3A_641 = arith.constant 1 : i32
    %shift_right_arithmetic3A_642 = vector.broadcast %shift_right_arithmetic3A_641 : i32 to vector<16xi32>
    %shift_right_arithmetic3A_643 = arith.shrsi %bitcast3A_640, %shift_right_arithmetic3A_642 : vector<16xi32>
    %sub3A_644 = arith.constant 1597463007 : i32
    %sub3A_645 = vector.broadcast %sub3A_644 : i32 to vector<16xi32>
    %sub3A_646 = arith.subi %sub3A_645, %shift_right_arithmetic3A_643 : vector<16xi32>
    %bitcast3A_647 = vector.bitcast %sub3A_646 : vector<16xi32> to vector<16xf32>
    %mul3A_648 = arith.constant 5.000000e-01 : f32
    %mul3A_649 = vector.broadcast %mul3A_648 : f32 to vector<16xf32>
    %mul3A_650 = arith.mulf %mul3A_649, %max3A_639 : vector<16xf32>
    %mul3A_651 = arith.mulf %mul3A_650, %bitcast3A_647 : vector<16xf32>
    %mul3A_652 = arith.mulf %mul3A_651, %bitcast3A_647 : vector<16xf32>
    %sub3A_653 = arith.constant 1.500000e+00 : f32
    %sub3A_654 = vector.broadcast %sub3A_653 : f32 to vector<16xf32>
    %sub3A_655 = arith.subf %sub3A_654, %mul3A_652 : vector<16xf32>
    %mul3A_656 = arith.mulf %bitcast3A_647, %sub3A_655 : vector<16xf32>
    %mul3A_657 = arith.constant 5.000000e-01 : f32
    %mul3A_658 = vector.broadcast %mul3A_657 : f32 to vector<16xf32>
    %mul3A_659 = arith.mulf %mul3A_658, %max3A_639 : vector<16xf32>
    %mul3A_660 = arith.mulf %mul3A_659, %mul3A_656 : vector<16xf32>
    %mul3A_661 = arith.mulf %mul3A_660, %mul3A_656 : vector<16xf32>
    %sub3A_662 = arith.constant 1.500000e+00 : f32
    %sub3A_663 = vector.broadcast %sub3A_662 : f32 to vector<16xf32>
    %sub3A_664 = arith.subf %sub3A_663, %mul3A_661 : vector<16xf32>
    %mul3A_665 = arith.mulf %mul3A_656, %sub3A_664 : vector<16xf32>
    %mul3A_666 = arith.constant 5.000000e-01 : f32
    %mul3A_667 = vector.broadcast %mul3A_666 : f32 to vector<16xf32>
    %mul3A_668 = arith.mulf %mul3A_667, %max3A_639 : vector<16xf32>
    %mul3A_669 = arith.mulf %mul3A_668, %mul3A_665 : vector<16xf32>
    %mul3A_670 = arith.mulf %mul3A_669, %mul3A_665 : vector<16xf32>
    %sub3A_671 = arith.constant 1.500000e+00 : f32
    %sub3A_672 = vector.broadcast %sub3A_671 : f32 to vector<16xf32>
    %sub3A_673 = arith.subf %sub3A_672, %mul3A_670 : vector<16xf32>
    %mul3A_674 = arith.mulf %mul3A_665, %sub3A_673 : vector<16xf32>
    %mul3A_675 = arith.mulf %gather3A_621, %mul3A_674 : vector<16xf32>
    %mul3A_676 = arith.mulf %mul3A_675, %get3A_96 : vector<16xf32>
    %add3A_677 = arith.addf %mul3A_676, %get3A_98 : vector<16xf32>
    %neg3A_678 = arith.constant 0.000000e+00 : f32
    %neg3A_679 = vector.broadcast %neg3A_678 : f32 to vector<16xf32>
    %neg3A_680 = arith.subf %neg3A_679, %add3A_677 : vector<16xf32>
    %exp3A_681 = math.exp %neg3A_680 : vector<16xf32>
    %add3A_682 = arith.constant 1.000000e+00 : f32
    %add3A_683 = vector.broadcast %add3A_682 : f32 to vector<16xf32>
    %add3A_684 = arith.addf %add3A_683, %exp3A_681 : vector<16xf32>
    %div3A_685 = arith.constant 1.000000e+00 : f32
    %div3A_686 = vector.broadcast %div3A_685 : f32 to vector<16xf32>
    %div3A_687 = arith.divf %div3A_686, %add3A_684 : vector<16xf32>
    %swap3A_688 = arith.constant 112 : index
    %swap3A_689 = tpu.vector_load %arg14[%swap3A_688] {strides = array<i32>} : memref<128xf32, #tpu.memory_space<vmem>>, vector<16xf32>,
    tpu.vector_store %arg14[%swap3A_688], %div3A_687 {strides = array<i32>} : memref<128xf32, #tpu.memory_space<vmem>>, vector<16xf32>,
    "tpu.region"() ({
      %run_scoped3A = tpu.sem_alloc : memref<!tpu.dma_semaphore, #tpu.memory_space<semaphore_mem>>
      %dma_start3A_690 = tpu.memref_slice %arg8[%mul3A_2] : memref<4096xf32, #tpu.memory_space<hbm>> -> memref<128xf32, #tpu.memory_space<hbm>>
      %dma_start3A_691 = tpu.memref_slice %arg8[%mul3A_2] : memref<4096xf32, #tpu.memory_space<hbm>> -> memref<128xf32, #tpu.memory_space<hbm>>
      tpu.enqueue_dma source(%arg14 : memref<128xf32, #tpu.memory_space<vmem>>) target(%dma_start3A_691 : memref<128xf32, #tpu.memory_space<hbm>>) target_semaphore(%run_scoped3A : memref<!tpu.dma_semaphore, #tpu.memory_space<semaphore_mem>>)
      %dma_wait3A_692 = tpu.memref_slice %arg8[%mul3A_2] : memref<4096xf32, #tpu.memory_space<hbm>> -> memref<128xf32, #tpu.memory_space<hbm>>
      %dma_wait3A_693 = tpu.memref_slice %arg8[%mul3A_2] : memref<4096xf32, #tpu.memory_space<hbm>> -> memref<128xf32, #tpu.memory_space<hbm>>
      tpu.wait_dma2 semaphore(%run_scoped3A : memref<!tpu.dma_semaphore, #tpu.memory_space<semaphore_mem>>) src(%arg14 : memref<128xf32, #tpu.memory_space<vmem>>) dst(%dma_wait3A_693 : memref<128xf32, #tpu.memory_space<hbm>>)
      tpu.yield
    }) : () -> ()
    return
  }
}

</mosaic_0001>

<sc_bundles>
// kernel: kernel.4.cloned.1.call-start
scs
__scs_entry_jumppad:
0x0: {  	(pc) =	sbr.rel $0x88, $3  }
0x1: {  	(tag) =	ssettag $0x0;
	lr =	simm.s32 $0x1  }
0x2: {  	[smem:$0x3F9B] =	sst lr;
	_ =	strace $0xD0000000  }
0x3: {  	_ = 	snop  }
0x4: {  	_ = 	snop  }
0x5: {  	_ = 	snop  }
0x6: {  	_ = 	snop  }
0x7: {  	_ = 	snop  }
__scs_overlays_trampoline_lowered:
0x8: {  	[smem:$0x3FAA] =	sst s0  }
0x9: {  	[smem:$0x3FAB] =	sst s1  }
0xa: {  	[smem:$0x3FAC] =	sst s2  }
0xb: {  	[smem:$0x3FAD] =	sst s3  }
0xc: {  	[smem:$0x3FAE] =	sst s4  }
0xd: {  	[smem:$0x3FAF] =	sst s5  }
0xe: {  	[smem:$0x3FB0] =	sst s6  }
0xf: {  	[smem:$0x3FB1] =	sst s7  }
0x10: {  	[smem:$0x3FB2] =	sst s8  }
0x11: {  	[smem:$0x3FB3] =	sst s9;
	s0 =	simm.s32 @!p0 $0x0  }
0x12: {  	s1 =	sld [smem:$0x3F99];
	s0 =	simm.s32 @p0 $0x1  }
0x13: {  	[smem:$0x3FB4] =	sst s0;
	s0 =	simm.s32 @!p1 $0x0  }
0x14: {  	s2 =	sld [smem:$0x3F98];
	s0 =	simm.s32 @p1 $0x1  }
0x15: {  	[smem:$0x3FB5] =	sst s0;
	s0 =	simm.s32 @!p2 $0x0  }
0x16: {  	s3 =	sld [smem:$0x3FDB];
	s0 =	simm.s32 @p2 $0x1  }
0x17: {  	s4 =	simm.s32 $0x1BF5;
	[smem:$0x3FB7] =	sst s0  }
0x18: {  	s0 =	sld [smem:$0x3F9A];
	_ =	swait.ge [sflag:s4], $0x0  }
0x19: {  	s7 =	sld [smem:$0x3F9B]  }
0x1a: {  	s8 =	sadd.s32 $0xFFFFE003, lr  }
0x1b: {  	s9 =	sadd.s32 $0xFFFFFEF7, lr;
	s5 =	simm.s32 $0xFFFFFFFF;
	p2 =	slt.u32 s8, $0xFFFFF086  }
0x1c: {  	p1 =	slt.u32 s9, $0xF7A;
	s5 =	simm.s32 @!p2 $0x0  }
0x1d: {  	s5 =	simm.s32 @p1 $0x1;
	p0 =	seq.s32 s7, s2  }
0x1e: {  	s7 =	smul.u32 @!p0 $0xF7A, s2;
	p2 =	seq.s32 @!p0 s5, $0x0  }
0x1f: {  	s9 =	smul.u32 $0xF7A, s1;
	s8 =	simm.s32 @!p0 $0x1BF5;
	p2 =	por !p2, p0  }
0x20: {  	[sflag:s8] =	ssyncset.s32 @!p0 $0xFFFFF086;
	s6 =	sadd.s32 @!p0 s3, s7;
	s7 =	simm.s32 @!p0 $0x108  }
0x21: {  	s3 =	sadd.s32 s3, s9;
	s6 =	sadd.s32 @!p0 $0x88, s6;
	s7 =	simm.s32 @p2 $0x1082  }
0x22: {  	[simem:s7], [sflag:s8] =	dma.local @!p0 [hbm:s6], $0xF7A  }
0x23: {  	s9 =	sor.u32 $0xD0000000, s2;
	s6 =	simm.s32 $0x108;
	_ =	swait.ge @!p0 [sflag:s8], $0x0  }
0x24: {  	s3 =	sadd.s32 $0x88, s3;
	s6 =	simm.s32 @!p1 $0x1082;
	[sflag:s4] =	ssyncset.s32 $0xFFFFF086  }
0x25: {  	[simem:s6], [sflag:s4] =	dma.local [hbm:s3], $0xF7A  }
0x26: {  	[smem:$0x3F9B] =	sst s1;
	(tag) =	ssettag s2;
	_ =	strace s9  }
0x27: {  	s1 =	sld [smem:$0x3FAB]  }
0x28: {  	s2 =	sld [smem:$0x3FAC]  }
0x29: {  	s4 =	sld [smem:$0x3FAE]  }
0x2a: {  	p0 =	seq.s32 s5, $0x0;
	s5 =	sld [smem:$0x3FAF]  }
0x2b: {  	s6 =	sld [smem:$0x3FB0]  }
0x2c: {  	s7 =	sld [smem:$0x3FB1]  }
0x2d: {  	s3 =	simm.s32 $0x108;
	s8 =	sld [smem:$0x3FB2]  }
0x2e: {  	s3 =	simm.s32 @!p0 $0x1082;
	s9 =	sld [smem:$0x3FB3]  }
0x2f: {  	lr =	sadd.s32 s0, s3;
	s0 =	sld [smem:$0x3FAA]  }
0x30: {  	s3 =	sld [smem:$0x3FAD]  }
0x31: {  	[smem:$0x3FB6] =	sst s10  }
0x32: {  	s10 =	sld [smem:$0x3FB4];
	_ =	sdelay $0x3  }
0x33: {  	p0 =	seq.s32 s10, $0x1;
	s10 =	sld [smem:$0x3FB6];
	_ =	sdelay $0x3  }
0x34: {  	[smem:$0x3FB6] =	sst s10  }
0x35: {  	s10 =	sld [smem:$0x3FB5];
	_ =	sdelay $0x3  }
0x36: {  	p1 =	seq.s32 s10, $0x1;
	s10 =	sld [smem:$0x3FB6];
	_ =	sdelay $0x3  }
0x37: {  	[smem:$0x3FB6] =	sst s10  }
0x38: {  	s10 =	sld [smem:$0x3FB7]  }
0x39: {  	_ = 	snop;
	(pc) =	sbr.ind lr, $3  }
0x3a: {  	_ = 	snop  }
0x3b: {  	_ = 	snop  }
0x3c: {  	p2 =	seq.s32 s10, $0x1;
	s10 =	sld [smem:$0x3FB6]  }
0x3d: {  	_ =	shalt  }
0x3e: {  	_ =	shalt  }
0x3f: {  	_ =	shalt  }
0x40: {  	_ =	shalt  }
0x41: {  	_ =	shalt  }
0x42: {  	_ =	shalt  }
0x43: {  	_ =	shalt  }
0x44: {  	_ =	shalt  }
0x45: {  	_ =	shalt  }
0x46: {  	_ =	shalt  }
0x47: {  	_ =	shalt  }
0x48: {  	_ =	shalt  }
0x49: {  	_ =	shalt  }
0x4a: {  	_ =	shalt  }
0x4b: {  	_ =	shalt  }
0x4c: {  	_ =	shalt  }
0x4d: {  	_ =	shalt  }
0x4e: {  	_ =	shalt  }
0x4f: {  	_ =	shalt  }
0x50: {  	_ =	shalt  }
0x51: {  	_ =	shalt  }
0x52: {  	_ =	shalt  }
0x53: {  	_ =	shalt  }
0x54: {  	_ =	shalt  }
0x55: {  	_ =	shalt  }
0x56: {  	_ =	shalt  }
0x57: {  	_ =	shalt  }
0x58: {  	_ =	shalt  }
0x59: {  	_ =	shalt  }
0x5a: {  	_ =	shalt  }
0x5b: {  	_ =	shalt  }
0x5c: {  	_ =	shalt  }
0x5d: {  	_ =	shalt  }
0x5e: {  	_ =	shalt  }
0x5f: {  	_ =	shalt  }
0x60: {  	_ =	shalt  }
0x61: {  	_ =	shalt  }
0x62: {  	_ =	shalt  }
0x63: {  	_ =	shalt  }
0x64: {  	_ =	shalt  }
0x65: {  	_ =	shalt  }
0x66: {  	_ =	shalt  }
0x67: {  	_ =	shalt  }
0x68: {  	_ =	shalt  }
0x69: {  	_ =	shalt  }
0x6a: {  	_ =	shalt  }
0x6b: {  	_ =	shalt  }
0x6c: {  	_ =	shalt  }
0x6d: {  	_ =	shalt  }
0x6e: {  	_ =	shalt  }
0x6f: {  	_ =	shalt  }
0x70: {  	_ =	shalt  }
0x71: {  	_ =	shalt  }
0x72: {  	_ =	shalt  }
0x73: {  	_ =	shalt  }
0x74: {  	_ =	shalt  }
0x75: {  	_ =	shalt  }
0x76: {  	_ =	shalt  }
0x77: {  	_ =	shalt  }
0x78: {  	_ =	shalt  }
0x79: {  	_ =	shalt  }
0x7a: {  	_ =	shalt  }
0x7b: {  	_ =	shalt  }
0x7c: {  	_ =	shalt  }
0x7d: {  	_ =	shalt  }
0x7e: {  	_ =	shalt  }
0x7f: {  	_ =	shalt  }
0x80: {  	_ =	shalt  }
0x81: {  	_ =	shalt  }
0x82: {  	_ =	shalt  }
0x83: {  	_ =	shalt  }
0x84: {  	_ =	shalt  }
0x85: {  	_ =	shalt  }
0x86: {  	_ =	shalt  }
0x87: {  	_ =	shalt  }
.Lfunc_end0:
.L_simem_size_0:
called_computation_lowered:
.L_overlay_start_0:
0x88: {  	s2 =	sld [smem:$0x3FD9]  }
0x89: {  	s3 =	sld [smem:$0x3FFE];
	_ =	sdelay $0x1  }
0x8a: {  	s1 =	srdreg.scid  }
0x8b: {  	s0 =	sand.u32 $0x1, s1  }
0x8c: {  	s16 =	sshll.u32 s0, $0xA;
	s2 =	sadd.s32 s3, s2  }
0x8d: {  	s2 =	sadd.s32 s2, s16  }
0x8e: {  	[smem:$0x3FC2] =	sst s2  }
0x8f: {  	_ = 	snop  }
0x90: {  	(tm) =	ssettm $0x1  }
0x91: {  	s17 =	sld [smem:$0x3FFB];
	_ =	sdelay $0x3  }
0x92: {  	_ =	strace s17  }
0x93: {  	s2 =	sld [smem:$0x3FFC];
	_ =	sdelay $0x3  }
0x94: {  	_ =	strace s2  }
0x95: {  	s2 =	sld [smem:$0x3FFD];
	_ =	sdelay $0x3  }
0x96: {  	_ =	strace s2  }
0x97: {  	_ =	strace $0x8FFFFFFF  }
0x98: {  	s18 =	sld [smem:$0x3FDB];
	_ =	sdelay $0x1  }
0x99: {  	s19 =	simm.s32 $_scs_section_size  }
0x9a: {  	s4 =	simm.s32 $_size__tile_overlayer_lowered;
	s5 =	simm.s32 $_tile_overlayer_lowered  }
0x9b: {  	s22 =	simm.s32 $0x1BFF;
	s21 =	sshll.u32 s5, $0x1;
	s2 =	sadd.s32 s19, s18  }
0x9c: {  	s6 =	simm.s32 $0x0;
	s20 =	sshll.u32 s4, $0x1;
	s4 =	sadd.s32 s21, s2  }
0x9d: {  	[timem:s6], [sflag:s22] =	dma.local [hbm:s4], s20  }
0x9e: {  	_ =	swait.ge [sflag:s22], s20  }
0x9f: {  	s3 =	ssub.s32 $0x0, s20;
	[sflag:s22] =	ssyncset.done $0x0  }
0xa0: {  	[sflag:s22] =	ssyncadd.s32 s3;
	_ =	sdelay $0x1  }
0xa1: {  	s23 =	simm.s32 $0x1B8B  }
0xa2: {  	_ =	swait.ge [sflag:s23], $0x1  }
0xa3: {  	[sflag:s23] =	ssyncset.done $0x0  }
0xa4: {  	s25 =	simm.s32 $0x1B8E;
	s24 =	sld [smem:$0x3FFE];
	[sflag:s23] =	ssyncadd.s32 $0xFFFFFFFF  }
0xa5: {  	s26 =	simm.s32 $execute0_lowered;
	[smem:$0x3FD2] =	sst s25  }
0xa6: {  	s4 =	sshll.u32 s26, $0x1;
	_ =	strace $0x80000046;
	[dreg:$0x1] =	wrdreg $0xFFFFFFFF  }
0xa7: {  	s28 =	simm.s32 $_size_execute0_lowered;
	s2 =	sadd.s32 s2, s4;
	[dreg:$0x0] =	wrdreg $0x0  }
0xa8: {  	s4 =	sshll.u32 s28, $0x1;
	[dreg:$0x2] =	wrdreg s2  }
0xa9: {  	[dreg:$0x3] =	wrdreg s4  }
0xaa: {  	[dreg:$0x4] =	wrdreg $0xC0  }
0xab: {  	_ =	task [dreg:s6], $0x5FFFF  }
0xac: {  	[dreg:$0x1] =	wrdreg $0xFFFFFFFF  }
0xad: {  	[dreg:$0x0] =	wrdreg $0x60  }
0xae: {  	[dreg:$0x2] =	wrdreg s24  }
0xaf: {  	[dreg:$0x3] =	wrdreg $0x9  }
0xb0: {  	_ =	task.clear_ibuf [dreg:s6], $0x4FFFF;
	_ =	strace $0x90000046  }
0xb1: {  	s29 =	simm.s32 $0x9;
	_ =	strace $0x80000048  }
0xb2: {  	_ =	swait.ge [sflag:s29], $0x1  }
0xb3: {  	[sflag:s29] =	ssyncadd.s32 $0xFFFFFFFF  }
0xb4: {  	_ =	strace $0x90000048  }
0xb5: {  	_ =	sfence  }
0xb6: {  	s30 =	sld [smem:$0x0];
	_ =	sdelay $0x2  }
0xb7: {  	s31 =	sshll.u32 s1, $0xD;
	s1 =	sshrl.u32 s1, $0x2  }
0xb8: {  	s3 =	sand.u32 $0x4000, s31;
	s1 =	sadd.s32 s1, s30  }
0xb9: {  	s0 =	sor.u32 s3, s0;
	s1 =	sshll.u32 s1, $0x11  }
0xba: {  	s0 =	sor.u32 s1, s0  }
0xbb: {  	s0 =	sadd.s32 $0x8F2B, s0  }
0xbc: {  	[sflag:s0] =	ssyncadd.remote.s32 $0x1  }
0xbd: {  	_ =	sfence.sel $0xFFFF  }
0xbe: {  	[dreg:$0x0] =	wrdreg $0xFFFFFFFF;
	(pc) =	sbr.abs _section_cstart, $3  }
0xbf: {  	[dreg:$0x1] =	wrdreg $0xFFFFFFFF  }
0xc0: {  	_ =	task.clear_ibuf [dreg:s6], $0x2FFFF;
	_ =	strace $0x9FFFFFFF  }
0xc1: {  	(tm) =	ssettm $0x7FFFFFFF  }
tec
execute0_lowered:
.L_overlay_start_1:
0x0: {  	(tag) =	ssettag $0x1  }
0x1: {  	s7 =	rddreg [dreg:$0x0]  }
0x2: {  	s0 =	rddreg [dreg:$0x1];
	s2 =	simm.s32 $0x0  }
0x3: {  	s3 =	srdreg.scid;
	s1 =	stileid.u32;
	s10 =	simm.s32 $0x2400  }
0x4: {  	s11 =	simm.s32 $0x1;
	s12 =	simm.s32 $0x0;
	[smem:$0x7FF] =	sst s2  }
.Ltmp0:
0x5: {  	s5 =	sand.u32 $0x1, s3;
	s3 =	sadd.s32 $0x188C00, s7;
	(pc) =	sbr.rel .LBB2_1-.Ltmp0, $4  }
0x6: {  	s8 =	sshll.u32 s1, $0x1;
	s4 =	sadd.s32 $0x2200, s7;
	s6 =	ssub.s32 $0x2, s5  }
0x7: {  	_ =	strace $0x80000047;
	s5 =	sor.u32 s5, s8;
	s9 =	sshrl.u32 s6, $0x1  }
0x8: {  	s5 =	smul.u32 $0x11, s5;
	s31 =	ssub.s32 s6, s9;
	s6 =	sadd.s32 $0x221342, s7  }
0x9: {  	s7 =	sadd.s32 $0xC5440, s7;
	s9 =	simm.s32 $0x2;
	s8 =	smax.u32 s31, $0x1  }
.LBB2_11:
0xa: {  	s12 =	sadd.s32 $0x1, s12  }
0xb: {  	p0 =	sne.s32 s12, s8  }
.Ltmp1:
0xc: {  	_ = 	snop;
	(pc) =	sbr.rel @!p0 .LBB2_12-.Ltmp1, $1  }
0xd: {  	_ =	sdelay $0x3  }
.LBB2_1:
.Ltmp2:
0xe: {  	(pc) =	sbr.rel .LBB2_2-.Ltmp2, $2  }
0xf: {  	_ =	sdelay $0x2  }
0x10: {  	s13 =	simm.s32 $0x0  }
.LBB2_10:
0x11: {  	s13 =	sadd.s32 $0x1, s13  }
0x12: {  	p0 =	sne.s32 s13, $0x11  }
.Ltmp3:
0x13: {  	_ = 	snop;
	(pc) =	sbr.rel @!p0 .LBB2_11-.Ltmp3, $1  }
0x14: {  	_ =	sdelay $0x3  }
.LBB2_2:
0x15: {  	s14 =	sadd.s32 s5, s13  }
0x16: {  	p0 =	sgt.u32 s14, $0x21E  }
.Ltmp4:
0x17: {  	_ = 	snop;
	(pc) =	sbr.rel @p0 .LBB2_6-.Ltmp4, $1  }
0x18: {  	_ =	sdelay $0x3  }
0x19: {  	s15 =	smul.u32 $0x47E, s14;
	_ =	sdelay $0x1  }
0x1a: {  	s15 =	sadd.s32 s3, s15  }
0x1b: {  	[tilespmem:s2], [sflag:$0x2] =	stream.linear.gather [hbm4b:s15+s2], $0x23F0, $0x38;
	[tilespmem:$0x5200] =	vst v63  }
0x1c: {  	_ =	swait.ge [sflag:s9], $0x23F0  }
0x1d: {  	[sflag:s9] =	ssyncset.done $0x0  }
0x1e: {  	s16 =	simm.s32 $0x64;
	[sflag:s9] =	ssyncadd.s32 $0xFFFFDC10  }
0x1f: {  	v0 =	vld [tilespmem:s16+$0xFFFFFF9C];
	_ =	sdelay $0x3  }
0x20: {  	s15 =	simm.s32 $0x2480  }
0x21: {  	[tilespmem:s15+$0xFFFFFF80] =	vst v0  }
0x22: {  	v0 =	vld [tilespmem:s16+$0xFFFFFFAC];
	_ =	sdelay $0x4  }
0x23: {  	[tilespmem:s15+$0xFFFFFF90] =	vst v0  }
0x24: {  	v0 =	vld [tilespmem:s16+$0xFFFFFFBC];
	_ =	sdelay $0x4  }
0x25: {  	[tilespmem:s15+$0xFFFFFFA0] =	vst v0  }
0x26: {  	v0 =	vld [tilespmem:s16+$0xFFFFFFCC];
	_ =	sdelay $0x4  }
0x27: {  	[tilespmem:s15+$0xFFFFFFB0] =	vst v0  }
0x28: {  	v0 =	vld [tilespmem:s16+$0xFFFFFFCE];
	_ =	sdelay $0x4  }
0x29: {  	[tilespmem:s15+$0xFFFFFFC0] =	vst v0  }
0x2a: {  	v0 =	vld [tilespmem:s16+$0xFFFFFFDE];
	_ =	sdelay $0x4  }
0x2b: {  	[tilespmem:s15+$0xFFFFFFD0] =	vst v0  }
0x2c: {  	v0 =	vld [tilespmem:s16+$0xFFFFFFEE];
	_ =	sdelay $0x4  }
0x2d: {  	[tilespmem:s15+$0xFFFFFFE0] =	vst v0  }
0x2e: {  	v0 =	vld [tilespmem:s16+$0xFFFFFFFE];
	_ =	sdelay $0x4  }
0x2f: {  	[tilespmem:s15+$0xFFFFFFF0] =	vst v0  }
0x30: {  	v0 =	vld [tilespmem:s16+$0x0];
	_ =	sdelay $0x4  }
0x31: {  	[tilespmem:s15+$0x0] =	vst v0  }
0x32: {  	v0 =	vld [tilespmem:s16+$0x10];
	_ =	sdelay $0x4  }
0x33: {  	[tilespmem:s15+$0x10] =	vst v0  }
0x34: {  	v0 =	vld [tilespmem:s16+$0x20];
	_ =	sdelay $0x4  }
0x35: {  	[tilespmem:s15+$0x20] =	vst v0  }
0x36: {  	v0 =	vld [tilespmem:s16+$0x30];
	_ =	sdelay $0x4  }
0x37: {  	[tilespmem:s15+$0x30] =	vst v0  }
0x38: {  	v0 =	vld [tilespmem:s16+$0x32];
	_ =	sdelay $0x4  }
0x39: {  	[tilespmem:s15+$0x40] =	vst v0  }
0x3a: {  	v0 =	vld [tilespmem:s16+$0x42];
	_ =	sdelay $0x4  }
0x3b: {  	[tilespmem:s15+$0x50] =	vst v0  }
0x3c: {  	v0 =	vld [tilespmem:s16+$0x52];
	_ =	sdelay $0x4  }
0x3d: {  	[tilespmem:s15+$0x60] =	vst v0  }
0x3e: {  	v0 =	vld [tilespmem:s16+$0x62];
	_ =	sdelay $0x4  }
0x3f: {  	s17 =	simm.s32 $0x12C;
	s16 =	simm.s32 $0x0;
	[tilespmem:s15+$0x70] =	vst v0  }
.LBB2_4:
0x40: {  	v0 =	vld [tilespmem:s17+$0xFFFFFF9C];
	s16 =	sadd.s32 $0x4, s16  }
0x41: {  	p0 =	slt.u32 s16, $0xB4;
	_ =	sdelay $0x2  }
0x42: {  	s15 =	sadd.s32 $0x100, s15  }
0x43: {  	[tilespmem:s15+$0xFFFFFF80] =	vst v0  }
0x44: {  	v0 =	vld [tilespmem:s17+$0xFFFFFFAC];
	_ =	sdelay $0x4  }
0x45: {  	[tilespmem:s15+$0xFFFFFF90] =	vst v0  }
0x46: {  	v0 =	vld [tilespmem:s17+$0xFFFFFFBC];
	_ =	sdelay $0x4  }
0x47: {  	[tilespmem:s15+$0xFFFFFFA0] =	vst v0  }
0x48: {  	v0 =	vld [tilespmem:s17+$0xFFFFFFCC];
	_ =	sdelay $0x4  }
0x49: {  	[tilespmem:s15+$0xFFFFFFB0] =	vst v0  }
0x4a: {  	v0 =	vld [tilespmem:s17+$0xFFFFFFCE];
	_ =	sdelay $0x4  }
0x4b: {  	[tilespmem:s15+$0xFFFFFFC0] =	vst v0  }
0x4c: {  	v0 =	vld [tilespmem:s17+$0xFFFFFFDE];
	_ =	sdelay $0x4  }
0x4d: {  	[tilespmem:s15+$0xFFFFFFD0] =	vst v0  }
0x4e: {  	v0 =	vld [tilespmem:s17+$0xFFFFFFEE];
	_ =	sdelay $0x4  }
0x4f: {  	[tilespmem:s15+$0xFFFFFFE0] =	vst v0  }
0x50: {  	v0 =	vld [tilespmem:s17+$0xFFFFFFFE];
	_ =	sdelay $0x4  }
0x51: {  	[tilespmem:s15+$0xFFFFFFF0] =	vst v0  }
0x52: {  	v0 =	vld [tilespmem:s17+$0x0];
	_ =	sdelay $0x4  }
0x53: {  	[tilespmem:s15+$0x0] =	vst v0  }
0x54: {  	v0 =	vld [tilespmem:s17+$0x10];
	_ =	sdelay $0x4  }
0x55: {  	[tilespmem:s15+$0x10] =	vst v0  }
0x56: {  	v0 =	vld [tilespmem:s17+$0x20];
	_ =	sdelay $0x4  }
0x57: {  	[tilespmem:s15+$0x20] =	vst v0  }
0x58: {  	v0 =	vld [tilespmem:s17+$0x30];
	_ =	sdelay $0x4  }
0x59: {  	[tilespmem:s15+$0x30] =	vst v0  }
0x5a: {  	v0 =	vld [tilespmem:s17+$0x32];
	_ =	sdelay $0x4  }
0x5b: {  	[tilespmem:s15+$0x40] =	vst v0  }
0x5c: {  	v0 =	vld [tilespmem:s17+$0x42];
	_ =	sdelay $0x4  }
0x5d: {  	[tilespmem:s15+$0x50] =	vst v0  }
0x5e: {  	v0 =	vld [tilespmem:s17+$0x52];
	_ =	sdelay $0x4  }
0x5f: {  	[tilespmem:s15+$0x60] =	vst v0  }
0x60: {  	v0 =	vld [tilespmem:s17+$0x62]  }
.Ltmp5:
0x61: {  	(pc) =	sbr.rel @p0 .LBB2_4-.Ltmp5, $2  }
0x62: {  	_ =	sdelay $0x2  }
0x63: {  	s17 =	sadd.s32 $0xC8, s17;
	[tilespmem:s15+$0x70] =	vst v0  }
0x64: {  	s15 =	smul.u32 $0x5C0, s14;
	_ =	sdelay $0x1  }
0x65: {  	s15 =	sadd.s32 s4, s15  }
0x66: {  	[hbm4b:s15+s2] =	stream.linear.scatter [tilespmem:s10], [sflag:$0x2], $0x2E00, $0x38;
	[tilespmem:$0x5200] =	vst v63  }
0x67: {  	_ =	swait.ge [sflag:s9], $0x2E00  }
0x68: {  	[sflag:s9] =	ssyncset.done $0x0  }
0x69: {  	[sflag:s9] =	ssyncadd.s32 $0xFFFFD200  }
.LBB2_6:
0x6a: {  	p0 =	sne.s32 s14, $0x21F  }
.Ltmp6:
0x6b: {  	_ = 	snop;
	(pc) =	sbr.rel @p0 .LBB2_10-.Ltmp6, $1  }
0x6c: {  	_ =	sdelay $0x3  }
0x6d: {  	[tilespmem:s2], [sflag:$0x2] =	stream.linear.gather [hbm4b:s6+s2], $0x1130, $0x38;
	[tilespmem:$0x5200] =	vst v63  }
0x6e: {  	_ =	swait.ge [sflag:s9], $0x1130  }
0x6f: {  	[sflag:s9] =	ssyncset.done $0x0  }
0x70: {  	s15 =	simm.s32 $0x64;
	[sflag:s9] =	ssyncadd.s32 $0xFFFFEED0  }
0x71: {  	v0 =	vld [tilespmem:s15+$0xFFFFFF9C];
	_ =	sdelay $0x3  }
0x72: {  	s14 =	simm.s32 $0x2480  }
0x73: {  	[tilespmem:s14+$0xFFFFFF80] =	vst v0  }
0x74: {  	v0 =	vld [tilespmem:s15+$0xFFFFFFAC];
	_ =	sdelay $0x4  }
0x75: {  	[tilespmem:s14+$0xFFFFFF90] =	vst v0  }
0x76: {  	v0 =	vld [tilespmem:s15+$0xFFFFFFBC];
	_ =	sdelay $0x4  }
0x77: {  	[tilespmem:s14+$0xFFFFFFA0] =	vst v0  }
0x78: {  	v0 =	vld [tilespmem:s15+$0xFFFFFFCC];
	_ =	sdelay $0x4  }
0x79: {  	[tilespmem:s14+$0xFFFFFFB0] =	vst v0  }
0x7a: {  	v0 =	vld [tilespmem:s15+$0xFFFFFFCE];
	_ =	sdelay $0x4  }
0x7b: {  	[tilespmem:s14+$0xFFFFFFC0] =	vst v0  }
0x7c: {  	v0 =	vld [tilespmem:s15+$0xFFFFFFDE];
	_ =	sdelay $0x4  }
0x7d: {  	[tilespmem:s14+$0xFFFFFFD0] =	vst v0  }
0x7e: {  	v0 =	vld [tilespmem:s15+$0xFFFFFFEE];
	_ =	sdelay $0x4  }
0x7f: {  	[tilespmem:s14+$0xFFFFFFE0] =	vst v0  }
0x80: {  	v0 =	vld [tilespmem:s15+$0xFFFFFFFE];
	_ =	sdelay $0x4  }
0x81: {  	[tilespmem:s14+$0xFFFFFFF0] =	vst v0  }
0x82: {  	v0 =	vld [tilespmem:s15+$0x0];
	_ =	sdelay $0x4  }
0x83: {  	[tilespmem:s14+$0x0] =	vst v0  }
0x84: {  	v0 =	vld [tilespmem:s15+$0x10];
	_ =	sdelay $0x4  }
0x85: {  	[tilespmem:s14+$0x10] =	vst v0  }
0x86: {  	v0 =	vld [tilespmem:s15+$0x20];
	_ =	sdelay $0x4  }
0x87: {  	[tilespmem:s14+$0x20] =	vst v0  }
0x88: {  	v0 =	vld [tilespmem:s15+$0x30];
	_ =	sdelay $0x4  }
0x89: {  	[tilespmem:s14+$0x30] =	vst v0  }
0x8a: {  	v0 =	vld [tilespmem:s15+$0x32];
	_ =	sdelay $0x4  }
0x8b: {  	[tilespmem:s14+$0x40] =	vst v0  }
0x8c: {  	v0 =	vld [tilespmem:s15+$0x42];
	_ =	sdelay $0x4  }
0x8d: {  	[tilespmem:s14+$0x50] =	vst v0  }
0x8e: {  	v0 =	vld [tilespmem:s15+$0x52];
	_ =	sdelay $0x4  }
0x8f: {  	[tilespmem:s14+$0x60] =	vst v0  }
0x90: {  	v0 =	vld [tilespmem:s15+$0x62];
	_ =	sdelay $0x4  }
0x91: {  	s16 =	simm.s32 $0x12C;
	s15 =	simm.s32 $0x0;
	[tilespmem:s14+$0x70] =	vst v0  }
.LBB2_8:
0x92: {  	v0 =	vld [tilespmem:s16+$0xFFFFFF9C];
	s15 =	sadd.s32 $0x4, s15  }
0x93: {  	p0 =	slt.u32 s15, $0x54;
	_ =	sdelay $0x2  }
0x94: {  	s14 =	sadd.s32 $0x100, s14  }
0x95: {  	[tilespmem:s14+$0xFFFFFF80] =	vst v0  }
0x96: {  	v0 =	vld [tilespmem:s16+$0xFFFFFFAC];
	_ =	sdelay $0x4  }
0x97: {  	[tilespmem:s14+$0xFFFFFF90] =	vst v0  }
0x98: {  	v0 =	vld [tilespmem:s16+$0xFFFFFFBC];
	_ =	sdelay $0x4  }
0x99: {  	[tilespmem:s14+$0xFFFFFFA0] =	vst v0  }
0x9a: {  	v0 =	vld [tilespmem:s16+$0xFFFFFFCC];
	_ =	sdelay $0x4  }
0x9b: {  	[tilespmem:s14+$0xFFFFFFB0] =	vst v0  }
0x9c: {  	v0 =	vld [tilespmem:s16+$0xFFFFFFCE];
	_ =	sdelay $0x4  }
0x9d: {  	[tilespmem:s14+$0xFFFFFFC0] =	vst v0  }
0x9e: {  	v0 =	vld [tilespmem:s16+$0xFFFFFFDE];
	_ =	sdelay $0x4  }
0x9f: {  	[tilespmem:s14+$0xFFFFFFD0] =	vst v0  }
0xa0: {  	v0 =	vld [tilespmem:s16+$0xFFFFFFEE];
	_ =	sdelay $0x4  }
0xa1: {  	[tilespmem:s14+$0xFFFFFFE0] =	vst v0  }
0xa2: {  	v0 =	vld [tilespmem:s16+$0xFFFFFFFE];
	_ =	sdelay $0x4  }
0xa3: {  	[tilespmem:s14+$0xFFFFFFF0] =	vst v0  }
0xa4: {  	v0 =	vld [tilespmem:s16+$0x0];
	_ =	sdelay $0x4  }
0xa5: {  	[tilespmem:s14+$0x0] =	vst v0  }
0xa6: {  	v0 =	vld [tilespmem:s16+$0x10];
	_ =	sdelay $0x4  }
0xa7: {  	[tilespmem:s14+$0x10] =	vst v0  }
0xa8: {  	v0 =	vld [tilespmem:s16+$0x20];
	_ =	sdelay $0x4  }
0xa9: {  	[tilespmem:s14+$0x20] =	vst v0  }
0xaa: {  	v0 =	vld [tilespmem:s16+$0x30];
	_ =	sdelay $0x4  }
0xab: {  	[tilespmem:s14+$0x30] =	vst v0  }
0xac: {  	v0 =	vld [tilespmem:s16+$0x32];
	_ =	sdelay $0x4  }
0xad: {  	[tilespmem:s14+$0x40] =	vst v0  }
0xae: {  	v0 =	vld [tilespmem:s16+$0x42];
	_ =	sdelay $0x4  }
0xaf: {  	[tilespmem:s14+$0x50] =	vst v0  }
0xb0: {  	v0 =	vld [tilespmem:s16+$0x52];
	_ =	sdelay $0x4  }
0xb1: {  	[tilespmem:s14+$0x60] =	vst v0  }
0xb2: {  	v0 =	vld [tilespmem:s16+$0x62]  }
.Ltmp7:
0xb3: {  	(pc) =	sbr.rel @p0 .LBB2_8-.Ltmp7, $2  }
0xb4: {  	_ =	sdelay $0x2  }
0xb5: {  	s16 =	sadd.s32 $0xC8, s16;
	[tilespmem:s14+$0x70] =	vst v0  }
.Ltmp8:
0xb6: {  	(pc) =	sbr.rel .LBB2_10-.Ltmp8, $4  }
0xb7: {  	[hbm4b:s7+s2] =	stream.linear.scatter [tilespmem:s10], [sflag:$0x1], $0x1600, $0x38;
	[tilespmem:$0x5200] =	vst v63  }
0xb8: {  	_ =	swait.ge [sflag:s11], $0x1600  }
0xb9: {  	[sflag:s11] =	ssyncset.done $0x0  }
0xba: {  	[sflag:s11] =	ssyncadd.s32 $0xFFFFEA00  }
.LBB2_12:
0xbb: {  	_ =	sfence.sel $0x180000  }
0xbc: {  	[bflag:$0x0] =	sbarrier.arrive $0xFFFF  }
0xbd: {  	p0 =	sne.s32 s1, $0x0;
	_ =	strace $0x90000047  }
0xbe: {  	s0 =	sadd.s32 @!p0 $0x100000, s0;
	[bflag:$0x2] =	sbarrier.arrive $0xFFFF  }
0xbf: {  	[sflag:s0] =	ssyncadd.tile.s32 @!p0 $0x1;
	_ =	shalt  }
.Lfunc_end2:
_tile_overlayer_lowered:
.L_overlay_start_2:
0xc0: {  	(tag) =	ssettag $0x2  }
0xc1: {  	s0 =	rddreg [dreg:$0x0];
	s2 =	stileid.u32  }
0xc2: {  	s1 =	rddreg [dreg:$0x1];
	p0 =	sne.s32 s2, $0x0  }
0xc3: {  	s3 =	rddreg [dreg:$0x2];
	[bflag:$0x3] =	sbarrier.arrive $0xFFFF;
	s2 =	simm.s32 @!p0 $0x1C01  }
0xc4: {  	[timem:s3], [sflag:s2] =	dma.local @!p0 [hbm:s0], s1  }
0xc5: {  	s0 =	simm.s32 @!p0 $0x1  }
0xc6: {  	_ =	swait.ge @!p0 [sflag:s0], s1  }
0xc7: {  	s1 =	ssub.s32 @!p0 $0x0, s1;
	[sflag:s0] =	ssyncset.done @!p0 $0x0  }
0xc8: {  	[sflag:s0] =	ssyncadd.s32 @!p0 s1  }
0xc9: {  	[bflag:$0x3] =	sbarrier.arrive $0xFFFF  }
0xca: {  	_ =	shalt  }

// kernel: kernel.7.cloned.1.call-start
scs
__scs_entry_jumppad:
0x0: {  	(pc) =	sbr.rel $0x88, $3  }
0x1: {  	(tag) =	ssettag $0x0;
	lr =	simm.s32 $0x1  }
0x2: {  	[smem:$0x3F9B] =	sst lr;
	_ =	strace $0xD0000000  }
0x3: {  	_ = 	snop  }
0x4: {  	_ = 	snop  }
0x5: {  	_ = 	snop  }
0x6: {  	_ = 	snop  }
0x7: {  	_ = 	snop  }
__scs_overlays_trampoline_lowered:
0x8: {  	[smem:$0x3FAA] =	sst s0  }
0x9: {  	[smem:$0x3FAB] =	sst s1  }
0xa: {  	[smem:$0x3FAC] =	sst s2  }
0xb: {  	[smem:$0x3FAD] =	sst s3  }
0xc: {  	[smem:$0x3FAE] =	sst s4  }
0xd: {  	[smem:$0x3FAF] =	sst s5  }
0xe: {  	[smem:$0x3FB0] =	sst s6  }
0xf: {  	[smem:$0x3FB1] =	sst s7  }
0x10: {  	[smem:$0x3FB2] =	sst s8  }
0x11: {  	[smem:$0x3FB3] =	sst s9;
	s0 =	simm.s32 @!p0 $0x0  }
0x12: {  	s1 =	sld [smem:$0x3F99];
	s0 =	simm.s32 @p0 $0x1  }
0x13: {  	[smem:$0x3FB4] =	sst s0;
	s0 =	simm.s32 @!p1 $0x0  }
0x14: {  	s2 =	sld [smem:$0x3F98];
	s0 =	simm.s32 @p1 $0x1  }
0x15: {  	[smem:$0x3FB5] =	sst s0;
	s0 =	simm.s32 @!p2 $0x0  }
0x16: {  	s3 =	sld [smem:$0x3FDB];
	s0 =	simm.s32 @p2 $0x1  }
0x17: {  	s4 =	simm.s32 $0x1BF5;
	[smem:$0x3FB7] =	sst s0  }
0x18: {  	s0 =	sld [smem:$0x3F9A];
	_ =	swait.ge [sflag:s4], $0x0  }
0x19: {  	s7 =	sld [smem:$0x3F9B]  }
0x1a: {  	s8 =	sadd.s32 $0xFFFFE003, lr  }
0x1b: {  	s9 =	sadd.s32 $0xFFFFFEF7, lr;
	s5 =	simm.s32 $0xFFFFFFFF;
	p2 =	slt.u32 s8, $0xFFFFF086  }
0x1c: {  	p1 =	slt.u32 s9, $0xF7A;
	s5 =	simm.s32 @!p2 $0x0  }
0x1d: {  	s5 =	simm.s32 @p1 $0x1;
	p0 =	seq.s32 s7, s2  }
0x1e: {  	s7 =	smul.u32 @!p0 $0xF7A, s2;
	p2 =	seq.s32 @!p0 s5, $0x0  }
0x1f: {  	s9 =	smul.u32 $0xF7A, s1;
	s8 =	simm.s32 @!p0 $0x1BF5;
	p2 =	por !p2, p0  }
0x20: {  	[sflag:s8] =	ssyncset.s32 @!p0 $0xFFFFF086;
	s6 =	sadd.s32 @!p0 s3, s7;
	s7 =	simm.s32 @!p0 $0x108  }
0x21: {  	s3 =	sadd.s32 s3, s9;
	s6 =	sadd.s32 @!p0 $0x88, s6;
	s7 =	simm.s32 @p2 $0x1082  }
0x22: {  	[simem:s7], [sflag:s8] =	dma.local @!p0 [hbm:s6], $0xF7A  }
0x23: {  	s9 =	sor.u32 $0xD0000000, s2;
	s6 =	simm.s32 $0x108;
	_ =	swait.ge @!p0 [sflag:s8], $0x0  }
0x24: {  	s3 =	sadd.s32 $0x88, s3;
	s6 =	simm.s32 @!p1 $0x1082;
	[sflag:s4] =	ssyncset.s32 $0xFFFFF086  }
0x25: {  	[simem:s6], [sflag:s4] =	dma.local [hbm:s3], $0xF7A  }
0x26: {  	[smem:$0x3F9B] =	sst s1;
	(tag) =	ssettag s2;
	_ =	strace s9  }
0x27: {  	s1 =	sld [smem:$0x3FAB]  }
0x28: {  	s2 =	sld [smem:$0x3FAC]  }
0x29: {  	s4 =	sld [smem:$0x3FAE]  }
0x2a: {  	p0 =	seq.s32 s5, $0x0;
	s5 =	sld [smem:$0x3FAF]  }
0x2b: {  	s6 =	sld [smem:$0x3FB0]  }
0x2c: {  	s7 =	sld [smem:$0x3FB1]  }
0x2d: {  	s3 =	simm.s32 $0x108;
	s8 =	sld [smem:$0x3FB2]  }
0x2e: {  	s3 =	simm.s32 @!p0 $0x1082;
	s9 =	sld [smem:$0x3FB3]  }
0x2f: {  	lr =	sadd.s32 s0, s3;
	s0 =	sld [smem:$0x3FAA]  }
0x30: {  	s3 =	sld [smem:$0x3FAD]  }
0x31: {  	[smem:$0x3FB6] =	sst s10  }
0x32: {  	s10 =	sld [smem:$0x3FB4];
	_ =	sdelay $0x3  }
0x33: {  	p0 =	seq.s32 s10, $0x1;
	s10 =	sld [smem:$0x3FB6];
	_ =	sdelay $0x3  }
0x34: {  	[smem:$0x3FB6] =	sst s10  }
0x35: {  	s10 =	sld [smem:$0x3FB5];
	_ =	sdelay $0x3  }
0x36: {  	p1 =	seq.s32 s10, $0x1;
	s10 =	sld [smem:$0x3FB6];
	_ =	sdelay $0x3  }
0x37: {  	[smem:$0x3FB6] =	sst s10  }
0x38: {  	s10 =	sld [smem:$0x3FB7]  }
0x39: {  	_ = 	snop;
	(pc) =	sbr.ind lr, $3  }
0x3a: {  	_ = 	snop  }
0x3b: {  	_ = 	snop  }
0x3c: {  	p2 =	seq.s32 s10, $0x1;
	s10 =	sld [smem:$0x3FB6]  }
0x3d: {  	_ =	shalt  }
0x3e: {  	_ =	shalt  }
0x3f: {  	_ =	shalt  }
0x40: {  	_ =	shalt  }
0x41: {  	_ =	shalt  }
0x42: {  	_ =	shalt  }
0x43: {  	_ =	shalt  }
0x44: {  	_ =	shalt  }
0x45: {  	_ =	shalt  }
0x46: {  	_ =	shalt  }
0x47: {  	_ =	shalt  }
0x48: {  	_ =	shalt  }
0x49: {  	_ =	shalt  }
0x4a: {  	_ =	shalt  }
0x4b: {  	_ =	shalt  }
0x4c: {  	_ =	shalt  }
0x4d: {  	_ =	shalt  }
0x4e: {  	_ =	shalt  }
0x4f: {  	_ =	shalt  }
0x50: {  	_ =	shalt  }
0x51: {  	_ =	shalt  }
0x52: {  	_ =	shalt  }
0x53: {  	_ =	shalt  }
0x54: {  	_ =	shalt  }
0x55: {  	_ =	shalt  }
0x56: {  	_ =	shalt  }
0x57: {  	_ =	shalt  }
0x58: {  	_ =	shalt  }
0x59: {  	_ =	shalt  }
0x5a: {  	_ =	shalt  }
0x5b: {  	_ =	shalt  }
0x5c: {  	_ =	shalt  }
0x5d: {  	_ =	shalt  }
0x5e: {  	_ =	shalt  }
0x5f: {  	_ =	shalt  }
0x60: {  	_ =	shalt  }
0x61: {  	_ =	shalt  }
0x62: {  	_ =	shalt  }
0x63: {  	_ =	shalt  }
0x64: {  	_ =	shalt  }
0x65: {  	_ =	shalt  }
0x66: {  	_ =	shalt  }
0x67: {  	_ =	shalt  }
0x68: {  	_ =	shalt  }
0x69: {  	_ =	shalt  }
0x6a: {  	_ =	shalt  }
0x6b: {  	_ =	shalt  }
0x6c: {  	_ =	shalt  }
0x6d: {  	_ =	shalt  }
0x6e: {  	_ =	shalt  }
0x6f: {  	_ =	shalt  }
0x70: {  	_ =	shalt  }
0x71: {  	_ =	shalt  }
0x72: {  	_ =	shalt  }
0x73: {  	_ =	shalt  }
0x74: {  	_ =	shalt  }
0x75: {  	_ =	shalt  }
0x76: {  	_ =	shalt  }
0x77: {  	_ =	shalt  }
0x78: {  	_ =	shalt  }
0x79: {  	_ =	shalt  }
0x7a: {  	_ =	shalt  }
0x7b: {  	_ =	shalt  }
0x7c: {  	_ =	shalt  }
0x7d: {  	_ =	shalt  }
0x7e: {  	_ =	shalt  }
0x7f: {  	_ =	shalt  }
0x80: {  	_ =	shalt  }
0x81: {  	_ =	shalt  }
0x82: {  	_ =	shalt  }
0x83: {  	_ =	shalt  }
0x84: {  	_ =	shalt  }
0x85: {  	_ =	shalt  }
0x86: {  	_ =	shalt  }
0x87: {  	_ =	shalt  }
.Lfunc_end0:
.L_simem_size_0:
called_computation.1_lowered:
.L_overlay_start_0:
0x88: {  	s2 =	sld [smem:$0x3FD9]  }
0x89: {  	s3 =	sld [smem:$0x3FFE];
	_ =	sdelay $0x1  }
0x8a: {  	s1 =	srdreg.scid  }
0x8b: {  	s0 =	sand.u32 $0x1, s1  }
0x8c: {  	s17 =	sshll.u32 s0, $0xA;
	s2 =	sadd.s32 s3, s2  }
0x8d: {  	s2 =	sadd.s32 s2, s17  }
0x8e: {  	[smem:$0x3FC2] =	sst s2  }
0x8f: {  	_ = 	snop  }
0x90: {  	s2 =	sld [smem:$0x3FC8]  }
0x91: {  	s18 =	sld [smem:$0x3FD0];
	(tm) =	ssettm $0x1  }
0x92: {  	s4 =	sld [smem:$0x3FFB];
	_ =	sdelay $0x3  }
0x93: {  	_ =	strace s4  }
0x94: {  	s4 =	sld [smem:$0x3FFC];
	_ =	sdelay $0x3  }
0x95: {  	_ =	strace s4  }
0x96: {  	s4 =	sld [smem:$0x3FFD];
	_ =	sdelay $0x3  }
0x97: {  	_ =	strace s4  }
0x98: {  	_ =	strace $0x8FFFFFFF  }
0x99: {  	s19 =	sld [smem:$0x3FDB];
	_ =	sdelay $0x1  }
0x9a: {  	s5 =	simm.s32 $_scs_section_size  }
0x9b: {  	s6 =	simm.s32 $_size__tile_overlayer_lowered;
	s7 =	simm.s32 $_tile_overlayer_lowered  }
0x9c: {  	s22 =	simm.s32 $0x1BFF;
	s21 =	sshll.u32 s7, $0x1;
	s4 =	sadd.s32 s5, s19  }
0x9d: {  	s8 =	simm.s32 $0x0;
	s20 =	sshll.u32 s6, $0x1;
	s6 =	sadd.s32 s21, s4  }
0x9e: {  	[timem:s8], [sflag:s22] =	dma.local [hbm:s6], s20  }
0x9f: {  	_ =	swait.ge [sflag:s22], s20  }
0xa0: {  	s5 =	ssub.s32 $0x0, s20;
	[sflag:s22] =	ssyncset.done $0x0  }
0xa1: {  	[sflag:s22] =	ssyncadd.s32 s5;
	_ =	sdelay $0x1  }
0xa2: {  	s23 =	simm.s32 $0x1B8B  }
0xa3: {  	_ =	swait.ge [sflag:s23], $0x1  }
0xa4: {  	[sflag:s23] =	ssyncset.done $0x0  }
0xa5: {  	s25 =	simm.s32 $0x1B8E;
	s24 =	sld [smem:$0x3FFE];
	[sflag:s23] =	ssyncadd.s32 $0xFFFFFFFF  }
0xa6: {  	s26 =	simm.s32 $execute0_lowered;
	[smem:$0x3FD2] =	sst s25  }
0xa7: {  	s6 =	sshll.u32 s26, $0x1;
	_ =	strace $0x80000049;
	[dreg:$0x1] =	wrdreg $0xFFFFFFFF  }
0xa8: {  	s28 =	simm.s32 $_size_execute0_lowered;
	s4 =	sadd.s32 s4, s6;
	[dreg:$0x0] =	wrdreg $0x0  }
0xa9: {  	s6 =	sshll.u32 s28, $0x1;
	[dreg:$0x2] =	wrdreg s4  }
0xaa: {  	[dreg:$0x3] =	wrdreg s6  }
0xab: {  	[dreg:$0x4] =	wrdreg $0xC0  }
0xac: {  	_ =	task [dreg:s8], $0x5FFFF  }
0xad: {  	[dreg:$0x1] =	wrdreg $0xFFFFFFFF  }
0xae: {  	[dreg:$0x0] =	wrdreg $0x60  }
0xaf: {  	[dreg:$0x2] =	wrdreg s24  }
0xb0: {  	[dreg:$0x3] =	wrdreg s2  }
0xb1: {  	[dreg:$0x4] =	wrdreg s18  }
0xb2: {  	[dreg:$0x5] =	wrdreg $0x9  }
0xb3: {  	_ =	task.clear_ibuf [dreg:s8], $0x6FFFF;
	_ =	strace $0x90000049  }
0xb4: {  	s29 =	simm.s32 $0x9;
	_ =	strace $0x8000004B  }
0xb5: {  	_ =	swait.ge [sflag:s29], $0x1  }
0xb6: {  	[sflag:s29] =	ssyncadd.s32 $0xFFFFFFFF  }
0xb7: {  	_ =	strace $0x9000004B  }
0xb8: {  	_ =	sfence  }
0xb9: {  	s30 =	sld [smem:$0x0];
	_ =	sdelay $0x2  }
0xba: {  	s31 =	sshll.u32 s1, $0xD;
	s1 =	sshrl.u32 s1, $0x2  }
0xbb: {  	s3 =	sand.u32 $0x4000, s31;
	s1 =	sadd.s32 s1, s30  }
0xbc: {  	s0 =	sor.u32 s3, s0;
	s1 =	sshll.u32 s1, $0x11  }
0xbd: {  	s0 =	sor.u32 s1, s0  }
0xbe: {  	s0 =	sadd.s32 $0x8F2B, s0  }
0xbf: {  	[sflag:s0] =	ssyncadd.remote.s32 $0x1  }
0xc0: {  	_ =	sfence.sel $0xFFFF  }
0xc1: {  	[dreg:$0x0] =	wrdreg $0xFFFFFFFF;
	(pc) =	sbr.abs _section_cstart, $3  }
0xc2: {  	[dreg:$0x1] =	wrdreg $0xFFFFFFFF  }
0xc3: {  	_ =	task.clear_ibuf [dreg:s8], $0x2FFFF;
	_ =	strace $0x9FFFFFFF  }
0xc4: {  	(tm) =	ssettm $0x7FFFFFFF  }
0xc5: {  	_ =	shalt  }
tec
execute0_lowered:
.L_overlay_start_1:
0x0: {  	(tag) =	ssettag $0x1  }
0x1: {  	s0 =	rddreg [dreg:$0x0]  }
0x2: {  	s1 =	rddreg [dreg:$0x1];
	s2 =	srdreg.scid  }
0x3: {  	s3 =	stileid.u32;
	s9 =	rddreg [dreg:$0x2];
	s11 =	simm.s32 $0x6  }
0x4: {  	s12 =	simm.s32 $0x6400;
	s17 =	simm.s32 $0x1;
	s18 =	simm.s32 $0x68  }
0x5: {  	s20 =	simm.s32 $0x60;
	s31 =	simm.s32 $0x258;
	s13 =	simm.s32 $0x13480  }
0x6: {  	s14 =	simm.s32 $0x2;
	s15 =	simm.s32 $0x3;
	s16 =	simm.s32 $0x4  }
0x7: {  	s19 =	simm.s32 $0x5;
	s21 =	simm.s32 $0x14C80;
	s22 =	simm.s32 $0x15480  }
0x8: {  	s23 =	simm.s32 $0x0;
	s5 =	sand.u32 $0x1, s2;
	s3 =	sshll.u32 s3, $0x1  }
0x9: {  	v0 =	vlaneseq.u32;
	s2 =	simm.s32 $0x0;
	s4 =	sadd.s32 $0x2200, s0;
	s8 =	sor.u32 s5, s3  }
0xa: {  	v0 =	vmul.u32 $0x10, v0;
	[smem:$0x7FF] =	sst s2;
	s3 =	sadd.s32 $0x221600, s0;
	s6 =	smul.u32 $0xC80, s8  }
.Ltmp0:
0xb: {  	vm0 =	vmmov $0x3;
	vm1 =	vcmask $0xB08;
	vm2 =	vcmask $0x3F08;
	s10 =	ssub.s32 $0x2, s5;
	s5 =	sadd.s32 $0xDE800, s0;
	(pc) =	sbr.rel .LBB2_1-.Ltmp0, $4  }
0xc: {  	vm3 =	vcmask $0x3F04;
	_ =	strace $0x8000004A;
	s29 =	sshrl.u32 s10, $0x1;
	s30 =	sshll.u32 s8, $0x4;
	v1 =	vor.u32 $0x1, v0;
	v2 =	vor.u32 $0x2, v0  }
0xd: {  	v3 =	vor.u32 $0x100, v0;
	v4 =	vor.u32 $0x101, v0;
	v5 =	vor.u32 $0x102, v0;
	s8 =	sadd.s32 s1, s30;
	s9 =	sadd.s32 s9, s30;
	s1 =	simm.s32 $0x11A80  }
0xe: {  	v6 =	vor.u32 $0x200, v0;
	v7 =	vor.u32 $0x201, v0;
	v8 =	vor.u32 $0x202, v0;
	s7 =	sadd.s32 s6, s0;
	s6 =	sadd.s32 $0xDEA00, s0;
	s0 =	ssub.s32 s10, s29  }
0xf: {  	v9 =	vor.u32 $0x300, v0;
	v10 =	vor.u32 $0x301, v0;
	v11 =	vor.u32 $0x302, v0;
	s7 =	sadd.s32 $0xC5800, s7;
	s10 =	smax.u32 s0, $0x1;
	s0 =	simm.s32 $0x2C0  }
.LBB2_12:
0x10: {  	_ =	sdelay $0x3  }
0x11: {  	v12 =	vld.idx.msk [tilespmem:v1+s21+$0x0], $0xffff  }
0x12: {  	v13 =	vld.idx.msk [tilespmem:v2+s21+$0x0], $0xffff;
	_ =	sdelay $0x4  }
0x13: {  	v12 =	vmul.f32 v13, v12;
	_ =	sdelay $0x1  }
0x14: {  	v12 =	vmax.f32 v12, $1.000000000e-30  }
0x15: {  	v22 =	vshra.s32 v12, $0x1;
	v12 =	vmul.f32 $5.000000000e-01, v12  }
0x16: {  	v13 =	vsub.s32 $0x5F3759DF, v22  }
0x17: {  	v14 =	vmul.f32 v13, v12;
	_ =	sdelay $0x1  }
0x18: {  	v14 =	vmul.f32 v13, v14;
	_ =	sdelay $0x1  }
0x19: {  	v14 =	vsub.f32 $1.500000000e+00, v14;
	_ =	sdelay $0x1  }
0x1a: {  	v13 =	vmul.f32 v13, v14;
	_ =	sdelay $0x1  }
0x1b: {  	v14 =	vmul.f32 v13, v12;
	_ =	sdelay $0x1  }
0x1c: {  	v14 =	vmul.f32 v14, v13;
	_ =	sdelay $0x1  }
0x1d: {  	v14 =	vsub.f32 $1.500000000e+00, v14;
	_ =	sdelay $0x1  }
0x1e: {  	v13 =	vmul.f32 v14, v13;
	_ =	sdelay $0x1  }
0x1f: {  	v12 =	vmul.f32 v13, v12;
	_ =	sdelay $0x1  }
0x20: {  	v12 =	vmul.f32 v12, v13  }
0x21: {  	v23 =	vld.idx.msk [tilespmem:v0+s21+$0x0], $0xffff  }
0x22: {  	v15 =	vsub.f32 $1.500000000e+00, v12  }
0x23: {  	v24 =	vld [tilespmem:$0x15500]  }
0x24: {  	v15 =	vmul.f32 v15, v13  }
0x25: {  	v25 =	vld [tilespmem:$0x15510]  }
0x26: {  	v14 =	vmul.f32 v15, v23;
	_ =	sdelay $0x1  }
0x27: {  	v14 =	vmul.f32 v14, v24;
	_ =	sdelay $0x1  }
0x28: {  	v14 =	vadd.f32 v14, v25;
	_ =	sdelay $0x1  }
0x29: {  	v14 =	vsub.f32 $0.0e+00, v14;
	_ =	sdelay $0x1  }
0x2a: {  	v14 =	vmul.f32 $1.442695020e+00, v14;
	_ =	sdelay $0x1  }
0x2b: {  	(erf) = vpow2.f32 v14;
	_ =	sdelay $0x8  }
0x2c: {  	v14 =	vpop (erf)  }
0x2d: {  	v14 =	vadd.f32 $1.000000000e+00, v14;
	_ =	sdelay $0x1  }
0x2e: {  	(erf) = vrcp.f32 v14;
	_ =	sdelay $0x8  }
0x2f: {  	v14 =	vpop (erf)  }
0x30: {  	[tilespmem:$0x15480] =	vst v14  }
0x31: {  	v14 =	vld.idx.msk [tilespmem:v4+s21+$0x0], $0xffff  }
0x32: {  	v26 =	vld.idx.msk [tilespmem:v5+s21+$0x0], $0xffff;
	_ =	sdelay $0x4  }
0x33: {  	v14 =	vmul.f32 v26, v14;
	_ =	sdelay $0x1  }
0x34: {  	v14 =	vmax.f32 v14, $1.000000000e-30  }
0x35: {  	v27 =	vshra.s32 v14, $0x1;
	v14 =	vmul.f32 $5.000000000e-01, v14  }
0x36: {  	v15 =	vsub.s32 $0x5F3759DF, v27  }
0x37: {  	v16 =	vmul.f32 v15, v14;
	_ =	sdelay $0x1  }
0x38: {  	v16 =	vmul.f32 v15, v16;
	_ =	sdelay $0x1  }
0x39: {  	v16 =	vsub.f32 $1.500000000e+00, v16;
	_ =	sdelay $0x1  }
0x3a: {  	v15 =	vmul.f32 v15, v16;
	_ =	sdelay $0x1  }
0x3b: {  	v16 =	vmul.f32 v15, v14;
	_ =	sdelay $0x1  }
0x3c: {  	v16 =	vmul.f32 v16, v15;
	_ =	sdelay $0x1  }
0x3d: {  	v16 =	vsub.f32 $1.500000000e+00, v16;
	_ =	sdelay $0x1  }
0x3e: {  	v15 =	vmul.f32 v16, v15;
	_ =	sdelay $0x1  }
0x3f: {  	v14 =	vmul.f32 v15, v14;
	_ =	sdelay $0x1  }
0x40: {  	v14 =	vmul.f32 v14, v15  }
0x41: {  	v28 =	vld.idx.msk [tilespmem:v3+s21+$0x0], $0xffff  }
0x42: {  	v14 =	vsub.f32 $1.500000000e+00, v14;
	_ =	sdelay $0x1  }
0x43: {  	v14 =	vmul.f32 v14, v15;
	_ =	sdelay $0x1  }
0x44: {  	v14 =	vmul.f32 v14, v28;
	_ =	sdelay $0x1  }
0x45: {  	v14 =	vmul.f32 v14, v24;
	_ =	sdelay $0x1  }
0x46: {  	v14 =	vadd.f32 v14, v25;
	_ =	sdelay $0x1  }
0x47: {  	v14 =	vsub.f32 $0.0e+00, v14;
	_ =	sdelay $0x1  }
0x48: {  	v14 =	vmul.f32 $1.442695020e+00, v14;
	_ =	sdelay $0x1  }
0x49: {  	(erf) = vpow2.f32 v14;
	_ =	sdelay $0x8  }
0x4a: {  	v14 =	vpop (erf)  }
0x4b: {  	v14 =	vadd.f32 $1.000000000e+00, v14;
	_ =	sdelay $0x1  }
0x4c: {  	(erf) = vrcp.f32 v14;
	_ =	sdelay $0x8  }
0x4d: {  	v14 =	vpop (erf)  }
0x4e: {  	[tilespmem:$0x15490] =	vst v14  }
0x4f: {  	v14 =	vld.idx.msk [tilespmem:v7+s21+$0x0], $0xffff  }
0x50: {  	v29 =	vld.idx.msk [tilespmem:v8+s21+$0x0], $0xffff;
	_ =	sdelay $0x4  }
0x51: {  	v14 =	vmul.f32 v29, v14;
	_ =	sdelay $0x1  }
0x52: {  	v14 =	vmax.f32 v14, $1.000000000e-30  }
0x53: {  	v30 =	vshra.s32 v14, $0x1;
	v14 =	vmul.f32 $5.000000000e-01, v14  }
0x54: {  	v15 =	vsub.s32 $0x5F3759DF, v30  }
0x55: {  	v31 =	vmul.f32 v15, v14;
	_ =	sdelay $0x1  }
0x56: {  	v16 =	vmul.f32 v15, v31;
	_ =	sdelay $0x1  }
0x57: {  	v16 =	vsub.f32 $1.500000000e+00, v16;
	_ =	sdelay $0x1  }
0x58: {  	v15 =	vmul.f32 v15, v16;
	_ =	sdelay $0x1  }
0x59: {  	v16 =	vmul.f32 v15, v14;
	_ =	sdelay $0x1  }
0x5a: {  	v16 =	vmul.f32 v16, v15;
	_ =	sdelay $0x1  }
0x5b: {  	v16 =	vsub.f32 $1.500000000e+00, v16;
	_ =	sdelay $0x1  }
0x5c: {  	v15 =	vmul.f32 v16, v15;
	_ =	sdelay $0x1  }
0x5d: {  	v14 =	vmul.f32 v15, v14;
	_ =	sdelay $0x1  }
0x5e: {  	v14 =	vmul.f32 v14, v15  }
0x5f: {  	v32 =	vld.idx.msk [tilespmem:v6+s21+$0x0], $0xffff  }
0x60: {  	v14 =	vsub.f32 $1.500000000e+00, v14;
	_ =	sdelay $0x1  }
0x61: {  	v14 =	vmul.f32 v14, v15;
	_ =	sdelay $0x1  }
0x62: {  	v14 =	vmul.f32 v14, v32;
	_ =	sdelay $0x1  }
0x63: {  	v14 =	vmul.f32 v14, v24;
	_ =	sdelay $0x1  }
0x64: {  	v14 =	vadd.f32 v14, v25;
	_ =	sdelay $0x1  }
0x65: {  	v14 =	vsub.f32 $0.0e+00, v14;
	_ =	sdelay $0x1  }
0x66: {  	v14 =	vmul.f32 $1.442695020e+00, v14;
	_ =	sdelay $0x1  }
0x67: {  	(erf) = vpow2.f32 v14;
	_ =	sdelay $0x8  }
0x68: {  	v14 =	vpop (erf)  }
0x69: {  	v14 =	vadd.f32 $1.000000000e+00, v14;
	_ =	sdelay $0x1  }
0x6a: {  	(erf) = vrcp.f32 v14;
	_ =	sdelay $0x8  }
0x6b: {  	v14 =	vpop (erf)  }
0x6c: {  	[tilespmem:$0x154A0] =	vst v14  }
0x6d: {  	v14 =	vld.idx.msk [tilespmem:v10+s21+$0x0], $0xffff  }
0x6e: {  	v33 =	vld.idx.msk [tilespmem:v11+s21+$0x0], $0xffff;
	_ =	sdelay $0x4  }
0x6f: {  	v14 =	vmul.f32 v33, v14;
	_ =	sdelay $0x1  }
0x70: {  	v14 =	vmax.f32 v14, $1.000000000e-30  }
0x71: {  	v34 =	vshra.s32 v14, $0x1;
	v14 =	vmul.f32 $5.000000000e-01, v14  }
0x72: {  	v15 =	vsub.s32 $0x5F3759DF, v34  }
0x73: {  	v35 =	vmul.f32 v15, v14;
	_ =	sdelay $0x1  }
0x74: {  	v16 =	vmul.f32 v15, v35;
	_ =	sdelay $0x1  }
0x75: {  	v16 =	vsub.f32 $1.500000000e+00, v16;
	_ =	sdelay $0x1  }
0x76: {  	v15 =	vmul.f32 v15, v16;
	_ =	sdelay $0x1  }
0x77: {  	v16 =	vmul.f32 v15, v14;
	_ =	sdelay $0x1  }
0x78: {  	v16 =	vmul.f32 v16, v15;
	_ =	sdelay $0x1  }
0x79: {  	v16 =	vsub.f32 $1.500000000e+00, v16;
	_ =	sdelay $0x1  }
0x7a: {  	v15 =	vmul.f32 v16, v15;
	_ =	sdelay $0x1  }
0x7b: {  	v14 =	vmul.f32 v15, v14;
	_ =	sdelay $0x1  }
0x7c: {  	v14 =	vmul.f32 v14, v15  }
0x7d: {  	v36 =	vld.idx.msk [tilespmem:v9+s21+$0x0], $0xffff  }
0x7e: {  	v14 =	vsub.f32 $1.500000000e+00, v14;
	_ =	sdelay $0x1  }
0x7f: {  	v14 =	vmul.f32 v14, v15;
	_ =	sdelay $0x1  }
0x80: {  	v14 =	vmul.f32 v14, v36;
	_ =	sdelay $0x1  }
0x81: {  	v14 =	vmul.f32 v14, v24;
	_ =	sdelay $0x1  }
0x82: {  	v14 =	vadd.f32 v14, v25;
	_ =	sdelay $0x1  }
0x83: {  	v14 =	vsub.f32 $0.0e+00, v14;
	_ =	sdelay $0x1  }
0x84: {  	v14 =	vmul.f32 $1.442695020e+00, v14;
	_ =	sdelay $0x1  }
0x85: {  	(erf) = vpow2.f32 v14;
	_ =	sdelay $0x8  }
0x86: {  	v14 =	vpop (erf)  }
0x87: {  	v14 =	vadd.f32 $1.000000000e+00, v14;
	_ =	sdelay $0x1  }
0x88: {  	(erf) = vrcp.f32 v14;
	_ =	sdelay $0x5  }
0x89: {  	v37 =	vor.u32 $0x401, v0  }
0x8a: {  	v38 =	vor.u32 $0x402, v0;
	_ =	sdelay $0x1  }
0x8b: {  	v39 =	vpop (erf)  }
0x8c: {  	[tilespmem:$0x154B0] =	vst v39  }
0x8d: {  	v14 =	vld.idx.msk [tilespmem:v37+s21+$0x0], $0xffff  }
0x8e: {  	v15 =	vld.idx.msk [tilespmem:v38+s21+$0x0], $0xffff;
	_ =	sdelay $0x4  }
0x8f: {  	v14 =	vmul.f32 v15, v14;
	_ =	sdelay $0x1  }
0x90: {  	v14 =	vmax.f32 v14, $1.000000000e-30  }
0x91: {  	v40 =	vshra.s32 v14, $0x1;
	v14 =	vmul.f32 $5.000000000e-01, v14  }
0x92: {  	v15 =	vsub.s32 $0x5F3759DF, v40  }
0x93: {  	v41 =	vmul.f32 v15, v14;
	_ =	sdelay $0x1  }
0x94: {  	v16 =	vmul.f32 v15, v41;
	_ =	sdelay $0x1  }
0x95: {  	v16 =	vsub.f32 $1.500000000e+00, v16;
	_ =	sdelay $0x1  }
0x96: {  	v15 =	vmul.f32 v15, v16;
	_ =	sdelay $0x1  }
0x97: {  	v16 =	vmul.f32 v15, v14;
	_ =	sdelay $0x1  }
0x98: {  	v16 =	vmul.f32 v16, v15;
	_ =	sdelay $0x1  }
0x99: {  	v16 =	vsub.f32 $1.500000000e+00, v16;
	_ =	sdelay $0x1  }
0x9a: {  	v17 =	vor.u32 $0x400, v0;
	v15 =	vmul.f32 v16, v15;
	_ =	sdelay $0x1  }
0x9b: {  	v14 =	vmul.f32 v15, v14;
	_ =	sdelay $0x1  }
0x9c: {  	v14 =	vmul.f32 v14, v15  }
0x9d: {  	v42 =	vld.idx.msk [tilespmem:v17+s21+$0x0], $0xffff  }
0x9e: {  	v14 =	vsub.f32 $1.500000000e+00, v14;
	_ =	sdelay $0x1  }
0x9f: {  	v14 =	vmul.f32 v14, v15;
	_ =	sdelay $0x1  }
0xa0: {  	v14 =	vmul.f32 v14, v42;
	_ =	sdelay $0x1  }
0xa1: {  	v14 =	vmul.f32 v14, v24;
	_ =	sdelay $0x1  }
0xa2: {  	v14 =	vadd.f32 v14, v25;
	_ =	sdelay $0x1  }
0xa3: {  	v14 =	vsub.f32 $0.0e+00, v14;
	_ =	sdelay $0x1  }
0xa4: {  	v14 =	vmul.f32 $1.442695020e+00, v14;
	_ =	sdelay $0x1  }
0xa5: {  	(erf) = vpow2.f32 v14;
	_ =	sdelay $0x8  }
0xa6: {  	v14 =	vpop (erf)  }
0xa7: {  	v14 =	vadd.f32 $1.000000000e+00, v14;
	_ =	sdelay $0x1  }
0xa8: {  	(erf) = vrcp.f32 v14;
	_ =	sdelay $0x5  }
0xa9: {  	v43 =	vor.u32 $0x501, v0  }
0xaa: {  	v44 =	vor.u32 $0x502, v0;
	_ =	sdelay $0x1  }
0xab: {  	v45 =	vpop (erf)  }
0xac: {  	[tilespmem:$0x154C0] =	vst v45  }
0xad: {  	v14 =	vld.idx.msk [tilespmem:v43+s21+$0x0], $0xffff  }
0xae: {  	v15 =	vld.idx.msk [tilespmem:v44+s21+$0x0], $0xffff;
	_ =	sdelay $0x4  }
0xaf: {  	v14 =	vmul.f32 v15, v14;
	_ =	sdelay $0x1  }
0xb0: {  	v14 =	vmax.f32 v14, $1.000000000e-30  }
0xb1: {  	v46 =	vshra.s32 v14, $0x1;
	v14 =	vmul.f32 $5.000000000e-01, v14  }
0xb2: {  	v15 =	vsub.s32 $0x5F3759DF, v46  }
0xb3: {  	v47 =	vmul.f32 v15, v14;
	_ =	sdelay $0x1  }
0xb4: {  	v16 =	vmul.f32 v15, v47;
	_ =	sdelay $0x1  }
0xb5: {  	v16 =	vsub.f32 $1.500000000e+00, v16;
	_ =	sdelay $0x1  }
0xb6: {  	v15 =	vmul.f32 v15, v16;
	_ =	sdelay $0x1  }
0xb7: {  	v16 =	vmul.f32 v15, v14;
	_ =	sdelay $0x1  }
0xb8: {  	v16 =	vmul.f32 v16, v15;
	_ =	sdelay $0x1  }
0xb9: {  	v16 =	vsub.f32 $1.500000000e+00, v16;
	_ =	sdelay $0x1  }
0xba: {  	v48 =	vor.u32 $0x500, v0;
	v15 =	vmul.f32 v16, v15;
	_ =	sdelay $0x1  }
0xbb: {  	v14 =	vmul.f32 v15, v14;
	_ =	sdelay $0x1  }
0xbc: {  	v14 =	vmul.f32 v14, v15  }
0xbd: {  	v49 =	vld.idx.msk [tilespmem:v48+s21+$0x0], $0xffff  }
0xbe: {  	v14 =	vsub.f32 $1.500000000e+00, v14;
	_ =	sdelay $0x1  }
0xbf: {  	v14 =	vmul.f32 v14, v15;
	_ =	sdelay $0x1  }
0xc0: {  	v14 =	vmul.f32 v14, v49;
	_ =	sdelay $0x1  }
0xc1: {  	v14 =	vmul.f32 v14, v24;
	_ =	sdelay $0x1  }
0xc2: {  	v14 =	vadd.f32 v14, v25;
	_ =	sdelay $0x1  }
0xc3: {  	v14 =	vsub.f32 $0.0e+00, v14;
	_ =	sdelay $0x1  }
0xc4: {  	v14 =	vmul.f32 $1.442695020e+00, v14;
	_ =	sdelay $0x1  }
0xc5: {  	(erf) = vpow2.f32 v14;
	_ =	sdelay $0x8  }
0xc6: {  	v14 =	vpop (erf)  }
0xc7: {  	v14 =	vadd.f32 $1.000000000e+00, v14;
	_ =	sdelay $0x1  }
0xc8: {  	(erf) = vrcp.f32 v14;
	_ =	sdelay $0x5  }
0xc9: {  	v50 =	vor.u32 $0x601, v0  }
0xca: {  	v51 =	vor.u32 $0x602, v0;
	_ =	sdelay $0x1  }
0xcb: {  	v52 =	vpop (erf)  }
0xcc: {  	[tilespmem:$0x154D0] =	vst v52  }
0xcd: {  	v14 =	vld.idx.msk [tilespmem:v50+s21+$0x0], $0xffff  }
0xce: {  	v15 =	vld.idx.msk [tilespmem:v51+s21+$0x0], $0xffff;
	_ =	sdelay $0x4  }
0xcf: {  	v14 =	vmul.f32 v15, v14;
	_ =	sdelay $0x1  }
0xd0: {  	v14 =	vmax.f32 v14, $1.000000000e-30  }
0xd1: {  	v53 =	vshra.s32 v14, $0x1;
	v14 =	vmul.f32 $5.000000000e-01, v14  }
0xd2: {  	v15 =	vsub.s32 $0x5F3759DF, v53  }
0xd3: {  	v54 =	vmul.f32 v15, v14;
	_ =	sdelay $0x1  }
0xd4: {  	v16 =	vmul.f32 v15, v54;
	_ =	sdelay $0x1  }
0xd5: {  	v16 =	vsub.f32 $1.500000000e+00, v16;
	_ =	sdelay $0x1  }
0xd6: {  	v15 =	vmul.f32 v15, v16;
	_ =	sdelay $0x1  }
0xd7: {  	v16 =	vmul.f32 v15, v14;
	_ =	sdelay $0x1  }
0xd8: {  	v16 =	vmul.f32 v16, v15;
	_ =	sdelay $0x1  }
0xd9: {  	v16 =	vsub.f32 $1.500000000e+00, v16;
	_ =	sdelay $0x1  }
0xda: {  	v55 =	vor.u32 $0x600, v0;
	v15 =	vmul.f32 v16, v15;
	_ =	sdelay $0x1  }
0xdb: {  	v14 =	vmul.f32 v15, v14;
	_ =	sdelay $0x1  }
0xdc: {  	v14 =	vmul.f32 v14, v15  }
0xdd: {  	v56 =	vld.idx.msk [tilespmem:v55+s21+$0x0], $0xffff  }
0xde: {  	v14 =	vsub.f32 $1.500000000e+00, v14;
	_ =	sdelay $0x1  }
0xdf: {  	v14 =	vmul.f32 v14, v15;
	_ =	sdelay $0x1  }
0xe0: {  	v14 =	vmul.f32 v14, v56;
	_ =	sdelay $0x1  }
0xe1: {  	v14 =	vmul.f32 v14, v24;
	_ =	sdelay $0x1  }
0xe2: {  	v14 =	vadd.f32 v14, v25;
	_ =	sdelay $0x1  }
0xe3: {  	v14 =	vsub.f32 $0.0e+00, v14;
	_ =	sdelay $0x1  }
0xe4: {  	v14 =	vmul.f32 $1.442695020e+00, v14;
	_ =	sdelay $0x1  }
0xe5: {  	(erf) = vpow2.f32 v14;
	_ =	sdelay $0x8  }
0xe6: {  	v14 =	vpop (erf)  }
0xe7: {  	v14 =	vadd.f32 $1.000000000e+00, v14;
	_ =	sdelay $0x1  }
0xe8: {  	(erf) = vrcp.f32 v14;
	_ =	sdelay $0x5  }
0xe9: {  	v57 =	vor.u32 $0x701, v0  }
0xea: {  	v58 =	vor.u32 $0x702, v0;
	_ =	sdelay $0x1  }
0xeb: {  	v59 =	vpop (erf)  }
0xec: {  	[tilespmem:$0x154E0] =	vst v59  }
0xed: {  	v14 =	vld.idx.msk [tilespmem:v57+s21+$0x0], $0xffff  }
0xee: {  	v15 =	vld.idx.msk [tilespmem:v58+s21+$0x0], $0xffff;
	_ =	sdelay $0x4  }
0xef: {  	v14 =	vmul.f32 v15, v14;
	_ =	sdelay $0x1  }
0xf0: {  	v14 =	vmax.f32 v14, $1.000000000e-30  }
0xf1: {  	v60 =	vshra.s32 v14, $0x1;
	v14 =	vmul.f32 $5.000000000e-01, v14  }
0xf2: {  	v15 =	vsub.s32 $0x5F3759DF, v60  }
0xf3: {  	v61 =	vmul.f32 v15, v14;
	_ =	sdelay $0x1  }
0xf4: {  	v16 =	vmul.f32 v15, v61;
	_ =	sdelay $0x1  }
0xf5: {  	v16 =	vsub.f32 $1.500000000e+00, v16;
	_ =	sdelay $0x1  }
0xf6: {  	v15 =	vmul.f32 v15, v16;
	_ =	sdelay $0x1  }
0xf7: {  	v16 =	vmul.f32 v15, v14;
	_ =	sdelay $0x1  }
0xf8: {  	v16 =	vmul.f32 v16, v15;
	_ =	sdelay $0x1  }
0xf9: {  	v16 =	vsub.f32 $1.500000000e+00, v16;
	_ =	sdelay $0x1  }
0xfa: {  	v62 =	vor.u32 $0x700, v0;
	v15 =	vmul.f32 v16, v15;
	_ =	sdelay $0x1  }
0xfb: {  	v14 =	vmul.f32 v15, v14;
	_ =	sdelay $0x1  }
0xfc: {  	v14 =	vmul.f32 v14, v15  }
0xfd: {  	v63 =	vld.idx.msk [tilespmem:v62+s21+$0x0], $0xffff  }
0xfe: {  	v14 =	vsub.f32 $1.500000000e+00, v14;
	_ =	sdelay $0x1  }
0xff: {  	v14 =	vmul.f32 v14, v15;
	_ =	sdelay $0x1  }
0x100: {  	v14 =	vmul.f32 v14, v63;
	_ =	sdelay $0x1  }
0x101: {  	v12 =	vmul.f32 v14, v24;
	_ =	sdelay $0x1  }
0x102: {  	v12 =	vadd.f32 v12, v25;
	_ =	sdelay $0x1  }
0x103: {  	v12 =	vsub.f32 $0.0e+00, v12;
	_ =	sdelay $0x1  }
0x104: {  	v12 =	vmul.f32 $1.442695020e+00, v12;
	_ =	sdelay $0x1  }
0x105: {  	(erf) = vpow2.f32 v12;
	_ =	sdelay $0x8  }
0x106: {  	v12 =	vpop (erf)  }
0x107: {  	v12 =	vadd.f32 $1.000000000e+00, v12;
	_ =	sdelay $0x1  }
0x108: {  	(erf) = vrcp.f32 v12;
	_ =	sdelay $0x7  }
0x109: {  	s23 =	sadd.s32 $0x1, s23  }
0x10a: {  	p0 =	sne.s32 s23, s10;
	v12 =	vpop (erf)  }
.Ltmp1:
0x10b: {  	[tilespmem:$0x154F0] =	vst v12;
	(pc) =	sbr.rel @!p0 .LBB2_13-.Ltmp1, $4  }
0x10c: {  	[hbm4b:s9+s2] =	stream.linear.scatter [tilespmem:s22], [sflag:$0x6], $0x80, $0x38;
	[tilespmem:$0x15520] =	vst v63  }
0x10d: {  	_ =	swait.ge [sflag:s11], $0x80  }
0x10e: {  	[sflag:s11] =	ssyncset.done $0x0  }
0x10f: {  	[sflag:s11] =	ssyncadd.s32 $0xFFFFFF80  }
.LBB2_1:
0x110: {  	[tilespmem:s2], [sflag:$0x6] =	stream.linear.gather [hbm4b:s7+s2], $0x6400, $0x38;
	[tilespmem:$0x15520] =	vst v63  }
0x111: {  	_ =	swait.ge [sflag:s11], $0x6400  }
0x112: {  	[sflag:s11] =	ssyncset.done $0x0  }
0x113: {  	[sflag:s11] =	ssyncadd.s32 $0xFFFF9C00  }
0x114: {  	[tilespmem:s12], [sflag:$0x6] =	stream.linear.gather [hbm4b:s8+s2], $0x80, $0x38;
	[tilespmem:$0x15520] =	vst v63  }
0x115: {  	_ =	swait.ge [sflag:s11], $0x80  }
0x116: {  	[sflag:s11] =	ssyncset.done $0x0  }
0x117: {  	s24 =	simm.s32 $0x15500;
	[sflag:s11] =	ssyncadd.s32 $0xFFFFFF80  }
0x118: {  	[tilespmem:s24], [sflag:$0x6] =	stream.linear.gather [hbm4b:s5+s2], $0x10, $0x38;
	[tilespmem:$0x15520] =	vst v63  }
0x119: {  	_ =	swait.ge [sflag:s11], $0x10  }
0x11a: {  	[sflag:s11] =	ssyncset.done $0x0  }
0x11b: {  	s28 =	simm.s32 $0x15510;
	[sflag:s11] =	ssyncadd.s32 $0xFFFFFFF0  }
0x11c: {  	[tilespmem:s28], [sflag:$0x6] =	stream.linear.gather [hbm4b:s6+s2], $0x10, $0x38;
	[tilespmem:$0x15520] =	vst v63  }
0x11d: {  	_ =	swait.ge [sflag:s11], $0x10  }
0x11e: {  	[sflag:s11] =	ssyncset.done $0x0  }
0x11f: {  	s29 =	simm.s32 $0x80;
	s25 =	simm.s32 $0x6480;
	[sflag:s11] =	ssyncadd.s32 $0xFFFFFFF0  }
0x120: {  	[tilespmem:s25], [sflag:$0x1] =	stream.indirect.gather [hbm4b:s4+s29], $0x40, s12, s29, $0xb8;
	[tilespmem:$0x15520] =	vst v63  }
0x121: {  	_ =	swait.ge [sflag:s17], $0x2000  }
0x122: {  	[sflag:s17] =	ssyncset.done $0x0  }
0x123: {  	s30 =	simm.s32 $0x8480;
	[sflag:s17] =	ssyncadd.s32 $0xFFFFE000  }
0x124: {  	[tilespmem:s30], [sflag:$0x2] =	stream.indirect.gather [hbm4b:s3+s18], $0x40, s2, s18, $0xb8;
	[tilespmem:$0x15520] =	vst v63  }
0x125: {  	s25 =	simm.s32 $0x9E80  }
0x126: {  	[tilespmem:s25], [sflag:$0x2] =	stream.indirect.gather [hbm4b:s3+s20], $0x40, s18, s20, $0xb8;
	[tilespmem:$0x15520] =	vst v63  }
0x127: {  	s26 =	simm.s32 $0xC8;
	s28 =	simm.s32 $0xB680  }
0x128: {  	[tilespmem:s28], [sflag:$0x3] =	stream.indirect.gather [hbm4b:s3+s18], $0x40, s26, s18, $0xb8;
	[tilespmem:$0x15520] =	vst v63  }
0x129: {  	s29 =	simm.s32 $0x130;
	s30 =	simm.s32 $0xD080  }
0x12a: {  	[tilespmem:s30], [sflag:$0x3] =	stream.indirect.gather [hbm4b:s3+s20], $0x40, s29, s20, $0xb8;
	[tilespmem:$0x15520] =	vst v63  }
0x12b: {  	s26 =	simm.s32 $0x190;
	s28 =	simm.s32 $0xE880  }
0x12c: {  	[tilespmem:s28], [sflag:$0x4] =	stream.indirect.gather [hbm4b:s3+s18], $0x40, s26, s18, $0xb8;
	[tilespmem:$0x15520] =	vst v63  }
0x12d: {  	s29 =	simm.s32 $0x1F8;
	s30 =	simm.s32 $0x10280  }
0x12e: {  	[tilespmem:s30], [sflag:$0x4] =	stream.indirect.gather [hbm4b:s3+s20], $0x40, s29, s20, $0xb8;
	[tilespmem:$0x15520] =	vst v63  }
0x12f: {  	_ = 	snop  }
0x130: {  	[tilespmem:s1], [sflag:$0x5] =	stream.indirect.gather [hbm4b:s3+s18], $0x40, s31, s18, $0xb8;
	[tilespmem:$0x15520] =	vst v63  }
0x131: {  	s24 =	simm.s32 $0x0  }
0x132: {  	[tilespmem:s13], [sflag:$0x5] =	stream.indirect.gather [hbm4b:s3+s20], $0x40, s0, s20, $0xb8;
	[tilespmem:$0x15520] =	vst v63  }
.LBB2_2:
0x133: {  	_ =	swait.ge [sflag:s14], $0x1A00  }
0x134: {  	[sflag:s14] =	ssyncset.done $0x0  }
0x135: {  	[sflag:s14] =	ssyncadd.s32 $0xFFFFE600  }
0x136: {  	_ =	swait.ge [sflag:s14], $0x1800  }
0x137: {  	[sflag:s14] =	ssyncset.done $0x0  }
0x138: {  	s26 =	simm.s32 $0x8580;
	[sflag:s14] =	ssyncadd.s32 $0xFFFFE800  }
0x139: {  	v12 =	vld [tilespmem:s26+$0xC0]  }
0x13a: {  	v13 =	vld [tilespmem:s26+$0xD0]  }
0x13b: {  	v14 =	vld [tilespmem:s26+$0x80]  }
0x13c: {  	v15 =	vld [tilespmem:s26+$0x90]  }
0x13d: {  	v21 =	vld [tilespmem:s26+$0x40]  }
0x13e: {  	v25 =	vld [tilespmem:s26+$0x50]  }
0x13f: {  	v18 =	vld [tilespmem:s26+$0x0]  }
0x140: {  	v20 =	vld [tilespmem:s26+$0x10]  }
0x141: {  	v17 =	vld [tilespmem:s26+$0xFFFFFFC0]  }
0x142: {  	v19 =	vld [tilespmem:s26+$0xFFFFFFD0]  }
0x143: {  	v16 =	vld [tilespmem:s26+$0xFFFFFF80]  }
0x144: {  	v22 =	vld [tilespmem:s26+$0xFFFFFF90]  }
0x145: {  	v23 =	vld [tilespmem:s26+$0xFFFFFF40]  }
0x146: {  	v24 =	vld [tilespmem:s26+$0xFFFFFF50]  }
0x147: {  	v26 =	vld [tilespmem:s26+$0xFFFFFF00]  }
0x148: {  	v27 =	vld [tilespmem:s26+$0xFFFFFF10]  }
0x149: {  	v28 =	vld [tilespmem:s26+$0xFFFFFF20]  }
0x14a: {  	v29 =	vld [tilespmem:s26+$0xFFFFFF30]  }
0x14b: {  	v30 =	vld [tilespmem:s26+$0xFFFFFF60]  }
0x14c: {  	v31 =	vld [tilespmem:s26+$0xFFFFFF70]  }
0x14d: {  	v32 =	vimm.f32 $0.0e+00;
	v33 =	vld [tilespmem:s26+$0xFFFFFFA0]  }
0x14e: {  	v34 =	vld [tilespmem:s26+$0xFFFFFFB0];
	v26 =	vadd.f32 v26, v32;
	v27 =	vadd.f32 v27, v32  }
0x14f: {  	v59 =	vld [tilespmem:s26+$0xFFFFFFE0];
	v28 =	vadd.f32 v28, v32;
	v29 =	vadd.f32 v29, v32  }
0x150: {  	v23 =	vadd.f32 v23, v26;
	v24 =	vadd.f32 v24, v27;
	v26 =	vld [tilespmem:s26+$0xFFFFFFF0]  }
0x151: {  	v61 =	vld [tilespmem:s26+$0x20];
	v27 =	vadd.f32 v30, v28;
	v60 =	vadd.f32 v31, v29  }
0x152: {  	v23 =	vadd.f32 v16, v23;
	v22 =	vadd.f32 v22, v24;
	v24 =	vld [tilespmem:s26+$0x30]  }
0x153: {  	v27 =	vadd.f32 v33, v27;
	v28 =	vadd.f32 v34, v60;
	v16 =	vld [tilespmem:s26+$0x60]  }
0x154: {  	v23 =	vadd.f32 v17, v23;
	v22 =	vadd.f32 v19, v22;
	v19 =	vld [tilespmem:s26+$0x70]  }
0x155: {  	v27 =	vadd.f32 v59, v27;
	v17 =	vld [tilespmem:s26+$0xA0];
	v26 =	vadd.f32 v26, v28  }
0x156: {  	v62 =	vadd.f32 v18, v23;
	v63 =	vadd.f32 v20, v22;
	v20 =	vld [tilespmem:s26+$0xB0]  }
0x157: {  	v22 =	vadd.f32 v61, v27;
	v18 =	vld [tilespmem:s26+$0xE0];
	v23 =	vadd.f32 v24, v26  }
0x158: {  	s25 =	simm.s32 $0x0;
	v24 =	vadd.f32 v21, v62;
	v25 =	vadd.f32 v25, v63;
	v21 =	vld [tilespmem:s26+$0xF0];
	s26 =	simm.s32 $0x8780  }
.LBB2_3:
0x159: {  	v26 =	vld [tilespmem:s26+$0xC0];
	v16 =	vadd.f32 v16, v22;
	v19 =	vadd.f32 v19, v23  }
0x15a: {  	v22 =	vld [tilespmem:s26+$0xD0];
	v23 =	vadd.f32 v14, v24;
	v24 =	vadd.f32 v15, v25  }
0x15b: {  	v14 =	vld [tilespmem:s26+$0x80];
	v16 =	vadd.f32 v17, v16;
	v17 =	vadd.f32 v20, v19  }
0x15c: {  	v15 =	vld [tilespmem:s26+$0x90];
	v19 =	vadd.f32 v12, v23;
	v20 =	vadd.f32 v13, v24  }
0x15d: {  	v24 =	vld [tilespmem:s26+$0x40];
	v16 =	vadd.f32 v18, v16;
	v17 =	vadd.f32 v21, v17  }
0x15e: {  	v21 =	vld [tilespmem:s26+$0x50];
	v12 =	vmov v26  }
0x15f: {  	v18 =	vld [tilespmem:s26+$0x0];
	v13 =	vmov v22  }
0x160: {  	v22 =	vld [tilespmem:s26+$0x10]  }
0x161: {  	v23 =	vld [tilespmem:s26+$0xFFFFFFC0]  }
0x162: {  	v25 =	vld [tilespmem:s26+$0xFFFFFFD0]  }
0x163: {  	v26 =	vld [tilespmem:s26+$0xFFFFFF80]  }
0x164: {  	v27 =	vld [tilespmem:s26+$0xFFFFFF90]  }
0x165: {  	v28 =	vld [tilespmem:s26+$0xFFFFFF40]  }
0x166: {  	v29 =	vld [tilespmem:s26+$0xFFFFFF50]  }
0x167: {  	v30 =	vld [tilespmem:s26+$0xFFFFFF00]  }
0x168: {  	v31 =	vld [tilespmem:s26+$0xFFFFFF10]  }
0x169: {  	v32 =	vld [tilespmem:s26+$0xFFFFFF20]  }
0x16a: {  	s25 =	sadd.s32 $0x8, s25;
	v33 =	vld [tilespmem:s26+$0xFFFFFF30]  }
0x16b: {  	p0 =	slt.u32 s25, $0xC0;
	v34 =	vld [tilespmem:s26+$0xFFFFFF60]  }
0x16c: {  	v35 =	vld [tilespmem:s26+$0xFFFFFF70]  }
0x16d: {  	v36 =	vld [tilespmem:s26+$0xFFFFFFA0]  }
0x16e: {  	v19 =	vadd.f32 v30, v19;
	v20 =	vadd.f32 v31, v20;
	v30 =	vld [tilespmem:s26+$0xFFFFFFB0]  }
0x16f: {  	v16 =	vadd.f32 v32, v16;
	v17 =	vadd.f32 v33, v17;
	v31 =	vld [tilespmem:s26+$0xFFFFFFE0]  }
0x170: {  	v19 =	vadd.f32 v28, v19;
	v20 =	vadd.f32 v29, v20;
	v28 =	vld [tilespmem:s26+$0xFFFFFFF0]  }
0x171: {  	v16 =	vadd.f32 v34, v16;
	v17 =	vadd.f32 v35, v17;
	v29 =	vld [tilespmem:s26+$0x20]  }
0x172: {  	v19 =	vadd.f32 v26, v19;
	v20 =	vadd.f32 v27, v20;
	v26 =	vld [tilespmem:s26+$0x30]  }
0x173: {  	v27 =	vadd.f32 v36, v16;
	v17 =	vadd.f32 v30, v17;
	v16 =	vld [tilespmem:s26+$0x60]  }
.Ltmp2:
0x174: {  	v23 =	vadd.f32 v23, v19;
	v20 =	vadd.f32 v25, v20;
	v19 =	vld [tilespmem:s26+$0x70];
	(pc) =	sbr.rel @p0 .LBB2_3-.Ltmp2, $4  }
0x175: {  	v25 =	vadd.f32 v31, v27;
	v27 =	vadd.f32 v28, v17;
	v17 =	vld [tilespmem:s26+$0xA0]  }
0x176: {  	v28 =	vadd.f32 v18, v23;
	v30 =	vadd.f32 v22, v20;
	v20 =	vld [tilespmem:s26+$0xB0]  }
0x177: {  	v22 =	vadd.f32 v29, v25;
	v23 =	vadd.f32 v26, v27;
	v18 =	vld [tilespmem:s26+$0xE0]  }
0x178: {  	v24 =	vadd.f32 v24, v28;
	v25 =	vadd.f32 v21, v30;
	v21 =	vld [tilespmem:s26+$0xF0];
	s26 =	sadd.s32 $0x200, s26  }
0x179: {  	s25 =	sshll.u32 s24, $0x8  }
0x17a: {  	v26 =	vld [tilespmem:s25+$0x6480]  }
0x17b: {  	v16 =	vadd.f32 v16, v22;
	v19 =	vadd.f32 v19, v23;
	v22 =	vld [tilespmem:s25+$0x6490]  }
0x17c: {  	v14 =	vadd.f32 v14, v24;
	v15 =	vadd.f32 v15, v25;
	v23 =	vld [tilespmem:s25+$0x64A0]  }
0x17d: {  	v16 =	vadd.f32 v17, v16;
	v17 =	vadd.f32 v20, v19  }
0x17e: {  	v12 =	vadd.f32 v12, v14;
	v13 =	vadd.f32 v13, v15;
	v14 =	vld [tilespmem:s25+$0x64B0]  }
0x17f: {  	v15 =	vadd.f32 v18, v16  }
0x180: {  	v16 =	vadd.f32 v21, v17;
	v17 =	vmul.f32 v26, v12;
	v18 =	vmul.f32 v22, v13  }
0x181: {  	v19 =	vmul.f32 v23, v15;
	v12 =	vmul.f32 v12, v12  }
0x182: {  	v16 =	vnsel vm0, $0x0, v16;
	v13 =	vmul.f32 v13, v13;
	v20 =	vmul.f32 v22, v22  }
0x183: {  	v17 =	vadd.f32 v18, v17;
	v14 =	vnsel vm0, $0x0, v14;
	v18 =	vmul.f32 v26, v26  }
0x184: {  	v12 =	vadd.f32 v13, v12;
	v13 =	vmul.f32 v15, v15;
	v15 =	vmul.f32 v14, v16  }
0x185: {  	v17 =	vadd.f32 v19, v17;
	v18 =	vadd.f32 v20, v18;
	v19 =	vmul.f32 v23, v23  }
0x186: {  	v12 =	vadd.f32 v13, v12;
	v13 =	vmul.f32 v16, v16  }
0x187: {  	v14 =	vmul.f32 v14, v14;
	v15 =	vadd.f32 v15, v17;
	v16 =	vadd.f32 v19, v18  }
0x188: {  	v12 =	vadd.f32 v13, v12  }
0x189: {  	(xrf2) =	vadd.scan.msk.f32 $0xffff, v15;
	v13 =	vadd.f32 v14, v16  }
0x18a: {  	(xrf2) =	vadd.scan.msk.f32 $0xffff, v12  }
0x18b: {  	(xrf2) =	vadd.scan.msk.f32 $0xffff, v13;
	_ =	sdelay $0x7  }
0x18c: {  	v12, _, _ =	vpop (xrf2)  }
0x18d: {  	v13, _, _ =	vpop (xrf2)  }
0x18e: {  	v14, _, _ =	vpop (xrf2)  }
0x18f: {  	v14 =	vbroadcast v14, $0xF  }
0x190: {  	p0 =	seq.s32 s24, $0x1F;
	v13 =	vbroadcast v13, $0xF  }
0x191: {  	s26 =	smul.u32 @!p0 $0xC80, s24;
	v12 =	vbroadcast v12, $0xF;
	v14 =	vnsel vm1, $0x0, v14  }
0x192: {  	v13 =	vsel vm2, v14, v13  }
0x193: {  	s28 =	sshrl.u32 s25, $0x2;
	s26 =	sshra.s32 @!p0 s26, $0x2;
	v12 =	vsel vm3, v13, v12  }
0x194: {  	s29 =	simm.s32 @!p0 $0x68;
	s30 =	simm.s32 @!p0 $0x8480;
	[tilespmem:s28+$0x14C80] =	vst v12;
	s28 =	sadd.s32 @!p0 $0x320, s26  }
0x195: {  	[tilespmem:s30], [sflag:$0x2] =	stream.indirect.gather @!p0 [hbm4b:s3+s29], $0x40, s28, s29, $0xb8;
	[tilespmem:$0x15520] =	vst v63  }
0x196: {  	s28 =	sadd.s32 @!p0 $0x388, s26;
	s29 =	simm.s32 @!p0 $0x60;
	s30 =	simm.s32 @!p0 $0x9E80  }
0x197: {  	[tilespmem:s30], [sflag:$0x2] =	stream.indirect.gather @!p0 [hbm4b:s3+s29], $0x40, s28, s29, $0xb8;
	[tilespmem:$0x15520] =	vst v63  }
0x198: {  	_ =	swait.ge [sflag:s15], $0x1A00  }
0x199: {  	[sflag:s15] =	ssyncset.done $0x0  }
0x19a: {  	[sflag:s15] =	ssyncadd.s32 $0xFFFFE600  }
0x19b: {  	_ =	swait.ge [sflag:s15], $0x1800  }
0x19c: {  	[sflag:s15] =	ssyncset.done $0x0  }
0x19d: {  	s29 =	simm.s32 $0xB870;
	[sflag:s15] =	ssyncadd.s32 $0xFFFFE800  }
0x19e: {  	v12 =	vld [tilespmem:s29+$0xFFFFFFD0]  }
0x19f: {  	v13 =	vld [tilespmem:s29+$0xFFFFFFE0]  }
0x1a0: {  	v14 =	vld [tilespmem:s29+$0xFFFFFF90]  }
0x1a1: {  	v15 =	vld [tilespmem:s29+$0xFFFFFFA0]  }
0x1a2: {  	v21 =	vld [tilespmem:s29+$0xFFFFFF50]  }
0x1a3: {  	v25 =	vld [tilespmem:s29+$0xFFFFFF60]  }
0x1a4: {  	v18 =	vld [tilespmem:s29+$0xFFFFFF10]  }
0x1a5: {  	v20 =	vld [tilespmem:s29+$0xFFFFFF20]  }
0x1a6: {  	v17 =	vld [tilespmem:s29+$0xFFFFFED0]  }
0x1a7: {  	v19 =	vld [tilespmem:s29+$0xFFFFFEE0]  }
0x1a8: {  	v16 =	vld [tilespmem:s29+$0xFFFFFE90]  }
0x1a9: {  	v22 =	vld [tilespmem:s29+$0xFFFFFEA0]  }
0x1aa: {  	v23 =	vld [tilespmem:s29+$0xFFFFFE50]  }
0x1ab: {  	v24 =	vld [tilespmem:s29+$0xFFFFFE60]  }
0x1ac: {  	v26 =	vld [tilespmem:s29+$0xFFFFFE10]  }
0x1ad: {  	v27 =	vld [tilespmem:s29+$0xFFFFFE20]  }
0x1ae: {  	v28 =	vld [tilespmem:s29+$0xFFFFFE30]  }
0x1af: {  	v29 =	vld [tilespmem:s29+$0xFFFFFE40]  }
0x1b0: {  	v30 =	vld [tilespmem:s29+$0xFFFFFE70]  }
0x1b1: {  	v31 =	vld [tilespmem:s29+$0xFFFFFE80]  }
0x1b2: {  	v32 =	vimm.f32 $0.0e+00;
	v33 =	vld [tilespmem:s29+$0xFFFFFEB0]  }
0x1b3: {  	v34 =	vld [tilespmem:s29+$0xFFFFFEC0];
	v26 =	vadd.f32 v26, v32;
	v27 =	vadd.f32 v27, v32  }
0x1b4: {  	v59 =	vld [tilespmem:s29+$0xFFFFFEF0];
	v28 =	vadd.f32 v28, v32;
	v29 =	vadd.f32 v29, v32  }
0x1b5: {  	v23 =	vadd.f32 v23, v26;
	v24 =	vadd.f32 v24, v27;
	v26 =	vld [tilespmem:s29+$0xFFFFFF00]  }
0x1b6: {  	v61 =	vld [tilespmem:s29+$0xFFFFFF30];
	v27 =	vadd.f32 v30, v28;
	v60 =	vadd.f32 v31, v29  }
0x1b7: {  	v23 =	vadd.f32 v16, v23;
	v22 =	vadd.f32 v22, v24;
	v24 =	vld [tilespmem:s29+$0xFFFFFF40]  }
0x1b8: {  	v27 =	vadd.f32 v33, v27;
	v28 =	vadd.f32 v34, v60;
	v16 =	vld [tilespmem:s29+$0xFFFFFF70]  }
0x1b9: {  	v23 =	vadd.f32 v17, v23;
	v22 =	vadd.f32 v19, v22;
	v19 =	vld [tilespmem:s29+$0xFFFFFF80]  }
0x1ba: {  	v27 =	vadd.f32 v59, v27;
	v17 =	vld [tilespmem:s29+$0xFFFFFFB0];
	v26 =	vadd.f32 v26, v28  }
0x1bb: {  	v62 =	vadd.f32 v18, v23;
	v63 =	vadd.f32 v20, v22;
	v20 =	vld [tilespmem:s29+$0xFFFFFFC0]  }
0x1bc: {  	v22 =	vadd.f32 v61, v27;
	v18 =	vld [tilespmem:s29+$0xFFFFFFF0];
	v23 =	vadd.f32 v24, v26  }
0x1bd: {  	s28 =	simm.s32 $0x0;
	v24 =	vadd.f32 v21, v62;
	v25 =	vadd.f32 v25, v63;
	v21 =	vld [tilespmem:s29+$0x0];
	s29 =	simm.s32 $0xBA70  }
.LBB2_5:
0x1be: {  	v26 =	vld [tilespmem:s29+$0xFFFFFFD0];
	v16 =	vadd.f32 v16, v22;
	v19 =	vadd.f32 v19, v23  }
0x1bf: {  	v22 =	vld [tilespmem:s29+$0xFFFFFFE0];
	v23 =	vadd.f32 v14, v24;
	v24 =	vadd.f32 v15, v25  }
0x1c0: {  	v14 =	vld [tilespmem:s29+$0xFFFFFF90];
	v16 =	vadd.f32 v17, v16;
	v17 =	vadd.f32 v20, v19  }
0x1c1: {  	v15 =	vld [tilespmem:s29+$0xFFFFFFA0];
	v19 =	vadd.f32 v12, v23;
	v20 =	vadd.f32 v13, v24  }
0x1c2: {  	v24 =	vld [tilespmem:s29+$0xFFFFFF50];
	v16 =	vadd.f32 v18, v16;
	v17 =	vadd.f32 v21, v17  }
0x1c3: {  	v21 =	vld [tilespmem:s29+$0xFFFFFF60];
	v12 =	vmov v26  }
0x1c4: {  	v18 =	vld [tilespmem:s29+$0xFFFFFF10];
	v13 =	vmov v22  }
0x1c5: {  	v22 =	vld [tilespmem:s29+$0xFFFFFF20]  }
0x1c6: {  	v23 =	vld [tilespmem:s29+$0xFFFFFED0]  }
0x1c7: {  	v25 =	vld [tilespmem:s29+$0xFFFFFEE0]  }
0x1c8: {  	v26 =	vld [tilespmem:s29+$0xFFFFFE90]  }
0x1c9: {  	v27 =	vld [tilespmem:s29+$0xFFFFFEA0]  }
0x1ca: {  	v28 =	vld [tilespmem:s29+$0xFFFFFE50]  }
0x1cb: {  	v29 =	vld [tilespmem:s29+$0xFFFFFE60]  }
0x1cc: {  	v30 =	vld [tilespmem:s29+$0xFFFFFE10]  }
0x1cd: {  	v31 =	vld [tilespmem:s29+$0xFFFFFE20]  }
0x1ce: {  	v32 =	vld [tilespmem:s29+$0xFFFFFE30]  }
0x1cf: {  	s28 =	sadd.s32 $0x8, s28;
	v33 =	vld [tilespmem:s29+$0xFFFFFE40]  }
0x1d0: {  	p1 =	slt.u32 s28, $0xC0;
	v34 =	vld [tilespmem:s29+$0xFFFFFE70]  }
0x1d1: {  	v35 =	vld [tilespmem:s29+$0xFFFFFE80]  }
0x1d2: {  	v36 =	vld [tilespmem:s29+$0xFFFFFEB0]  }
0x1d3: {  	v19 =	vadd.f32 v30, v19;
	v20 =	vadd.f32 v31, v20;
	v30 =	vld [tilespmem:s29+$0xFFFFFEC0]  }
0x1d4: {  	v16 =	vadd.f32 v32, v16;
	v17 =	vadd.f32 v33, v17;
	v31 =	vld [tilespmem:s29+$0xFFFFFEF0]  }
0x1d5: {  	v19 =	vadd.f32 v28, v19;
	v20 =	vadd.f32 v29, v20;
	v28 =	vld [tilespmem:s29+$0xFFFFFF00]  }
0x1d6: {  	v16 =	vadd.f32 v34, v16;
	v17 =	vadd.f32 v35, v17;
	v29 =	vld [tilespmem:s29+$0xFFFFFF30]  }
0x1d7: {  	v19 =	vadd.f32 v26, v19;
	v20 =	vadd.f32 v27, v20;
	v26 =	vld [tilespmem:s29+$0xFFFFFF40]  }
0x1d8: {  	v27 =	vadd.f32 v36, v16;
	v17 =	vadd.f32 v30, v17;
	v16 =	vld [tilespmem:s29+$0xFFFFFF70]  }
.Ltmp3:
0x1d9: {  	v23 =	vadd.f32 v23, v19;
	v20 =	vadd.f32 v25, v20;
	v19 =	vld [tilespmem:s29+$0xFFFFFF80];
	(pc) =	sbr.rel @p1 .LBB2_5-.Ltmp3, $4  }
0x1da: {  	v25 =	vadd.f32 v31, v27;
	v27 =	vadd.f32 v28, v17;
	v17 =	vld [tilespmem:s29+$0xFFFFFFB0]  }
0x1db: {  	v28 =	vadd.f32 v18, v23;
	v30 =	vadd.f32 v22, v20;
	v20 =	vld [tilespmem:s29+$0xFFFFFFC0]  }
0x1dc: {  	v22 =	vadd.f32 v29, v25;
	v23 =	vadd.f32 v26, v27;
	v18 =	vld [tilespmem:s29+$0xFFFFFFF0]  }
0x1dd: {  	v24 =	vadd.f32 v24, v28;
	v25 =	vadd.f32 v21, v30;
	v21 =	vld [tilespmem:s29+$0x0];
	s29 =	sadd.s32 $0x200, s29  }
0x1de: {  	v26 =	vld [tilespmem:s25+$0x64C0]  }
0x1df: {  	v16 =	vadd.f32 v16, v22;
	v19 =	vadd.f32 v19, v23;
	v22 =	vld [tilespmem:s25+$0x64D0]  }
0x1e0: {  	v14 =	vadd.f32 v14, v24;
	v15 =	vadd.f32 v15, v25  }
0x1e1: {  	v23 =	vld [tilespmem:s25+$0x64E0];
	v16 =	vadd.f32 v17, v16;
	v17 =	vadd.f32 v20, v19  }
0x1e2: {  	v12 =	vadd.f32 v12, v14;
	v13 =	vadd.f32 v13, v15  }
0x1e3: {  	v14 =	vld [tilespmem:s25+$0x64F0];
	v15 =	vadd.f32 v18, v16  }
0x1e4: {  	v16 =	vadd.f32 v21, v17;
	v17 =	vmul.f32 v26, v12;
	v18 =	vmul.f32 v22, v13  }
0x1e5: {  	v12 =	vmul.f32 v12, v12;
	v13 =	vmul.f32 v13, v13  }
0x1e6: {  	v20 =	vmul.f32 v22, v22;
	v19 =	vmul.f32 v23, v15;
	v17 =	vadd.f32 v18, v17  }
0x1e7: {  	v16 =	vnsel vm0, $0x0, v16;
	v18 =	vmul.f32 v26, v26;
	v12 =	vadd.f32 v13, v12  }
0x1e8: {  	v13 =	vmul.f32 v15, v15;
	v14 =	vnsel vm0, $0x0, v14;
	v17 =	vadd.f32 v19, v17  }
0x1e9: {  	v15 =	vmul.f32 v14, v16;
	v18 =	vadd.f32 v20, v18;
	v19 =	vmul.f32 v23, v23  }
0x1ea: {  	v12 =	vadd.f32 v13, v12;
	v13 =	vmul.f32 v16, v16  }
0x1eb: {  	v14 =	vmul.f32 v14, v14;
	v15 =	vadd.f32 v15, v17;
	v16 =	vadd.f32 v19, v18  }
0x1ec: {  	v12 =	vadd.f32 v13, v12  }
0x1ed: {  	(xrf2) =	vadd.scan.msk.f32 $0xffff, v15;
	v13 =	vadd.f32 v14, v16  }
0x1ee: {  	(xrf2) =	vadd.scan.msk.f32 $0xffff, v12  }
0x1ef: {  	(xrf2) =	vadd.scan.msk.f32 $0xffff, v13;
	_ =	sdelay $0x7  }
0x1f0: {  	v12, _, _ =	vpop (xrf2)  }
0x1f1: {  	v13, _, _ =	vpop (xrf2)  }
0x1f2: {  	v14, _, _ =	vpop (xrf2)  }
0x1f3: {  	v14 =	vbroadcast v14, $0xF  }
0x1f4: {  	v13 =	vbroadcast v13, $0xF  }
0x1f5: {  	v12 =	vbroadcast v12, $0xF;
	v14 =	vnsel vm1, $0x0, v14  }
0x1f6: {  	s28 =	sor.u32 $0x40, s25;
	v13 =	vsel vm2, v14, v13  }
0x1f7: {  	s28 =	sshrl.u32 s28, $0x2;
	v12 =	vsel vm3, v13, v12  }
0x1f8: {  	s29 =	simm.s32 @!p0 $0x68;
	s30 =	simm.s32 @!p0 $0xB680;
	[tilespmem:s28+$0x14C80] =	vst v12;
	s28 =	sadd.s32 @!p0 $0x3E8, s26  }
0x1f9: {  	[tilespmem:s30], [sflag:$0x3] =	stream.indirect.gather @!p0 [hbm4b:s3+s29], $0x40, s28, s29, $0xb8;
	[tilespmem:$0x15520] =	vst v63  }
0x1fa: {  	s28 =	sadd.s32 @!p0 $0x450, s26;
	s29 =	simm.s32 @!p0 $0x60;
	s30 =	simm.s32 @!p0 $0xD080  }
0x1fb: {  	[tilespmem:s30], [sflag:$0x3] =	stream.indirect.gather @!p0 [hbm4b:s3+s29], $0x40, s28, s29, $0xb8;
	[tilespmem:$0x15520] =	vst v63  }
0x1fc: {  	_ =	swait.ge [sflag:s16], $0x1A00  }
0x1fd: {  	[sflag:s16] =	ssyncset.done $0x0  }
0x1fe: {  	[sflag:s16] =	ssyncadd.s32 $0xFFFFE600  }
0x1ff: {  	_ =	swait.ge [sflag:s16], $0x1800  }
0x200: {  	[sflag:s16] =	ssyncset.done $0x0  }
0x201: {  	s29 =	simm.s32 $0xE880;
	[sflag:s16] =	ssyncadd.s32 $0xFFFFE800  }
0x202: {  	v12 =	vld [tilespmem:s29+$0x1C0]  }
0x203: {  	v13 =	vld [tilespmem:s29+$0x1D0]  }
0x204: {  	v14 =	vld [tilespmem:s29+$0x180]  }
0x205: {  	v15 =	vld [tilespmem:s29+$0x190]  }
0x206: {  	v21 =	vld [tilespmem:s29+$0x140]  }
0x207: {  	v25 =	vld [tilespmem:s29+$0x150]  }
0x208: {  	v18 =	vld [tilespmem:s29+$0x100]  }
0x209: {  	v20 =	vld [tilespmem:s29+$0x110]  }
0x20a: {  	v17 =	vld [tilespmem:s29+$0xC0]  }
0x20b: {  	v19 =	vld [tilespmem:s29+$0xD0]  }
0x20c: {  	v16 =	vld [tilespmem:s29+$0x80]  }
0x20d: {  	v22 =	vld [tilespmem:s29+$0x90]  }
0x20e: {  	v23 =	vld [tilespmem:s29+$0x40]  }
0x20f: {  	v24 =	vld [tilespmem:s29+$0x50]  }
0x210: {  	v26 =	vld [tilespmem:s29+$0x0]  }
0x211: {  	v27 =	vld [tilespmem:s29+$0x10]  }
0x212: {  	v28 =	vld [tilespmem:s29+$0x20]  }
0x213: {  	v29 =	vld [tilespmem:s29+$0x30]  }
0x214: {  	v30 =	vld [tilespmem:s29+$0x60]  }
0x215: {  	v31 =	vld [tilespmem:s29+$0x70]  }
0x216: {  	v32 =	vimm.f32 $0.0e+00;
	v33 =	vld [tilespmem:s29+$0xA0]  }
0x217: {  	v34 =	vld [tilespmem:s29+$0xB0];
	v26 =	vadd.f32 v26, v32;
	v27 =	vadd.f32 v27, v32  }
0x218: {  	v59 =	vld [tilespmem:s29+$0xE0];
	v28 =	vadd.f32 v28, v32;
	v29 =	vadd.f32 v29, v32  }
0x219: {  	v23 =	vadd.f32 v23, v26;
	v24 =	vadd.f32 v24, v27;
	v26 =	vld [tilespmem:s29+$0xF0]  }
0x21a: {  	v61 =	vld [tilespmem:s29+$0x120];
	v27 =	vadd.f32 v30, v28;
	v60 =	vadd.f32 v31, v29  }
0x21b: {  	v23 =	vadd.f32 v16, v23;
	v22 =	vadd.f32 v22, v24;
	v24 =	vld [tilespmem:s29+$0x130]  }
0x21c: {  	v27 =	vadd.f32 v33, v27;
	v28 =	vadd.f32 v34, v60;
	v16 =	vld [tilespmem:s29+$0x160]  }
0x21d: {  	v23 =	vadd.f32 v17, v23;
	v22 =	vadd.f32 v19, v22;
	v19 =	vld [tilespmem:s29+$0x170]  }
0x21e: {  	v27 =	vadd.f32 v59, v27;
	v17 =	vld [tilespmem:s29+$0x1A0];
	v26 =	vadd.f32 v26, v28  }
0x21f: {  	v62 =	vadd.f32 v18, v23;
	v63 =	vadd.f32 v20, v22;
	v20 =	vld [tilespmem:s29+$0x1B0]  }
0x220: {  	v22 =	vadd.f32 v61, v27;
	v18 =	vld [tilespmem:s29+$0x1E0];
	v23 =	vadd.f32 v24, v26  }
0x221: {  	s28 =	simm.s32 $0x0;
	v24 =	vadd.f32 v21, v62;
	v25 =	vadd.f32 v25, v63;
	v21 =	vld [tilespmem:s29+$0x1F0];
	s29 =	simm.s32 $0xEA80  }
.LBB2_7:
0x222: {  	v26 =	vld [tilespmem:s29+$0x1C0];
	v16 =	vadd.f32 v16, v22;
	v19 =	vadd.f32 v19, v23  }
0x223: {  	v22 =	vld [tilespmem:s29+$0x1D0];
	v23 =	vadd.f32 v14, v24;
	v24 =	vadd.f32 v15, v25  }
0x224: {  	v14 =	vld [tilespmem:s29+$0x180];
	v16 =	vadd.f32 v17, v16;
	v17 =	vadd.f32 v20, v19  }
0x225: {  	v15 =	vld [tilespmem:s29+$0x190];
	v19 =	vadd.f32 v12, v23;
	v20 =	vadd.f32 v13, v24  }
0x226: {  	v24 =	vld [tilespmem:s29+$0x140];
	v16 =	vadd.f32 v18, v16;
	v17 =	vadd.f32 v21, v17  }
0x227: {  	v21 =	vld [tilespmem:s29+$0x150];
	v12 =	vmov v26  }
0x228: {  	v18 =	vld [tilespmem:s29+$0x100];
	v13 =	vmov v22  }
0x229: {  	v22 =	vld [tilespmem:s29+$0x110]  }
0x22a: {  	v23 =	vld [tilespmem:s29+$0xC0]  }
0x22b: {  	v25 =	vld [tilespmem:s29+$0xD0]  }
0x22c: {  	v26 =	vld [tilespmem:s29+$0x80]  }
0x22d: {  	v27 =	vld [tilespmem:s29+$0x90]  }
0x22e: {  	v28 =	vld [tilespmem:s29+$0x40]  }
0x22f: {  	v29 =	vld [tilespmem:s29+$0x50]  }
0x230: {  	v30 =	vld [tilespmem:s29+$0x0]  }
0x231: {  	v31 =	vld [tilespmem:s29+$0x10]  }
0x232: {  	v32 =	vld [tilespmem:s29+$0x20]  }
0x233: {  	s28 =	sadd.s32 $0x8, s28;
	v33 =	vld [tilespmem:s29+$0x30]  }
0x234: {  	p1 =	slt.u32 s28, $0xC0;
	v34 =	vld [tilespmem:s29+$0x60]  }
0x235: {  	v35 =	vld [tilespmem:s29+$0x70]  }
0x236: {  	v36 =	vld [tilespmem:s29+$0xA0]  }
0x237: {  	v19 =	vadd.f32 v30, v19;
	v20 =	vadd.f32 v31, v20;
	v30 =	vld [tilespmem:s29+$0xB0]  }
0x238: {  	v16 =	vadd.f32 v32, v16;
	v17 =	vadd.f32 v33, v17;
	v31 =	vld [tilespmem:s29+$0xE0]  }
0x239: {  	v19 =	vadd.f32 v28, v19;
	v20 =	vadd.f32 v29, v20;
	v28 =	vld [tilespmem:s29+$0xF0]  }
0x23a: {  	v16 =	vadd.f32 v34, v16;
	v17 =	vadd.f32 v35, v17;
	v29 =	vld [tilespmem:s29+$0x120]  }
0x23b: {  	v19 =	vadd.f32 v26, v19;
	v20 =	vadd.f32 v27, v20;
	v26 =	vld [tilespmem:s29+$0x130]  }
0x23c: {  	v27 =	vadd.f32 v36, v16;
	v17 =	vadd.f32 v30, v17;
	v16 =	vld [tilespmem:s29+$0x160]  }
.Ltmp4:
0x23d: {  	v23 =	vadd.f32 v23, v19;
	v20 =	vadd.f32 v25, v20;
	v19 =	vld [tilespmem:s29+$0x170];
	(pc) =	sbr.rel @p1 .LBB2_7-.Ltmp4, $4  }
0x23e: {  	v25 =	vadd.f32 v31, v27;
	v27 =	vadd.f32 v28, v17;
	v17 =	vld [tilespmem:s29+$0x1A0]  }
0x23f: {  	v28 =	vadd.f32 v18, v23;
	v30 =	vadd.f32 v22, v20;
	v20 =	vld [tilespmem:s29+$0x1B0]  }
0x240: {  	v22 =	vadd.f32 v29, v25;
	v23 =	vadd.f32 v26, v27;
	v18 =	vld [tilespmem:s29+$0x1E0]  }
0x241: {  	v24 =	vadd.f32 v24, v28;
	v25 =	vadd.f32 v21, v30;
	v21 =	vld [tilespmem:s29+$0x1F0];
	s29 =	sadd.s32 $0x200, s29  }
0x242: {  	v26 =	vld [tilespmem:s25+$0x6500]  }
0x243: {  	v16 =	vadd.f32 v16, v22;
	v19 =	vadd.f32 v19, v23;
	v22 =	vld [tilespmem:s25+$0x6510]  }
0x244: {  	v14 =	vadd.f32 v14, v24;
	v15 =	vadd.f32 v15, v25  }
0x245: {  	v23 =	vld [tilespmem:s25+$0x6520];
	v16 =	vadd.f32 v17, v16;
	v17 =	vadd.f32 v20, v19  }
0x246: {  	v12 =	vadd.f32 v12, v14;
	v13 =	vadd.f32 v13, v15  }
0x247: {  	v14 =	vld [tilespmem:s25+$0x6530];
	v15 =	vadd.f32 v18, v16  }
0x248: {  	v16 =	vadd.f32 v21, v17;
	v17 =	vmul.f32 v26, v12;
	v18 =	vmul.f32 v22, v13  }
0x249: {  	v12 =	vmul.f32 v12, v12;
	v13 =	vmul.f32 v13, v13  }
0x24a: {  	v20 =	vmul.f32 v22, v22;
	v19 =	vmul.f32 v23, v15;
	v17 =	vadd.f32 v18, v17  }
0x24b: {  	v16 =	vnsel vm0, $0x0, v16;
	v18 =	vmul.f32 v26, v26;
	v12 =	vadd.f32 v13, v12  }
0x24c: {  	v13 =	vmul.f32 v15, v15;
	v14 =	vnsel vm0, $0x0, v14;
	v17 =	vadd.f32 v19, v17  }
0x24d: {  	v15 =	vmul.f32 v14, v16;
	v18 =	vadd.f32 v20, v18;
	v19 =	vmul.f32 v23, v23  }
0x24e: {  	v12 =	vadd.f32 v13, v12;
	v13 =	vmul.f32 v16, v16  }
0x24f: {  	v14 =	vmul.f32 v14, v14;
	v15 =	vadd.f32 v15, v17;
	v16 =	vadd.f32 v19, v18  }
0x250: {  	v12 =	vadd.f32 v13, v12  }
0x251: {  	(xrf2) =	vadd.scan.msk.f32 $0xffff, v15;
	v13 =	vadd.f32 v14, v16  }
0x252: {  	(xrf2) =	vadd.scan.msk.f32 $0xffff, v12  }
0x253: {  	(xrf2) =	vadd.scan.msk.f32 $0xffff, v13;
	_ =	sdelay $0x7  }
0x254: {  	v12, _, _ =	vpop (xrf2)  }
0x255: {  	v13, _, _ =	vpop (xrf2)  }
0x256: {  	v14, _, _ =	vpop (xrf2)  }
0x257: {  	v14 =	vbroadcast v14, $0xF  }
0x258: {  	v13 =	vbroadcast v13, $0xF  }
0x259: {  	v12 =	vbroadcast v12, $0xF;
	v14 =	vnsel vm1, $0x0, v14  }
0x25a: {  	s28 =	sor.u32 $0x80, s25;
	v13 =	vsel vm2, v14, v13  }
0x25b: {  	s28 =	sshrl.u32 s28, $0x2;
	v12 =	vsel vm3, v13, v12  }
0x25c: {  	s29 =	simm.s32 @!p0 $0x68;
	s30 =	simm.s32 @!p0 $0xE880;
	[tilespmem:s28+$0x14C80] =	vst v12;
	s28 =	sadd.s32 @!p0 $0x4B0, s26  }
0x25d: {  	[tilespmem:s30], [sflag:$0x4] =	stream.indirect.gather @!p0 [hbm4b:s3+s29], $0x40, s28, s29, $0xb8;
	[tilespmem:$0x15520] =	vst v63  }
0x25e: {  	s26 =	sadd.s32 @!p0 $0x518, s26;
	s28 =	simm.s32 @!p0 $0x60;
	s29 =	simm.s32 @!p0 $0x10280  }
0x25f: {  	[tilespmem:s29], [sflag:$0x4] =	stream.indirect.gather @!p0 [hbm4b:s3+s28], $0x40, s26, s28, $0xb8;
	[tilespmem:$0x15520] =	vst v63  }
0x260: {  	_ =	swait.ge [sflag:s19], $0x1A00  }
0x261: {  	[sflag:s19] =	ssyncset.done $0x0  }
0x262: {  	[sflag:s19] =	ssyncadd.s32 $0xFFFFE600  }
0x263: {  	_ =	swait.ge [sflag:s19], $0x1800  }
0x264: {  	[sflag:s19] =	ssyncset.done $0x0  }
0x265: {  	s28 =	simm.s32 $0x11A80;
	[sflag:s19] =	ssyncadd.s32 $0xFFFFE800  }
0x266: {  	v12 =	vld [tilespmem:s28+$0x1C0]  }
0x267: {  	v13 =	vld [tilespmem:s28+$0x1D0]  }
0x268: {  	v14 =	vld [tilespmem:s28+$0x180]  }
0x269: {  	v15 =	vld [tilespmem:s28+$0x190]  }
0x26a: {  	v21 =	vld [tilespmem:s28+$0x140]  }
0x26b: {  	v25 =	vld [tilespmem:s28+$0x150]  }
0x26c: {  	v18 =	vld [tilespmem:s28+$0x100]  }
0x26d: {  	v20 =	vld [tilespmem:s28+$0x110]  }
0x26e: {  	v17 =	vld [tilespmem:s28+$0xC0]  }
0x26f: {  	v19 =	vld [tilespmem:s28+$0xD0]  }
0x270: {  	v16 =	vld [tilespmem:s28+$0x80]  }
0x271: {  	v22 =	vld [tilespmem:s28+$0x90]  }
0x272: {  	v23 =	vld [tilespmem:s28+$0x40]  }
0x273: {  	v24 =	vld [tilespmem:s28+$0x50]  }
0x274: {  	v26 =	vld [tilespmem:s28+$0x0]  }
0x275: {  	v27 =	vld [tilespmem:s28+$0x10]  }
0x276: {  	v28 =	vld [tilespmem:s28+$0x20]  }
0x277: {  	v29 =	vld [tilespmem:s28+$0x30]  }
0x278: {  	v30 =	vld [tilespmem:s28+$0x60]  }
0x279: {  	v31 =	vld [tilespmem:s28+$0x70]  }
0x27a: {  	v32 =	vimm.f32 $0.0e+00;
	v33 =	vld [tilespmem:s28+$0xA0]  }
0x27b: {  	v34 =	vld [tilespmem:s28+$0xB0];
	v26 =	vadd.f32 v26, v32;
	v27 =	vadd.f32 v27, v32  }
0x27c: {  	v59 =	vld [tilespmem:s28+$0xE0];
	v28 =	vadd.f32 v28, v32;
	v29 =	vadd.f32 v29, v32  }
0x27d: {  	v23 =	vadd.f32 v23, v26;
	v24 =	vadd.f32 v24, v27;
	v26 =	vld [tilespmem:s28+$0xF0]  }
0x27e: {  	v61 =	vld [tilespmem:s28+$0x120];
	v27 =	vadd.f32 v30, v28;
	v60 =	vadd.f32 v31, v29  }
0x27f: {  	v23 =	vadd.f32 v16, v23;
	v22 =	vadd.f32 v22, v24;
	v24 =	vld [tilespmem:s28+$0x130]  }
0x280: {  	v27 =	vadd.f32 v33, v27;
	v28 =	vadd.f32 v34, v60;
	v16 =	vld [tilespmem:s28+$0x160]  }
0x281: {  	v23 =	vadd.f32 v17, v23;
	v22 =	vadd.f32 v19, v22;
	v19 =	vld [tilespmem:s28+$0x170]  }
0x282: {  	v27 =	vadd.f32 v59, v27;
	v17 =	vld [tilespmem:s28+$0x1A0];
	v26 =	vadd.f32 v26, v28  }
0x283: {  	v62 =	vadd.f32 v18, v23;
	v63 =	vadd.f32 v20, v22;
	v20 =	vld [tilespmem:s28+$0x1B0]  }
0x284: {  	v22 =	vadd.f32 v61, v27;
	v18 =	vld [tilespmem:s28+$0x1E0];
	v23 =	vadd.f32 v24, v26  }
0x285: {  	s26 =	simm.s32 $0x0;
	v24 =	vadd.f32 v21, v62;
	v25 =	vadd.f32 v25, v63;
	v21 =	vld [tilespmem:s28+$0x1F0];
	s28 =	simm.s32 $0x11C80  }
.LBB2_9:
0x286: {  	v26 =	vld [tilespmem:s28+$0x1C0];
	v16 =	vadd.f32 v16, v22;
	v19 =	vadd.f32 v19, v23  }
0x287: {  	v22 =	vld [tilespmem:s28+$0x1D0];
	v23 =	vadd.f32 v14, v24;
	v24 =	vadd.f32 v15, v25  }
0x288: {  	v14 =	vld [tilespmem:s28+$0x180];
	v16 =	vadd.f32 v17, v16;
	v17 =	vadd.f32 v20, v19  }
0x289: {  	v15 =	vld [tilespmem:s28+$0x190];
	v19 =	vadd.f32 v12, v23;
	v20 =	vadd.f32 v13, v24  }
0x28a: {  	v24 =	vld [tilespmem:s28+$0x140];
	v16 =	vadd.f32 v18, v16;
	v17 =	vadd.f32 v21, v17  }
0x28b: {  	v21 =	vld [tilespmem:s28+$0x150];
	v12 =	vmov v26  }
0x28c: {  	v18 =	vld [tilespmem:s28+$0x100];
	v13 =	vmov v22  }
0x28d: {  	v22 =	vld [tilespmem:s28+$0x110]  }
0x28e: {  	v23 =	vld [tilespmem:s28+$0xC0]  }
0x28f: {  	v25 =	vld [tilespmem:s28+$0xD0]  }
0x290: {  	v26 =	vld [tilespmem:s28+$0x80]  }
0x291: {  	v27 =	vld [tilespmem:s28+$0x90]  }
0x292: {  	v28 =	vld [tilespmem:s28+$0x40]  }
0x293: {  	v29 =	vld [tilespmem:s28+$0x50]  }
0x294: {  	v30 =	vld [tilespmem:s28+$0x0]  }
0x295: {  	v31 =	vld [tilespmem:s28+$0x10]  }
0x296: {  	v32 =	vld [tilespmem:s28+$0x20]  }
0x297: {  	s26 =	sadd.s32 $0x8, s26;
	v33 =	vld [tilespmem:s28+$0x30]  }
0x298: {  	p1 =	slt.u32 s26, $0xC0;
	v34 =	vld [tilespmem:s28+$0x60]  }
0x299: {  	v35 =	vld [tilespmem:s28+$0x70]  }
0x29a: {  	v36 =	vld [tilespmem:s28+$0xA0]  }
0x29b: {  	v19 =	vadd.f32 v30, v19;
	v20 =	vadd.f32 v31, v20;
	v30 =	vld [tilespmem:s28+$0xB0]  }
0x29c: {  	v16 =	vadd.f32 v32, v16;
	v17 =	vadd.f32 v33, v17;
	v31 =	vld [tilespmem:s28+$0xE0]  }
0x29d: {  	v19 =	vadd.f32 v28, v19;
	v20 =	vadd.f32 v29, v20;
	v28 =	vld [tilespmem:s28+$0xF0]  }
0x29e: {  	v16 =	vadd.f32 v34, v16;
	v17 =	vadd.f32 v35, v17;
	v29 =	vld [tilespmem:s28+$0x120]  }
0x29f: {  	v19 =	vadd.f32 v26, v19;
	v20 =	vadd.f32 v27, v20;
	v26 =	vld [tilespmem:s28+$0x130]  }
0x2a0: {  	v27 =	vadd.f32 v36, v16;
	v17 =	vadd.f32 v30, v17;
	v16 =	vld [tilespmem:s28+$0x160]  }
.Ltmp5:
0x2a1: {  	v23 =	vadd.f32 v23, v19;
	v20 =	vadd.f32 v25, v20;
	v19 =	vld [tilespmem:s28+$0x170];
	(pc) =	sbr.rel @p1 .LBB2_9-.Ltmp5, $4  }
0x2a2: {  	v25 =	vadd.f32 v31, v27;
	v27 =	vadd.f32 v28, v17;
	v17 =	vld [tilespmem:s28+$0x1A0]  }
0x2a3: {  	v28 =	vadd.f32 v18, v23;
	v30 =	vadd.f32 v22, v20;
	v20 =	vld [tilespmem:s28+$0x1B0]  }
0x2a4: {  	v22 =	vadd.f32 v29, v25;
	v23 =	vadd.f32 v26, v27;
	v18 =	vld [tilespmem:s28+$0x1E0]  }
0x2a5: {  	v24 =	vadd.f32 v24, v28;
	v25 =	vadd.f32 v21, v30;
	v21 =	vld [tilespmem:s28+$0x1F0];
	s28 =	sadd.s32 $0x200, s28  }
0x2a6: {  	v26 =	vld [tilespmem:s25+$0x6540]  }
0x2a7: {  	v16 =	vadd.f32 v16, v22;
	v44 =	vld [tilespmem:s25+$0x6550]  }
0x2a8: {  	v14 =	vadd.f32 v14, v24;
	v15 =	vadd.f32 v15, v25  }
0x2a9: {  	v19 =	vadd.f32 v19, v23;
	v47 =	vld [tilespmem:s25+$0x6570];
	v16 =	vadd.f32 v17, v16  }
0x2aa: {  	v45 =	vld [tilespmem:s25+$0x6560];
	v12 =	vadd.f32 v12, v14;
	v13 =	vadd.f32 v13, v15  }
0x2ab: {  	v46 =	vadd.f32 v20, v19  }
0x2ac: {  	v48 =	vadd.f32 v18, v16;
	v50 =	vmul.f32 v26, v12;
	v51 =	vmul.f32 v44, v13  }
0x2ad: {  	v49 =	vadd.f32 v21, v46;
	v12 =	vmul.f32 v12, v12;
	v13 =	vmul.f32 v13, v13  }
0x2ae: {  	v14 =	vnsel vm0, $0x0, v47;
	v53 =	vmul.f32 v26, v26;
	v54 =	vmul.f32 v44, v44  }
0x2af: {  	v57 =	vmul.f32 v45, v45;
	v52 =	vmul.f32 v45, v48;
	v17 =	vadd.f32 v51, v50  }
0x2b0: {  	v16 =	vnsel vm0, $0x0, v49;
	v55 =	vmul.f32 v48, v48;
	v12 =	vadd.f32 v13, v12  }
0x2b1: {  	v56 =	vmul.f32 v14, v16;
	v18 =	vadd.f32 v54, v53;
	v17 =	vadd.f32 v52, v17  }
0x2b2: {  	v58 =	vmul.f32 v16, v16;
	v12 =	vadd.f32 v55, v12  }
0x2b3: {  	v14 =	vmul.f32 v14, v14;
	v59 =	vadd.f32 v57, v18;
	v15 =	vadd.f32 v56, v17  }
0x2b4: {  	v12 =	vadd.f32 v58, v12  }
0x2b5: {  	v60 =	vadd.f32 v14, v59;
	(xrf2) =	vadd.scan.msk.f32 $0xffff, v15  }
0x2b6: {  	(xrf2) =	vadd.scan.msk.f32 $0xffff, v12  }
0x2b7: {  	(xrf2) =	vadd.scan.msk.f32 $0xffff, v60;
	_ =	sdelay $0x7  }
0x2b8: {  	v61, _, _ =	vpop (xrf2)  }
0x2b9: {  	v62, _, _ =	vpop (xrf2)  }
0x2ba: {  	v63, _, _ =	vpop (xrf2)  }
0x2bb: {  	v14 =	vbroadcast v63, $0xF  }
.Ltmp6:
0x2bc: {  	v13 =	vbroadcast v62, $0xF;
	(pc) =	sbr.rel @p0 .LBB2_12-.Ltmp6, $4  }
0x2bd: {  	v12 =	vbroadcast v61, $0xF;
	v14 =	vnsel vm1, $0x0, v14  }
0x2be: {  	s30 =	sor.u32 $0xC0, s25;
	v13 =	vsel vm2, v14, v13  }
0x2bf: {  	s25 =	sshrl.u32 s30, $0x2;
	v12 =	vsel vm3, v13, v12  }
0x2c0: {  	[tilespmem:s25+$0x14C80] =	vst v12  }
0x2c1: {  	s25 =	smul.u32 $0xC80, s24;
	_ =	sdelay $0x1  }
.Ltmp7:
0x2c2: {  	s25 =	sshra.s32 s25, $0x2;
	(pc) =	sbr.rel .LBB2_2-.Ltmp7, $4  }
0x2c3: {  	s26 =	sadd.s32 $0x578, s25  }
0x2c4: {  	[tilespmem:s1], [sflag:$0x5] =	stream.indirect.gather [hbm4b:s3+s18], $0x40, s26, s18, $0xb8;
	[tilespmem:$0x15520] =	vst v63  }
0x2c5: {  	s24 =	sadd.s32 $0x1, s24;
	s25 =	sadd.s32 $0x5E0, s25  }
0x2c6: {  	[tilespmem:s13], [sflag:$0x5] =	stream.indirect.gather [hbm4b:s3+s20], $0x40, s25, s20, $0xb8;
	[tilespmem:$0x15520] =	vst v63  }
.LBB2_13:
0x2c7: {  	_ =	sfence.sel $0x180000  }
0x2c8: {  	[bflag:$0x0] =	sbarrier.arrive $0xFFFF  }
0x2c9: {  	_ =	strace $0x9000004A  }
0x2ca: {  	s0 =	stileid.u32;
	[bflag:$0x2] =	sbarrier.arrive $0xFFFF  }
0x2cb: {  	p0 =	sne.s32 s0, $0x0;
	s0 =	rddreg [dreg:$0x3]  }
0x2cc: {  	s0 =	sadd.s32 @!p0 $0x100000, s0  }
0x2cd: {  	[sflag:s0] =	ssyncadd.tile.s32 @!p0 $0x1;
	_ =	shalt  }
.Lfunc_end2:
_tile_overlayer_lowered:
.L_overlay_start_2:
0x2ce: {  	(tag) =	ssettag $0x2  }
0x2cf: {  	s0 =	rddreg [dreg:$0x0];
	s2 =	stileid.u32  }
0x2d0: {  	s1 =	rddreg [dreg:$0x1];
	p0 =	sne.s32 s2, $0x0  }
0x2d1: {  	s3 =	rddreg [dreg:$0x2];
	[bflag:$0x3] =	sbarrier.arrive $0xFFFF;
	s2 =	simm.s32 @!p0 $0x1C06  }
0x2d2: {  	[timem:s3], [sflag:s2] =	dma.local @!p0 [hbm:s0], s1  }
0x2d3: {  	s0 =	simm.s32 @!p0 $0x6  }
0x2d4: {  	_ =	swait.ge @!p0 [sflag:s0], s1  }
0x2d5: {  	s1 =	ssub.s32 @!p0 $0x0, s1;
	[sflag:s0] =	ssyncset.done @!p0 $0x0  }
0x2d6: {  	[sflag:s0] =	ssyncadd.s32 @!p0 s1  }
0x2d7: {  	[bflag:$0x3] =	sbarrier.arrive $0xFFFF  }
0x2d8: {  	_ =	shalt  }

</sc_bundles>
